<compile_context>
chip_gen: v7x
topology: tpu7x:2x2x1
jax: 0.10.2.dev20260603
libtpu: 0.0.44.dev20260713+nightly
codegen_flags: <defaults>
</compile_context>

<pallas_src>
import functools

import jax
import jax.numpy as jnp
from jax import lax
from jax.experimental import pallas as pl
from jax.experimental.pallas import tpu as pltpu
from jax.experimental.pallas import tpu_sc as plsc

N = 10000
E = 320000
D = 128
DP = 144

_NW = 32
_EPW = E // _NW
_C = 40
_GC = _C // 8
_SCH = 25
_SCE = _SCH * _C
_NCHUNK = _EPW // _C
_NPAD = 10240
_RPT = _NPAD // 16
_ZR = _C


def _prep_node_body(nf_ref, wes_ref, wed_ref, ps_ref, pd_ref):
    nf = nf_ref[...]
    ps_ref[...] = jnp.dot(nf, wes_ref[...], preferred_element_type=jnp.float32)
    pd_ref[...] = jnp.dot(nf, wed_ref[...], preferred_element_type=jnp.float32)


def _prep_node(nf, wes, wed):
    BN = 2000
    return pl.pallas_call(
        _prep_node_body,
        grid=(N // BN,),
        in_specs=[
            pl.BlockSpec((BN, 128), lambda i: (i, 0)),
            pl.BlockSpec((128, DP), lambda i: (0, 0)),
            pl.BlockSpec((128, DP), lambda i: (0, 0)),
        ],
        out_specs=[
            pl.BlockSpec((BN, DP), lambda i: (i, 0)),
            pl.BlockSpec((BN, DP), lambda i: (i, 0)),
        ],
        out_shape=[
            jax.ShapeDtypeStruct((N, DP), jnp.float32),
            jax.ShapeDtypeStruct((N, DP), jnp.float32),
        ],
    )(nf, wes, wed)


def _prep_edge_body(ef8_ref, w3s_ref, be_ref, wg_ref, bg_ref, eff_ref):
    ef8 = ef8_ref[...]
    for b in range(8):
        eff_ref[b] = (
            jnp.dot(ef8, w3s_ref[b], preferred_element_type=jnp.float32)
            + be_ref[...]
        )
    eff_ref[8] = (
        jnp.dot(ef8, wg_ref[...], preferred_element_type=jnp.float32)
        + bg_ref[...]
    )


def _prep_edge(ef8, w3s, be, wg, bg):
    BE = 8000
    return pl.pallas_call(
        _prep_edge_body,
        grid=(E // BE,),
        in_specs=[
            pl.BlockSpec((BE // 8, 128), lambda i: (i, 0)),
            pl.BlockSpec((8, 128, 128), lambda i: (0, 0, 0)),
            pl.BlockSpec((1, 128), lambda i: (0, 0)),
            pl.BlockSpec((128, 128), lambda i: (0, 0)),
            pl.BlockSpec((1, 128), lambda i: (0, 0)),
        ],
        out_specs=pl.BlockSpec((9, BE // 8, 128), lambda i: (0, i, 0)),
        out_shape=jax.ShapeDtypeStruct((9, E // 8, 128), jnp.float32),
    )(ef8, w3s, be, wg, bg)


def _sc_body(
    ps_hbm, pd_hbm, eff_hbm, src_hbm, dst_hbm,
    uef_hbm, p0_hbm, p1_hbm,
    sidxL, didxL, psv0, psv1, pdv0, pdv1, effv0, effv1,
    outv0, outv1, agg,
    semi0, semg0, semg1, semo0, semo1,
):
    c = lax.axis_index("c")
    s = lax.axis_index("s")
    wid = c * 16 + s
    base_k = wid * _NCHUNK
    base_e = wid * _EPW
    nbase = s * _RPT

    psv = (psv0, psv1)
    pdv = (pdv0, pdv1)
    effv = (effv0, effv1)
    outv = (outv0, outv1)
    semg = (semg0, semg1)
    semo = (semo0, semo1)

    def issue_inputs(sl, n, i):
        k = base_k + n * _SCH + i
        pltpu.async_copy(
            ps_hbm.at[sidxL.at[pl.ds(i * _C, _C)]], psv[sl], semg[sl]
        )
        pltpu.async_copy(
            pd_hbm.at[didxL.at[pl.ds(i * _C, _C)]], pdv[sl], semg[sl]
        )
        pltpu.async_copy(eff_hbm.at[:, pl.ds(k * _GC, _GC)], effv[sl], semg[sl])

    def wait_inputs(sl):
        pltpu.make_async_copy(ps_hbm.at[pl.ds(0, _C)], psv[sl], semg[sl]).wait()
        pltpu.make_async_copy(pd_hbm.at[pl.ds(0, _C)], pdv[sl], semg[sl]).wait()
        pltpu.make_async_copy(
            eff_hbm.at[:, pl.ds(0, _GC)], effv[sl], semg[sl]
        ).wait()

    def wait_out(sl):
        pltpu.make_async_copy(outv[sl], uef_hbm.at[pl.ds(0, _C)], semo[sl]).wait()

    def compute(sl):
        psv_, pdv_, effv_, outv_ = psv[sl], pdv[sl], effv[sl], outv[sl]

        @plsc.parallel_loop(0, _C, unroll=4)
        def _edge(e):
            b = e % 8
            rr = e // 8
            dsa = pl.ds(128, 16)
            x = psv_[e, dsa] + pdv_[e, dsa] + effv_[8, rr, pl.ds(b * 16, 16)]
            av = 1.0 / (1.0 + jnp.exp(-x))
            for j in range(8):
                dsj = pl.ds(j * 16, 16)
                outv_[e, dsj] = av * (
                    psv_[e, dsj] + pdv_[e, dsj] + effv_[b, rr, dsj]
                )

    def _zrow(r, carry):
        for j in range(8):
            outv0[r, pl.ds(j * 16, 16)] = jnp.zeros((16,), jnp.float32)
        return carry

    lax.fori_loop(0, _ZR, _zrow, 0)
    for k in range(_RPT // _ZR):
        pltpu.async_copy(outv0, agg.at[pl.ds(nbase + _ZR * k, _ZR)], semi0)
    for k in range(_RPT // _ZR):
        pltpu.make_async_copy(outv0, agg.at[pl.ds(nbase, _ZR)], semi0).wait()
    plsc.subcore_barrier()

    def _sch(n, carry):
        pltpu.sync_copy(src_hbm.at[pl.ds(base_e + n * _SCE, _SCE)], sidxL)
        pltpu.sync_copy(dst_hbm.at[pl.ds(base_e + n * _SCE, _SCE)], didxL)
        issue_inputs(0, n, 0)

        def _pair(g, carry2):
            for sl in (0, 1):
                i = 2 * g + sl
                s2 = 1 - sl
                m = n * _SCH + i

                @pl.when(i < _SCH)
                def _sub():
                    @pl.when(i + 1 < _SCH)
                    def _prefetch():
                        issue_inputs(s2, n, i + 1)

                    wait_inputs(sl)

                    @pl.when(m >= 2)
                    def _drain_out():
                        wait_out(sl)

                    compute(sl)
                    pltpu.async_copy(
                        outv[sl],
                        uef_hbm.at[pl.ds((base_k + m) * _C, _C)],
                        semo[sl],
                    )
                    pltpu.sync_copy(
                        outv[sl], agg.at[didxL.at[pl.ds(i * _C, _C)]], add=True
                    )

            return carry2

        lax.fori_loop(0, (_SCH + 1) // 2, _pair, 0)
        return carry

    lax.fori_loop(0, _NCHUNK // _SCH, _sch, 0)
    wait_out(0)
    wait_out(1)

    plsc.subcore_barrier()
    for k in range(_RPT // _ZR):
        sel = pl.ds(nbase + _ZR * k, _ZR)

        @pl.when(c == 0)
        def _dump0():
            pltpu.async_copy(agg.at[sel], p0_hbm.at[sel], semi0)

        @pl.when(c == 1)
        def _dump1():
            pltpu.async_copy(agg.at[sel], p1_hbm.at[sel], semi0)

    for k in range(_RPT // _ZR):
        pltpu.make_async_copy(
            agg.at[pl.ds(nbase, _ZR)], p0_hbm.at[pl.ds(nbase, _ZR)], semi0
        ).wait()


_sc_edges = functools.partial(
    pl.kernel,
    mesh=plsc.VectorSubcoreMesh(core_axis_name="c", subcore_axis_name="s"),
    compiler_params=pltpu.CompilerParams(use_tc_tiling_on_sc=False),
    out_type=[
        jax.ShapeDtypeStruct((E, 128), jnp.float32),
        jax.ShapeDtypeStruct((_NPAD, 128), jnp.float32),
        jax.ShapeDtypeStruct((_NPAD, 128), jnp.float32),
    ],
    scratch_types=[
        pltpu.VMEM((_SCE,), jnp.int32),
        pltpu.VMEM((_SCE,), jnp.int32),
        pltpu.VMEM((_C, DP), jnp.float32),
        pltpu.VMEM((_C, DP), jnp.float32),
        pltpu.VMEM((_C, DP), jnp.float32),
        pltpu.VMEM((_C, DP), jnp.float32),
        pltpu.VMEM((9, _GC, 128), jnp.float32),
        pltpu.VMEM((9, _GC, 128), jnp.float32),
        pltpu.VMEM((_C, 128), jnp.float32),
        pltpu.VMEM((_C, 128), jnp.float32),
        pltpu.VMEM_SHARED((_NPAD, 128), jnp.float32),
        pltpu.SemaphoreType.DMA,
        pltpu.SemaphoreType.DMA,
        pltpu.SemaphoreType.DMA,
        pltpu.SemaphoreType.DMA,
        pltpu.SemaphoreType.DMA,
    ],
)(_sc_body)


def _node_out_body(p0_ref, p1_ref, nf_ref, wn1_ref, wn2_ref, bn_ref, out_ref):
    agg = p0_ref[...] + p1_ref[...]
    out_ref[...] = (
        jnp.dot(agg, wn1_ref[...], preferred_element_type=jnp.float32)
        + jnp.dot(nf_ref[...], wn2_ref[...], preferred_element_type=jnp.float32)
        + bn_ref[...]
    )


def _node_out(p0, p1, nf, wn1, wn2, bn):
    BN = 2000
    return pl.pallas_call(
        _node_out_body,
        grid=(N // BN,),
        in_specs=[
            pl.BlockSpec((BN, 128), lambda i: (i, 0)),
            pl.BlockSpec((BN, 128), lambda i: (i, 0)),
            pl.BlockSpec((BN, 128), lambda i: (i, 0)),
            pl.BlockSpec((128, 128), lambda i: (0, 0)),
            pl.BlockSpec((128, 128), lambda i: (0, 0)),
            pl.BlockSpec((1, 128), lambda i: (0, 0)),
        ],
        out_specs=pl.BlockSpec((BN, 128), lambda i: (i, 0)),
        out_shape=jax.ShapeDtypeStruct((N, 128), jnp.float32),
    )(p0, p1, nf, wn1, wn2, bn)


def kernel(nf, ef, edge_index, W_e, b_e, W_a, b_a, W_n, b_n):
    src = edge_index[0].astype(jnp.int32)
    dst = edge_index[1].astype(jnp.int32)
    wes = jnp.concatenate([W_e[:128]] + [W_a[:128]] * 16, axis=1)
    wed = jnp.concatenate([W_e[128:256]] + [W_a[128:256]] * 16, axis=1)
    wg = jnp.kron(jnp.eye(8, dtype=jnp.float32), W_a[256:] @ jnp.ones((1, 16)))
    bg = jnp.full((1, 128), b_a[0], jnp.float32)
    w3s = jnp.zeros((8, 128, 128), jnp.float32)
    for b in range(8):
        w3s = w3s.at[b, 16 * b : 16 * b + 16, :].set(W_e[256:])

    ps, pd = _prep_node(nf, wes, wed)
    eff = _prep_edge(ef.reshape(E // 8, 128), w3s, b_e.reshape(1, 128), wg, bg)

    uef, p0, p1 = _sc_edges(ps, pd, eff, src, dst)
    unf = _node_out(p0, p1, nf, W_n[:128], W_n[128:], b_n.reshape(1, 128))
    return unf, uef

# --- scband reference (transcript-rebuilt; emitter-appended) ---
"""Pipeline reference for scband-mpnn-91285234909505 (READ-ONLY COPY).

The authoritative reference and input builder live on the scoring server;
editing this copy changes nothing except your own understanding.
"""

import jax, jax.numpy as jnp
import numpy as np

N_NODES = 10000
N_EDGES = 320000
D_FEAT = 128
D_EDGE = 16

def setup_inputs(seed: int = 0) -> dict:
    key = jax.random.key(seed)
    ks = jax.random.split(key, 10)
    nf = jax.random.normal(ks[0], (N_NODES, D_FEAT), dtype=jnp.float32)
    ef = jax.random.normal(ks[1], (N_EDGES, D_EDGE), dtype=jnp.float32)
    edge_index = jax.random.randint(ks[2], (2, N_EDGES), 0, N_NODES, dtype=jnp.int64 if jax.config.jax_enable_x64 else jnp.int32)
    d_in_e = 2 * D_FEAT + D_EDGE  # 272
    d_in_n = 2 * D_FEAT           # 256
    W_e = jax.random.normal(ks[3], (d_in_e, D_FEAT), dtype=jnp.float32) * (1.0 / np.sqrt(d_in_e))
    b_e = jnp.zeros((D_FEAT,), dtype=jnp.float32)
    W_a = jax.random.normal(ks[4], (d_in_e, 1), dtype=jnp.float32) * (1.0 / np.sqrt(d_in_e))
    b_a = jnp.zeros((1,), dtype=jnp.float32)
    W_n = jax.random.normal(ks[5], (d_in_n, D_FEAT), dtype=jnp.float32) * (1.0 / np.sqrt(d_in_n))
    b_n = jnp.zeros((D_FEAT,), dtype=jnp.float32)
    return {"nf": nf, "ef": ef, "edge_index": edge_index,
            "W_e": W_e, "b_e": b_e, "W_a": W_a, "b_a": b_a, "W_n": W_n, "b_n": b_n}

def reference(nf, ef, edge_index, W_e, b_e, W_a, b_a, W_n, b_n):
    src, dst = edge_index[0], edge_index[1]
    sender_nf = jnp.take(nf, src, axis=0)    # [E, d_feat] gather
    receiver_nf = jnp.take(nf, dst, axis=0)  # [E, d_feat] gather
    e_in = jnp.concatenate([sender_nf, receiver_nf, ef], axis=-1)  # [E, 272]
    e_out = e_in @ W_e + b_e                 # edge_model
    a_e = jax.nn.sigmoid(e_in @ W_a + b_a)   # attn_model + sigmoid gate
    updated_ef = a_e * e_out                 # [E, d_feat] messages
    agg_m = jax.ops.segment_sum(updated_ef, dst, num_segments=N_NODES)  # scatter-add reduce
    n_in = jnp.concatenate([agg_m, nf], axis=-1)  # [N, 256]
    updated_nf = n_in @ W_n + b_n            # node_model
    return (updated_nf, updated_ef)

if __name__ == "__main__":
    import jax
    _d = setup_inputs()
    print(jax.jit(kernel)(*tuple(_d.values())))

</pallas_src>

<mosaic_0001>
#map = affine_map<(d0, d1) -> (0, 0)>
#map1 = affine_map<(d0, d1) -> (0, 0, 0)>
#map2 = affine_map<(d0, d1) -> (0)>
module attributes {stable_mosaic.version = 14 : i64} {
  func.func @_sc_body(%arg0: i32, %arg1: i32, %arg2: memref<10000x144xf32, #tpu.memory_space<hbm>>, %arg3: memref<10000x144xf32, #tpu.memory_space<hbm>>, %arg4: memref<9x40000x128xf32, #tpu.memory_space<hbm>>, %arg5: memref<320000xi32, #tpu.memory_space<hbm>>, %arg6: memref<320000xi32, #tpu.memory_space<hbm>>, %arg7: memref<320000x128xf32, #tpu.memory_space<hbm>>, %arg8: memref<10240x128xf32, #tpu.memory_space<hbm>>, %arg9: memref<10240x128xf32, #tpu.memory_space<hbm>>, %arg10: memref<1000xi32, #tpu.memory_space<vmem>>, %arg11: memref<1000xi32, #tpu.memory_space<vmem>>, %arg12: memref<40x144xf32, #tpu.memory_space<vmem>>, %arg13: memref<40x144xf32, #tpu.memory_space<vmem>>, %arg14: memref<40x144xf32, #tpu.memory_space<vmem>>, %arg15: memref<40x144xf32, #tpu.memory_space<vmem>>, %arg16: memref<9x5x128xf32, #tpu.memory_space<vmem>>, %arg17: memref<9x5x128xf32, #tpu.memory_space<vmem>>, %arg18: memref<40x128xf32, #tpu.memory_space<vmem>>, %arg19: memref<40x128xf32, #tpu.memory_space<vmem>>, %arg20: memref<10240x128xf32, #tpu.memory_space<vmem_shared>>, %arg21: memref<!tpu.dma_semaphore, #tpu.memory_space<semaphore_mem>>, %arg22: memref<!tpu.dma_semaphore, #tpu.memory_space<semaphore_mem>>, %arg23: memref<!tpu.dma_semaphore, #tpu.memory_space<semaphore_mem>>, %arg24: memref<!tpu.dma_semaphore, #tpu.memory_space<semaphore_mem>>, %arg25: memref<!tpu.dma_semaphore, #tpu.memory_space<semaphore_mem>>) attributes {dimension_semantics = [#tpu.dimension_semantics<core_parallel>, #tpu.dimension_semantics<subcore_parallel>], iteration_bounds = array<i64: 2, 16>, scalar_prefetch = 0 : i64, scratch_operands = 16 : i64, tpu.core_type = #tpu.core_type<sc_vector_subcore>, window_params = [{transform_indices = #map}, {transform_indices = #map}, {transform_indices = #map1}, {transform_indices = #map2}, {transform_indices = #map2}, {transform_indices = #map}, {transform_indices = #map}, {transform_indices = #map}]} {
    %mul3A = arith.constant 16 : i32
    %mul3A_0 = arith.muli %arg0, %mul3A : i32
    %add3A = arith.addi %mul3A_0, %arg1 : i32
    %mul3A_1 = arith.constant 250 : i32
    %mul3A_2 = arith.muli %add3A, %mul3A_1 : i32
    %mul3A_3 = arith.constant 10000 : i32
    %mul3A_4 = arith.muli %add3A, %mul3A_3 : i32
    %mul3A_5 = arith.constant 640 : i32
    %mul3A_6 = arith.muli %arg1, %mul3A_5 : i32
    %scan3A = arith.constant 0 : i32
    %scan3A_7 = arith.constant 0 : i32
    %scan3A_8 = arith.constant 40 : i32
    %scan3A_9 = arith.addi %scan3A_7, %scan3A_8 : i32
    %scan3A_10 = arith.constant 1 : i32
    scf.for %scan3A_442 = %scan3A_7 to %scan3A_9 step %scan3A_10  : i32 {
      %broadcast_in_dim3A = arith.constant 0.000000e+00 : f32
      %broadcast_in_dim3A_443 = vector.broadcast %broadcast_in_dim3A : f32 to vector<16xf32>
      %swap3A = arith.index_cast %scan3A_442 : i32 to index
      %swap3A_444 = arith.constant 0 : index
      %swap3A_445 = tpu.vector_load %arg18[%swap3A, %swap3A_444] {strides = array<i32>} : memref<40x128xf32, #tpu.memory_space<vmem>>, vector<1x16xf32>,
      %swap3A_446 = vector.shape_cast %swap3A_445 : vector<1x16xf32> to vector<16xf32>
      %swap3A_447 = vector.shape_cast %broadcast_in_dim3A_443 : vector<16xf32> to vector<1x16xf32>
      tpu.vector_store %arg18[%swap3A, %swap3A_444], %swap3A_447 {strides = array<i32>} : memref<40x128xf32, #tpu.memory_space<vmem>>, vector<1x16xf32>,
      %broadcast_in_dim3A_448 = arith.constant 0.000000e+00 : f32
      %broadcast_in_dim3A_449 = vector.broadcast %broadcast_in_dim3A_448 : f32 to vector<16xf32>
      %swap3A_450 = arith.index_cast %scan3A_442 : i32 to index
      %swap3A_451 = arith.constant 16 : index
      %swap3A_452 = tpu.vector_load %arg18[%swap3A_450, %swap3A_451] {strides = array<i32>} : memref<40x128xf32, #tpu.memory_space<vmem>>, vector<1x16xf32>,
      %swap3A_453 = vector.shape_cast %swap3A_452 : vector<1x16xf32> to vector<16xf32>
      %swap3A_454 = vector.shape_cast %broadcast_in_dim3A_449 : vector<16xf32> to vector<1x16xf32>
      tpu.vector_store %arg18[%swap3A_450, %swap3A_451], %swap3A_454 {strides = array<i32>} : memref<40x128xf32, #tpu.memory_space<vmem>>, vector<1x16xf32>,
      %broadcast_in_dim3A_455 = arith.constant 0.000000e+00 : f32
      %broadcast_in_dim3A_456 = vector.broadcast %broadcast_in_dim3A_455 : f32 to vector<16xf32>
      %swap3A_457 = arith.index_cast %scan3A_442 : i32 to index
      %swap3A_458 = arith.constant 32 : index
      %swap3A_459 = tpu.vector_load %arg18[%swap3A_457, %swap3A_458] {strides = array<i32>} : memref<40x128xf32, #tpu.memory_space<vmem>>, vector<1x16xf32>,
      %swap3A_460 = vector.shape_cast %swap3A_459 : vector<1x16xf32> to vector<16xf32>
      %swap3A_461 = vector.shape_cast %broadcast_in_dim3A_456 : vector<16xf32> to vector<1x16xf32>
      tpu.vector_store %arg18[%swap3A_457, %swap3A_458], %swap3A_461 {strides = array<i32>} : memref<40x128xf32, #tpu.memory_space<vmem>>, vector<1x16xf32>,
      %broadcast_in_dim3A_462 = arith.constant 0.000000e+00 : f32
      %broadcast_in_dim3A_463 = vector.broadcast %broadcast_in_dim3A_462 : f32 to vector<16xf32>
      %swap3A_464 = arith.index_cast %scan3A_442 : i32 to index
      %swap3A_465 = arith.constant 48 : index
      %swap3A_466 = tpu.vector_load %arg18[%swap3A_464, %swap3A_465] {strides = array<i32>} : memref<40x128xf32, #tpu.memory_space<vmem>>, vector<1x16xf32>,
      %swap3A_467 = vector.shape_cast %swap3A_466 : vector<1x16xf32> to vector<16xf32>
      %swap3A_468 = vector.shape_cast %broadcast_in_dim3A_463 : vector<16xf32> to vector<1x16xf32>
      tpu.vector_store %arg18[%swap3A_464, %swap3A_465], %swap3A_468 {strides = array<i32>} : memref<40x128xf32, #tpu.memory_space<vmem>>, vector<1x16xf32>,
      %broadcast_in_dim3A_469 = arith.constant 0.000000e+00 : f32
      %broadcast_in_dim3A_470 = vector.broadcast %broadcast_in_dim3A_469 : f32 to vector<16xf32>
      %swap3A_471 = arith.index_cast %scan3A_442 : i32 to index
      %swap3A_472 = arith.constant 64 : index
      %swap3A_473 = tpu.vector_load %arg18[%swap3A_471, %swap3A_472] {strides = array<i32>} : memref<40x128xf32, #tpu.memory_space<vmem>>, vector<1x16xf32>,
      %swap3A_474 = vector.shape_cast %swap3A_473 : vector<1x16xf32> to vector<16xf32>
      %swap3A_475 = vector.shape_cast %broadcast_in_dim3A_470 : vector<16xf32> to vector<1x16xf32>
      tpu.vector_store %arg18[%swap3A_471, %swap3A_472], %swap3A_475 {strides = array<i32>} : memref<40x128xf32, #tpu.memory_space<vmem>>, vector<1x16xf32>,
      %broadcast_in_dim3A_476 = arith.constant 0.000000e+00 : f32
      %broadcast_in_dim3A_477 = vector.broadcast %broadcast_in_dim3A_476 : f32 to vector<16xf32>
      %swap3A_478 = arith.index_cast %scan3A_442 : i32 to index
      %swap3A_479 = arith.constant 80 : index
      %swap3A_480 = tpu.vector_load %arg18[%swap3A_478, %swap3A_479] {strides = array<i32>} : memref<40x128xf32, #tpu.memory_space<vmem>>, vector<1x16xf32>,
      %swap3A_481 = vector.shape_cast %swap3A_480 : vector<1x16xf32> to vector<16xf32>
      %swap3A_482 = vector.shape_cast %broadcast_in_dim3A_477 : vector<16xf32> to vector<1x16xf32>
      tpu.vector_store %arg18[%swap3A_478, %swap3A_479], %swap3A_482 {strides = array<i32>} : memref<40x128xf32, #tpu.memory_space<vmem>>, vector<1x16xf32>,
      %broadcast_in_dim3A_483 = arith.constant 0.000000e+00 : f32
      %broadcast_in_dim3A_484 = vector.broadcast %broadcast_in_dim3A_483 : f32 to vector<16xf32>
      %swap3A_485 = arith.index_cast %scan3A_442 : i32 to index
      %swap3A_486 = arith.constant 96 : index
      %swap3A_487 = tpu.vector_load %arg18[%swap3A_485, %swap3A_486] {strides = array<i32>} : memref<40x128xf32, #tpu.memory_space<vmem>>, vector<1x16xf32>,
      %swap3A_488 = vector.shape_cast %swap3A_487 : vector<1x16xf32> to vector<16xf32>
      %swap3A_489 = vector.shape_cast %broadcast_in_dim3A_484 : vector<16xf32> to vector<1x16xf32>
      tpu.vector_store %arg18[%swap3A_485, %swap3A_486], %swap3A_489 {strides = array<i32>} : memref<40x128xf32, #tpu.memory_space<vmem>>, vector<1x16xf32>,
      %broadcast_in_dim3A_490 = arith.constant 0.000000e+00 : f32
      %broadcast_in_dim3A_491 = vector.broadcast %broadcast_in_dim3A_490 : f32 to vector<16xf32>
      %swap3A_492 = arith.index_cast %scan3A_442 : i32 to index
      %swap3A_493 = arith.constant 112 : index
      %swap3A_494 = tpu.vector_load %arg18[%swap3A_492, %swap3A_493] {strides = array<i32>} : memref<40x128xf32, #tpu.memory_space<vmem>>, vector<1x16xf32>,
      %swap3A_495 = vector.shape_cast %swap3A_494 : vector<1x16xf32> to vector<16xf32>
      %swap3A_496 = vector.shape_cast %broadcast_in_dim3A_491 : vector<16xf32> to vector<1x16xf32>
      tpu.vector_store %arg18[%swap3A_492, %swap3A_493], %swap3A_496 {strides = array<i32>} : memref<40x128xf32, #tpu.memory_space<vmem>>, vector<1x16xf32>,
    }
    %scan3A_11 = arith.constant 40 : i32
    %add3A_12 = arith.constant 0 : i32
    %add3A_13 = arith.addi %mul3A_6, %add3A_12 : i32
    %dma_start3A = arith.constant 0 : i32
    %dma_start3A_14 = tpu.memref_slice %arg20[%add3A_13, %dma_start3A] : memref<10240x128xf32, #tpu.memory_space<vmem_shared>> -> memref<40x128xf32, #tpu.memory_space<vmem_shared>>
    %dma_start3A_15 = arith.constant 0 : i32
    %dma_start3A_16 = tpu.memref_slice %arg20[%add3A_13, %dma_start3A_15] : memref<10240x128xf32, #tpu.memory_space<vmem_shared>> -> memref<40x128xf32, #tpu.memory_space<vmem_shared>>
    tpu.enqueue_dma source(%arg18 : memref<40x128xf32, #tpu.memory_space<vmem>>) target(%dma_start3A_16 : memref<40x128xf32, #tpu.memory_space<vmem_shared>>) target_semaphore(%arg21 : memref<!tpu.dma_semaphore, #tpu.memory_space<semaphore_mem>>)
    %add3A_17 = arith.constant 40 : i32
    %add3A_18 = arith.addi %mul3A_6, %add3A_17 : i32
    %dma_start3A_19 = arith.constant 0 : i32
    %dma_start3A_20 = tpu.memref_slice %arg20[%add3A_18, %dma_start3A_19] : memref<10240x128xf32, #tpu.memory_space<vmem_shared>> -> memref<40x128xf32, #tpu.memory_space<vmem_shared>>
    %dma_start3A_21 = arith.constant 0 : i32
    %dma_start3A_22 = tpu.memref_slice %arg20[%add3A_18, %dma_start3A_21] : memref<10240x128xf32, #tpu.memory_space<vmem_shared>> -> memref<40x128xf32, #tpu.memory_space<vmem_shared>>
    tpu.enqueue_dma source(%arg18 : memref<40x128xf32, #tpu.memory_space<vmem>>) target(%dma_start3A_22 : memref<40x128xf32, #tpu.memory_space<vmem_shared>>) target_semaphore(%arg21 : memref<!tpu.dma_semaphore, #tpu.memory_space<semaphore_mem>>)
    %add3A_23 = arith.constant 80 : i32
    %add3A_24 = arith.addi %mul3A_6, %add3A_23 : i32
    %dma_start3A_25 = arith.constant 0 : i32
    %dma_start3A_26 = tpu.memref_slice %arg20[%add3A_24, %dma_start3A_25] : memref<10240x128xf32, #tpu.memory_space<vmem_shared>> -> memref<40x128xf32, #tpu.memory_space<vmem_shared>>
    %dma_start3A_27 = arith.constant 0 : i32
    %dma_start3A_28 = tpu.memref_slice %arg20[%add3A_24, %dma_start3A_27] : memref<10240x128xf32, #tpu.memory_space<vmem_shared>> -> memref<40x128xf32, #tpu.memory_space<vmem_shared>>
    tpu.enqueue_dma source(%arg18 : memref<40x128xf32, #tpu.memory_space<vmem>>) target(%dma_start3A_28 : memref<40x128xf32, #tpu.memory_space<vmem_shared>>) target_semaphore(%arg21 : memref<!tpu.dma_semaphore, #tpu.memory_space<semaphore_mem>>)
    %add3A_29 = arith.constant 120 : i32
    %add3A_30 = arith.addi %mul3A_6, %add3A_29 : i32
    %dma_start3A_31 = arith.constant 0 : i32
    %dma_start3A_32 = tpu.memref_slice %arg20[%add3A_30, %dma_start3A_31] : memref<10240x128xf32, #tpu.memory_space<vmem_shared>> -> memref<40x128xf32, #tpu.memory_space<vmem_shared>>
    %dma_start3A_33 = arith.constant 0 : i32
    %dma_start3A_34 = tpu.memref_slice %arg20[%add3A_30, %dma_start3A_33] : memref<10240x128xf32, #tpu.memory_space<vmem_shared>> -> memref<40x128xf32, #tpu.memory_space<vmem_shared>>
    tpu.enqueue_dma source(%arg18 : memref<40x128xf32, #tpu.memory_space<vmem>>) target(%dma_start3A_34 : memref<40x128xf32, #tpu.memory_space<vmem_shared>>) target_semaphore(%arg21 : memref<!tpu.dma_semaphore, #tpu.memory_space<semaphore_mem>>)
    %add3A_35 = arith.constant 160 : i32
    %add3A_36 = arith.addi %mul3A_6, %add3A_35 : i32
    %dma_start3A_37 = arith.constant 0 : i32
    %dma_start3A_38 = tpu.memref_slice %arg20[%add3A_36, %dma_start3A_37] : memref<10240x128xf32, #tpu.memory_space<vmem_shared>> -> memref<40x128xf32, #tpu.memory_space<vmem_shared>>
    %dma_start3A_39 = arith.constant 0 : i32
    %dma_start3A_40 = tpu.memref_slice %arg20[%add3A_36, %dma_start3A_39] : memref<10240x128xf32, #tpu.memory_space<vmem_shared>> -> memref<40x128xf32, #tpu.memory_space<vmem_shared>>
    tpu.enqueue_dma source(%arg18 : memref<40x128xf32, #tpu.memory_space<vmem>>) target(%dma_start3A_40 : memref<40x128xf32, #tpu.memory_space<vmem_shared>>) target_semaphore(%arg21 : memref<!tpu.dma_semaphore, #tpu.memory_space<semaphore_mem>>)
    %add3A_41 = arith.constant 200 : i32
    %add3A_42 = arith.addi %mul3A_6, %add3A_41 : i32
    %dma_start3A_43 = arith.constant 0 : i32
    %dma_start3A_44 = tpu.memref_slice %arg20[%add3A_42, %dma_start3A_43] : memref<10240x128xf32, #tpu.memory_space<vmem_shared>> -> memref<40x128xf32, #tpu.memory_space<vmem_shared>>
    %dma_start3A_45 = arith.constant 0 : i32
    %dma_start3A_46 = tpu.memref_slice %arg20[%add3A_42, %dma_start3A_45] : memref<10240x128xf32, #tpu.memory_space<vmem_shared>> -> memref<40x128xf32, #tpu.memory_space<vmem_shared>>
    tpu.enqueue_dma source(%arg18 : memref<40x128xf32, #tpu.memory_space<vmem>>) target(%dma_start3A_46 : memref<40x128xf32, #tpu.memory_space<vmem_shared>>) target_semaphore(%arg21 : memref<!tpu.dma_semaphore, #tpu.memory_space<semaphore_mem>>)
    %add3A_47 = arith.constant 240 : i32
    %add3A_48 = arith.addi %mul3A_6, %add3A_47 : i32
    %dma_start3A_49 = arith.constant 0 : i32
    %dma_start3A_50 = tpu.memref_slice %arg20[%add3A_48, %dma_start3A_49] : memref<10240x128xf32, #tpu.memory_space<vmem_shared>> -> memref<40x128xf32, #tpu.memory_space<vmem_shared>>
    %dma_start3A_51 = arith.constant 0 : i32
    %dma_start3A_52 = tpu.memref_slice %arg20[%add3A_48, %dma_start3A_51] : memref<10240x128xf32, #tpu.memory_space<vmem_shared>> -> memref<40x128xf32, #tpu.memory_space<vmem_shared>>
    tpu.enqueue_dma source(%arg18 : memref<40x128xf32, #tpu.memory_space<vmem>>) target(%dma_start3A_52 : memref<40x128xf32, #tpu.memory_space<vmem_shared>>) target_semaphore(%arg21 : memref<!tpu.dma_semaphore, #tpu.memory_space<semaphore_mem>>)
    %add3A_53 = arith.constant 280 : i32
    %add3A_54 = arith.addi %mul3A_6, %add3A_53 : i32
    %dma_start3A_55 = arith.constant 0 : i32
    %dma_start3A_56 = tpu.memref_slice %arg20[%add3A_54, %dma_start3A_55] : memref<10240x128xf32, #tpu.memory_space<vmem_shared>> -> memref<40x128xf32, #tpu.memory_space<vmem_shared>>
    %dma_start3A_57 = arith.constant 0 : i32
    %dma_start3A_58 = tpu.memref_slice %arg20[%add3A_54, %dma_start3A_57] : memref<10240x128xf32, #tpu.memory_space<vmem_shared>> -> memref<40x128xf32, #tpu.memory_space<vmem_shared>>
    tpu.enqueue_dma source(%arg18 : memref<40x128xf32, #tpu.memory_space<vmem>>) target(%dma_start3A_58 : memref<40x128xf32, #tpu.memory_space<vmem_shared>>) target_semaphore(%arg21 : memref<!tpu.dma_semaphore, #tpu.memory_space<semaphore_mem>>)
    %add3A_59 = arith.constant 320 : i32
    %add3A_60 = arith.addi %mul3A_6, %add3A_59 : i32
    %dma_start3A_61 = arith.constant 0 : i32
    %dma_start3A_62 = tpu.memref_slice %arg20[%add3A_60, %dma_start3A_61] : memref<10240x128xf32, #tpu.memory_space<vmem_shared>> -> memref<40x128xf32, #tpu.memory_space<vmem_shared>>
    %dma_start3A_63 = arith.constant 0 : i32
    %dma_start3A_64 = tpu.memref_slice %arg20[%add3A_60, %dma_start3A_63] : memref<10240x128xf32, #tpu.memory_space<vmem_shared>> -> memref<40x128xf32, #tpu.memory_space<vmem_shared>>
    tpu.enqueue_dma source(%arg18 : memref<40x128xf32, #tpu.memory_space<vmem>>) target(%dma_start3A_64 : memref<40x128xf32, #tpu.memory_space<vmem_shared>>) target_semaphore(%arg21 : memref<!tpu.dma_semaphore, #tpu.memory_space<semaphore_mem>>)
    %add3A_65 = arith.constant 360 : i32
    %add3A_66 = arith.addi %mul3A_6, %add3A_65 : i32
    %dma_start3A_67 = arith.constant 0 : i32
    %dma_start3A_68 = tpu.memref_slice %arg20[%add3A_66, %dma_start3A_67] : memref<10240x128xf32, #tpu.memory_space<vmem_shared>> -> memref<40x128xf32, #tpu.memory_space<vmem_shared>>
    %dma_start3A_69 = arith.constant 0 : i32
    %dma_start3A_70 = tpu.memref_slice %arg20[%add3A_66, %dma_start3A_69] : memref<10240x128xf32, #tpu.memory_space<vmem_shared>> -> memref<40x128xf32, #tpu.memory_space<vmem_shared>>
    tpu.enqueue_dma source(%arg18 : memref<40x128xf32, #tpu.memory_space<vmem>>) target(%dma_start3A_70 : memref<40x128xf32, #tpu.memory_space<vmem_shared>>) target_semaphore(%arg21 : memref<!tpu.dma_semaphore, #tpu.memory_space<semaphore_mem>>)
    %add3A_71 = arith.constant 400 : i32
    %add3A_72 = arith.addi %mul3A_6, %add3A_71 : i32
    %dma_start3A_73 = arith.constant 0 : i32
    %dma_start3A_74 = tpu.memref_slice %arg20[%add3A_72, %dma_start3A_73] : memref<10240x128xf32, #tpu.memory_space<vmem_shared>> -> memref<40x128xf32, #tpu.memory_space<vmem_shared>>
    %dma_start3A_75 = arith.constant 0 : i32
    %dma_start3A_76 = tpu.memref_slice %arg20[%add3A_72, %dma_start3A_75] : memref<10240x128xf32, #tpu.memory_space<vmem_shared>> -> memref<40x128xf32, #tpu.memory_space<vmem_shared>>
    tpu.enqueue_dma source(%arg18 : memref<40x128xf32, #tpu.memory_space<vmem>>) target(%dma_start3A_76 : memref<40x128xf32, #tpu.memory_space<vmem_shared>>) target_semaphore(%arg21 : memref<!tpu.dma_semaphore, #tpu.memory_space<semaphore_mem>>)
    %add3A_77 = arith.constant 440 : i32
    %add3A_78 = arith.addi %mul3A_6, %add3A_77 : i32
    %dma_start3A_79 = arith.constant 0 : i32
    %dma_start3A_80 = tpu.memref_slice %arg20[%add3A_78, %dma_start3A_79] : memref<10240x128xf32, #tpu.memory_space<vmem_shared>> -> memref<40x128xf32, #tpu.memory_space<vmem_shared>>
    %dma_start3A_81 = arith.constant 0 : i32
    %dma_start3A_82 = tpu.memref_slice %arg20[%add3A_78, %dma_start3A_81] : memref<10240x128xf32, #tpu.memory_space<vmem_shared>> -> memref<40x128xf32, #tpu.memory_space<vmem_shared>>
    tpu.enqueue_dma source(%arg18 : memref<40x128xf32, #tpu.memory_space<vmem>>) target(%dma_start3A_82 : memref<40x128xf32, #tpu.memory_space<vmem_shared>>) target_semaphore(%arg21 : memref<!tpu.dma_semaphore, #tpu.memory_space<semaphore_mem>>)
    %add3A_83 = arith.constant 480 : i32
    %add3A_84 = arith.addi %mul3A_6, %add3A_83 : i32
    %dma_start3A_85 = arith.constant 0 : i32
    %dma_start3A_86 = tpu.memref_slice %arg20[%add3A_84, %dma_start3A_85] : memref<10240x128xf32, #tpu.memory_space<vmem_shared>> -> memref<40x128xf32, #tpu.memory_space<vmem_shared>>
    %dma_start3A_87 = arith.constant 0 : i32
    %dma_start3A_88 = tpu.memref_slice %arg20[%add3A_84, %dma_start3A_87] : memref<10240x128xf32, #tpu.memory_space<vmem_shared>> -> memref<40x128xf32, #tpu.memory_space<vmem_shared>>
    tpu.enqueue_dma source(%arg18 : memref<40x128xf32, #tpu.memory_space<vmem>>) target(%dma_start3A_88 : memref<40x128xf32, #tpu.memory_space<vmem_shared>>) target_semaphore(%arg21 : memref<!tpu.dma_semaphore, #tpu.memory_space<semaphore_mem>>)
    %add3A_89 = arith.constant 520 : i32
    %add3A_90 = arith.addi %mul3A_6, %add3A_89 : i32
    %dma_start3A_91 = arith.constant 0 : i32
    %dma_start3A_92 = tpu.memref_slice %arg20[%add3A_90, %dma_start3A_91] : memref<10240x128xf32, #tpu.memory_space<vmem_shared>> -> memref<40x128xf32, #tpu.memory_space<vmem_shared>>
    %dma_start3A_93 = arith.constant 0 : i32
    %dma_start3A_94 = tpu.memref_slice %arg20[%add3A_90, %dma_start3A_93] : memref<10240x128xf32, #tpu.memory_space<vmem_shared>> -> memref<40x128xf32, #tpu.memory_space<vmem_shared>>
    tpu.enqueue_dma source(%arg18 : memref<40x128xf32, #tpu.memory_space<vmem>>) target(%dma_start3A_94 : memref<40x128xf32, #tpu.memory_space<vmem_shared>>) target_semaphore(%arg21 : memref<!tpu.dma_semaphore, #tpu.memory_space<semaphore_mem>>)
    %add3A_95 = arith.constant 560 : i32
    %add3A_96 = arith.addi %mul3A_6, %add3A_95 : i32
    %dma_start3A_97 = arith.constant 0 : i32
    %dma_start3A_98 = tpu.memref_slice %arg20[%add3A_96, %dma_start3A_97] : memref<10240x128xf32, #tpu.memory_space<vmem_shared>> -> memref<40x128xf32, #tpu.memory_space<vmem_shared>>
    %dma_start3A_99 = arith.constant 0 : i32
    %dma_start3A_100 = tpu.memref_slice %arg20[%add3A_96, %dma_start3A_99] : memref<10240x128xf32, #tpu.memory_space<vmem_shared>> -> memref<40x128xf32, #tpu.memory_space<vmem_shared>>
    tpu.enqueue_dma source(%arg18 : memref<40x128xf32, #tpu.memory_space<vmem>>) target(%dma_start3A_100 : memref<40x128xf32, #tpu.memory_space<vmem_shared>>) target_semaphore(%arg21 : memref<!tpu.dma_semaphore, #tpu.memory_space<semaphore_mem>>)
    %add3A_101 = arith.constant 600 : i32
    %add3A_102 = arith.addi %mul3A_6, %add3A_101 : i32
    %dma_start3A_103 = arith.constant 0 : i32
    %dma_start3A_104 = tpu.memref_slice %arg20[%add3A_102, %dma_start3A_103] : memref<10240x128xf32, #tpu.memory_space<vmem_shared>> -> memref<40x128xf32, #tpu.memory_space<vmem_shared>>
    %dma_start3A_105 = arith.constant 0 : i32
    %dma_start3A_106 = tpu.memref_slice %arg20[%add3A_102, %dma_start3A_105] : memref<10240x128xf32, #tpu.memory_space<vmem_shared>> -> memref<40x128xf32, #tpu.memory_space<vmem_shared>>
    tpu.enqueue_dma source(%arg18 : memref<40x128xf32, #tpu.memory_space<vmem>>) target(%dma_start3A_106 : memref<40x128xf32, #tpu.memory_space<vmem_shared>>) target_semaphore(%arg21 : memref<!tpu.dma_semaphore, #tpu.memory_space<semaphore_mem>>)
    %dma_wait3A = arith.constant 0 : i32
    %dma_wait3A_107 = tpu.memref_slice %arg20[%mul3A_6, %dma_wait3A] : memref<10240x128xf32, #tpu.memory_space<vmem_shared>> -> memref<40x128xf32, #tpu.memory_space<vmem_shared>>
    %dma_wait3A_108 = arith.constant 0 : i32
    %dma_wait3A_109 = tpu.memref_slice %arg20[%mul3A_6, %dma_wait3A_108] : memref<10240x128xf32, #tpu.memory_space<vmem_shared>> -> memref<40x128xf32, #tpu.memory_space<vmem_shared>>
    tpu.wait_dma2 semaphore(%arg21 : memref<!tpu.dma_semaphore, #tpu.memory_space<semaphore_mem>>) src(%arg18 : memref<40x128xf32, #tpu.memory_space<vmem>>) dst(%dma_wait3A_109 : memref<40x128xf32, #tpu.memory_space<vmem_shared>>)
    %dma_wait3A_110 = arith.constant 0 : i32
    %dma_wait3A_111 = tpu.memref_slice %arg20[%mul3A_6, %dma_wait3A_110] : memref<10240x128xf32, #tpu.memory_space<vmem_shared>> -> memref<40x128xf32, #tpu.memory_space<vmem_shared>>
    %dma_wait3A_112 = arith.constant 0 : i32
    %dma_wait3A_113 = tpu.memref_slice %arg20[%mul3A_6, %dma_wait3A_112] : memref<10240x128xf32, #tpu.memory_space<vmem_shared>> -> memref<40x128xf32, #tpu.memory_space<vmem_shared>>
    tpu.wait_dma2 semaphore(%arg21 : memref<!tpu.dma_semaphore, #tpu.memory_space<semaphore_mem>>) src(%arg18 : memref<40x128xf32, #tpu.memory_space<vmem>>) dst(%dma_wait3A_113 : memref<40x128xf32, #tpu.memory_space<vmem_shared>>)
    %dma_wait3A_114 = arith.constant 0 : i32
    %dma_wait3A_115 = tpu.memref_slice %arg20[%mul3A_6, %dma_wait3A_114] : memref<10240x128xf32, #tpu.memory_space<vmem_shared>> -> memref<40x128xf32, #tpu.memory_space<vmem_shared>>
    %dma_wait3A_116 = arith.constant 0 : i32
    %dma_wait3A_117 = tpu.memref_slice %arg20[%mul3A_6, %dma_wait3A_116] : memref<10240x128xf32, #tpu.memory_space<vmem_shared>> -> memref<40x128xf32, #tpu.memory_space<vmem_shared>>
    tpu.wait_dma2 semaphore(%arg21 : memref<!tpu.dma_semaphore, #tpu.memory_space<semaphore_mem>>) src(%arg18 : memref<40x128xf32, #tpu.memory_space<vmem>>) dst(%dma_wait3A_117 : memref<40x128xf32, #tpu.memory_space<vmem_shared>>)
    %dma_wait3A_118 = arith.constant 0 : i32
    %dma_wait3A_119 = tpu.memref_slice %arg20[%mul3A_6, %dma_wait3A_118] : memref<10240x128xf32, #tpu.memory_space<vmem_shared>> -> memref<40x128xf32, #tpu.memory_space<vmem_shared>>
    %dma_wait3A_120 = arith.constant 0 : i32
    %dma_wait3A_121 = tpu.memref_slice %arg20[%mul3A_6, %dma_wait3A_120] : memref<10240x128xf32, #tpu.memory_space<vmem_shared>> -> memref<40x128xf32, #tpu.memory_space<vmem_shared>>
    tpu.wait_dma2 semaphore(%arg21 : memref<!tpu.dma_semaphore, #tpu.memory_space<semaphore_mem>>) src(%arg18 : memref<40x128xf32, #tpu.memory_space<vmem>>) dst(%dma_wait3A_121 : memref<40x128xf32, #tpu.memory_space<vmem_shared>>)
    %dma_wait3A_122 = arith.constant 0 : i32
    %dma_wait3A_123 = tpu.memref_slice %arg20[%mul3A_6, %dma_wait3A_122] : memref<10240x128xf32, #tpu.memory_space<vmem_shared>> -> memref<40x128xf32, #tpu.memory_space<vmem_shared>>
    %dma_wait3A_124 = arith.constant 0 : i32
    %dma_wait3A_125 = tpu.memref_slice %arg20[%mul3A_6, %dma_wait3A_124] : memref<10240x128xf32, #tpu.memory_space<vmem_shared>> -> memref<40x128xf32, #tpu.memory_space<vmem_shared>>
    tpu.wait_dma2 semaphore(%arg21 : memref<!tpu.dma_semaphore, #tpu.memory_space<semaphore_mem>>) src(%arg18 : memref<40x128xf32, #tpu.memory_space<vmem>>) dst(%dma_wait3A_125 : memref<40x128xf32, #tpu.memory_space<vmem_shared>>)
    %dma_wait3A_126 = arith.constant 0 : i32
    %dma_wait3A_127 = tpu.memref_slice %arg20[%mul3A_6, %dma_wait3A_126] : memref<10240x128xf32, #tpu.memory_space<vmem_shared>> -> memref<40x128xf32, #tpu.memory_space<vmem_shared>>
    %dma_wait3A_128 = arith.constant 0 : i32
    %dma_wait3A_129 = tpu.memref_slice %arg20[%mul3A_6, %dma_wait3A_128] : memref<10240x128xf32, #tpu.memory_space<vmem_shared>> -> memref<40x128xf32, #tpu.memory_space<vmem_shared>>
    tpu.wait_dma2 semaphore(%arg21 : memref<!tpu.dma_semaphore, #tpu.memory_space<semaphore_mem>>) src(%arg18 : memref<40x128xf32, #tpu.memory_space<vmem>>) dst(%dma_wait3A_129 : memref<40x128xf32, #tpu.memory_space<vmem_shared>>)
    %dma_wait3A_130 = arith.constant 0 : i32
    %dma_wait3A_131 = tpu.memref_slice %arg20[%mul3A_6, %dma_wait3A_130] : memref<10240x128xf32, #tpu.memory_space<vmem_shared>> -> memref<40x128xf32, #tpu.memory_space<vmem_shared>>
    %dma_wait3A_132 = arith.constant 0 : i32
    %dma_wait3A_133 = tpu.memref_slice %arg20[%mul3A_6, %dma_wait3A_132] : memref<10240x128xf32, #tpu.memory_space<vmem_shared>> -> memref<40x128xf32, #tpu.memory_space<vmem_shared>>
    tpu.wait_dma2 semaphore(%arg21 : memref<!tpu.dma_semaphore, #tpu.memory_space<semaphore_mem>>) src(%arg18 : memref<40x128xf32, #tpu.memory_space<vmem>>) dst(%dma_wait3A_133 : memref<40x128xf32, #tpu.memory_space<vmem_shared>>)
    %dma_wait3A_134 = arith.constant 0 : i32
    %dma_wait3A_135 = tpu.memref_slice %arg20[%mul3A_6, %dma_wait3A_134] : memref<10240x128xf32, #tpu.memory_space<vmem_shared>> -> memref<40x128xf32, #tpu.memory_space<vmem_shared>>
    %dma_wait3A_136 = arith.constant 0 : i32
    %dma_wait3A_137 = tpu.memref_slice %arg20[%mul3A_6, %dma_wait3A_136] : memref<10240x128xf32, #tpu.memory_space<vmem_shared>> -> memref<40x128xf32, #tpu.memory_space<vmem_shared>>
    tpu.wait_dma2 semaphore(%arg21 : memref<!tpu.dma_semaphore, #tpu.memory_space<semaphore_mem>>) src(%arg18 : memref<40x128xf32, #tpu.memory_space<vmem>>) dst(%dma_wait3A_137 : memref<40x128xf32, #tpu.memory_space<vmem_shared>>)
    %dma_wait3A_138 = arith.constant 0 : i32
    %dma_wait3A_139 = tpu.memref_slice %arg20[%mul3A_6, %dma_wait3A_138] : memref<10240x128xf32, #tpu.memory_space<vmem_shared>> -> memref<40x128xf32, #tpu.memory_space<vmem_shared>>
    %dma_wait3A_140 = arith.constant 0 : i32
    %dma_wait3A_141 = tpu.memref_slice %arg20[%mul3A_6, %dma_wait3A_140] : memref<10240x128xf32, #tpu.memory_space<vmem_shared>> -> memref<40x128xf32, #tpu.memory_space<vmem_shared>>
    tpu.wait_dma2 semaphore(%arg21 : memref<!tpu.dma_semaphore, #tpu.memory_space<semaphore_mem>>) src(%arg18 : memref<40x128xf32, #tpu.memory_space<vmem>>) dst(%dma_wait3A_141 : memref<40x128xf32, #tpu.memory_space<vmem_shared>>)
    %dma_wait3A_142 = arith.constant 0 : i32
    %dma_wait3A_143 = tpu.memref_slice %arg20[%mul3A_6, %dma_wait3A_142] : memref<10240x128xf32, #tpu.memory_space<vmem_shared>> -> memref<40x128xf32, #tpu.memory_space<vmem_shared>>
    %dma_wait3A_144 = arith.constant 0 : i32
    %dma_wait3A_145 = tpu.memref_slice %arg20[%mul3A_6, %dma_wait3A_144] : memref<10240x128xf32, #tpu.memory_space<vmem_shared>> -> memref<40x128xf32, #tpu.memory_space<vmem_shared>>
    tpu.wait_dma2 semaphore(%arg21 : memref<!tpu.dma_semaphore, #tpu.memory_space<semaphore_mem>>) src(%arg18 : memref<40x128xf32, #tpu.memory_space<vmem>>) dst(%dma_wait3A_145 : memref<40x128xf32, #tpu.memory_space<vmem_shared>>)
    %dma_wait3A_146 = arith.constant 0 : i32
    %dma_wait3A_147 = tpu.memref_slice %arg20[%mul3A_6, %dma_wait3A_146] : memref<10240x128xf32, #tpu.memory_space<vmem_shared>> -> memref<40x128xf32, #tpu.memory_space<vmem_shared>>
    %dma_wait3A_148 = arith.constant 0 : i32
    %dma_wait3A_149 = tpu.memref_slice %arg20[%mul3A_6, %dma_wait3A_148] : memref<10240x128xf32, #tpu.memory_space<vmem_shared>> -> memref<40x128xf32, #tpu.memory_space<vmem_shared>>
    tpu.wait_dma2 semaphore(%arg21 : memref<!tpu.dma_semaphore, #tpu.memory_space<semaphore_mem>>) src(%arg18 : memref<40x128xf32, #tpu.memory_space<vmem>>) dst(%dma_wait3A_149 : memref<40x128xf32, #tpu.memory_space<vmem_shared>>)
    %dma_wait3A_150 = arith.constant 0 : i32
    %dma_wait3A_151 = tpu.memref_slice %arg20[%mul3A_6, %dma_wait3A_150] : memref<10240x128xf32, #tpu.memory_space<vmem_shared>> -> memref<40x128xf32, #tpu.memory_space<vmem_shared>>
    %dma_wait3A_152 = arith.constant 0 : i32
    %dma_wait3A_153 = tpu.memref_slice %arg20[%mul3A_6, %dma_wait3A_152] : memref<10240x128xf32, #tpu.memory_space<vmem_shared>> -> memref<40x128xf32, #tpu.memory_space<vmem_shared>>
    tpu.wait_dma2 semaphore(%arg21 : memref<!tpu.dma_semaphore, #tpu.memory_space<semaphore_mem>>) src(%arg18 : memref<40x128xf32, #tpu.memory_space<vmem>>) dst(%dma_wait3A_153 : memref<40x128xf32, #tpu.memory_space<vmem_shared>>)
    %dma_wait3A_154 = arith.constant 0 : i32
    %dma_wait3A_155 = tpu.memref_slice %arg20[%mul3A_6, %dma_wait3A_154] : memref<10240x128xf32, #tpu.memory_space<vmem_shared>> -> memref<40x128xf32, #tpu.memory_space<vmem_shared>>
    %dma_wait3A_156 = arith.constant 0 : i32
    %dma_wait3A_157 = tpu.memref_slice %arg20[%mul3A_6, %dma_wait3A_156] : memref<10240x128xf32, #tpu.memory_space<vmem_shared>> -> memref<40x128xf32, #tpu.memory_space<vmem_shared>>
    tpu.wait_dma2 semaphore(%arg21 : memref<!tpu.dma_semaphore, #tpu.memory_space<semaphore_mem>>) src(%arg18 : memref<40x128xf32, #tpu.memory_space<vmem>>) dst(%dma_wait3A_157 : memref<40x128xf32, #tpu.memory_space<vmem_shared>>)
    %dma_wait3A_158 = arith.constant 0 : i32
    %dma_wait3A_159 = tpu.memref_slice %arg20[%mul3A_6, %dma_wait3A_158] : memref<10240x128xf32, #tpu.memory_space<vmem_shared>> -> memref<40x128xf32, #tpu.memory_space<vmem_shared>>
    %dma_wait3A_160 = arith.constant 0 : i32
    %dma_wait3A_161 = tpu.memref_slice %arg20[%mul3A_6, %dma_wait3A_160] : memref<10240x128xf32, #tpu.memory_space<vmem_shared>> -> memref<40x128xf32, #tpu.memory_space<vmem_shared>>
    tpu.wait_dma2 semaphore(%arg21 : memref<!tpu.dma_semaphore, #tpu.memory_space<semaphore_mem>>) src(%arg18 : memref<40x128xf32, #tpu.memory_space<vmem>>) dst(%dma_wait3A_161 : memref<40x128xf32, #tpu.memory_space<vmem_shared>>)
    %dma_wait3A_162 = arith.constant 0 : i32
    %dma_wait3A_163 = tpu.memref_slice %arg20[%mul3A_6, %dma_wait3A_162] : memref<10240x128xf32, #tpu.memory_space<vmem_shared>> -> memref<40x128xf32, #tpu.memory_space<vmem_shared>>
    %dma_wait3A_164 = arith.constant 0 : i32
    %dma_wait3A_165 = tpu.memref_slice %arg20[%mul3A_6, %dma_wait3A_164] : memref<10240x128xf32, #tpu.memory_space<vmem_shared>> -> memref<40x128xf32, #tpu.memory_space<vmem_shared>>
    tpu.wait_dma2 semaphore(%arg21 : memref<!tpu.dma_semaphore, #tpu.memory_space<semaphore_mem>>) src(%arg18 : memref<40x128xf32, #tpu.memory_space<vmem>>) dst(%dma_wait3A_165 : memref<40x128xf32, #tpu.memory_space<vmem_shared>>)
    %dma_wait3A_166 = arith.constant 0 : i32
    %dma_wait3A_167 = tpu.memref_slice %arg20[%mul3A_6, %dma_wait3A_166] : memref<10240x128xf32, #tpu.memory_space<vmem_shared>> -> memref<40x128xf32, #tpu.memory_space<vmem_shared>>
    %dma_wait3A_168 = arith.constant 0 : i32
    %dma_wait3A_169 = tpu.memref_slice %arg20[%mul3A_6, %dma_wait3A_168] : memref<10240x128xf32, #tpu.memory_space<vmem_shared>> -> memref<40x128xf32, #tpu.memory_space<vmem_shared>>
    tpu.wait_dma2 semaphore(%arg21 : memref<!tpu.dma_semaphore, #tpu.memory_space<semaphore_mem>>) src(%arg18 : memref<40x128xf32, #tpu.memory_space<vmem>>) dst(%dma_wait3A_169 : memref<40x128xf32, #tpu.memory_space<vmem_shared>>)
    %barrier3A = arith.constant 0 : index
    tpu.barrier barrier_id(%barrier3A)
    %scan3A_170 = arith.constant 0 : i32
    %scan3A_171 = arith.constant 0 : i32
    %scan3A_172 = arith.constant 10 : i32
    %scan3A_173 = arith.addi %scan3A_171, %scan3A_172 : i32
    %scan3A_174 = arith.constant 1 : i32
    scf.for %scan3A_442 = %scan3A_171 to %scan3A_173 step %scan3A_174  : i32 {
      %mul3A_443 = arith.constant 1000 : i32
      %mul3A_444 = arith.muli %scan3A_442, %mul3A_443 : i32
      %add3A_445 = arith.addi %mul3A_4, %mul3A_444 : i32
      "tpu.region"() ({
        %run_scoped3A = tpu.sem_alloc : memref<!tpu.dma_semaphore, #tpu.memory_space<semaphore_mem>>
        %dma_start3A_478 = tpu.memref_slice %arg5[%add3A_445] : memref<320000xi32, #tpu.memory_space<hbm>> -> memref<1000xi32, #tpu.memory_space<hbm>>
        %dma_start3A_479 = tpu.memref_slice %arg5[%add3A_445] : memref<320000xi32, #tpu.memory_space<hbm>> -> memref<1000xi32, #tpu.memory_space<hbm>>
        tpu.enqueue_dma source(%dma_start3A_479 : memref<1000xi32, #tpu.memory_space<hbm>>) target(%arg10 : memref<1000xi32, #tpu.memory_space<vmem>>) target_semaphore(%run_scoped3A : memref<!tpu.dma_semaphore, #tpu.memory_space<semaphore_mem>>)
        %dma_wait3A_480 = tpu.memref_slice %arg5[%add3A_445] : memref<320000xi32, #tpu.memory_space<hbm>> -> memref<1000xi32, #tpu.memory_space<hbm>>
        %dma_wait3A_481 = tpu.memref_slice %arg5[%add3A_445] : memref<320000xi32, #tpu.memory_space<hbm>> -> memref<1000xi32, #tpu.memory_space<hbm>>
        tpu.wait_dma2 semaphore(%run_scoped3A : memref<!tpu.dma_semaphore, #tpu.memory_space<semaphore_mem>>) src(%dma_wait3A_481 : memref<1000xi32, #tpu.memory_space<hbm>>) dst(%arg10 : memref<1000xi32, #tpu.memory_space<vmem>>)
        tpu.yield
      }) : () -> ()
      %mul3A_446 = arith.constant 1000 : i32
      %mul3A_447 = arith.muli %scan3A_442, %mul3A_446 : i32
      %add3A_448 = arith.addi %mul3A_4, %mul3A_447 : i32
      "tpu.region"() ({
        %run_scoped3A = tpu.sem_alloc : memref<!tpu.dma_semaphore, #tpu.memory_space<semaphore_mem>>
        %dma_start3A_478 = tpu.memref_slice %arg6[%add3A_448] : memref<320000xi32, #tpu.memory_space<hbm>> -> memref<1000xi32, #tpu.memory_space<hbm>>
        %dma_start3A_479 = tpu.memref_slice %arg6[%add3A_448] : memref<320000xi32, #tpu.memory_space<hbm>> -> memref<1000xi32, #tpu.memory_space<hbm>>
        tpu.enqueue_dma source(%dma_start3A_479 : memref<1000xi32, #tpu.memory_space<hbm>>) target(%arg11 : memref<1000xi32, #tpu.memory_space<vmem>>) target_semaphore(%run_scoped3A : memref<!tpu.dma_semaphore, #tpu.memory_space<semaphore_mem>>)
        %dma_wait3A_480 = tpu.memref_slice %arg6[%add3A_448] : memref<320000xi32, #tpu.memory_space<hbm>> -> memref<1000xi32, #tpu.memory_space<hbm>>
        %dma_wait3A_481 = tpu.memref_slice %arg6[%add3A_448] : memref<320000xi32, #tpu.memory_space<hbm>> -> memref<1000xi32, #tpu.memory_space<hbm>>
        tpu.wait_dma2 semaphore(%run_scoped3A : memref<!tpu.dma_semaphore, #tpu.memory_space<semaphore_mem>>) src(%dma_wait3A_481 : memref<1000xi32, #tpu.memory_space<hbm>>) dst(%arg11 : memref<1000xi32, #tpu.memory_space<vmem>>)
        tpu.yield
      }) : () -> ()
      %mul3A_449 = arith.constant 25 : i32
      %mul3A_450 = arith.muli %scan3A_442, %mul3A_449 : i32
      %add3A_451 = arith.addi %mul3A_2, %mul3A_450 : i32
      %add3A_452 = arith.constant 0 : i32
      %add3A_453 = arith.addi %add3A_451, %add3A_452 : i32
      %dma_start3A_454 = arith.constant 0 : i32
      %dma_start3A_455 = tpu.memref_slice %arg10[%dma_start3A_454] : memref<1000xi32, #tpu.memory_space<vmem>> -> memref<40xi32, #tpu.memory_space<vmem>>
      %dma_start3A_456 = arith.constant 0 : i32
      %dma_start3A_457 = arith.constant 0 : i32
      %dma_start3A_458 = tpu.memref_slice %arg2[%dma_start3A_456, %dma_start3A_457] : memref<10000x144xf32, #tpu.memory_space<hbm>> -> memref<10000x144xf32, #tpu.memory_space<hbm>>
      tpu.enqueue_indirect_dma source(%dma_start3A_458 : memref<10000x144xf32, #tpu.memory_space<hbm>>) target(%arg12 : memref<40x144xf32, #tpu.memory_space<vmem>>) offsets(%dma_start3A_455 : memref<40xi32, #tpu.memory_space<vmem>>) semaphore(%arg22 : memref<!tpu.dma_semaphore, #tpu.memory_space<semaphore_mem>>)
      %dma_start3A_459 = arith.constant 0 : i32
      %dma_start3A_460 = tpu.memref_slice %arg11[%dma_start3A_459] : memref<1000xi32, #tpu.memory_space<vmem>> -> memref<40xi32, #tpu.memory_space<vmem>>
      %dma_start3A_461 = arith.constant 0 : i32
      %dma_start3A_462 = arith.constant 0 : i32
      %dma_start3A_463 = tpu.memref_slice %arg3[%dma_start3A_461, %dma_start3A_462] : memref<10000x144xf32, #tpu.memory_space<hbm>> -> memref<10000x144xf32, #tpu.memory_space<hbm>>
      tpu.enqueue_indirect_dma source(%dma_start3A_463 : memref<10000x144xf32, #tpu.memory_space<hbm>>) target(%arg14 : memref<40x144xf32, #tpu.memory_space<vmem>>) offsets(%dma_start3A_460 : memref<40xi32, #tpu.memory_space<vmem>>) semaphore(%arg22 : memref<!tpu.dma_semaphore, #tpu.memory_space<semaphore_mem>>)
      %mul3A_464 = arith.constant 5 : i32
      %mul3A_465 = arith.muli %add3A_453, %mul3A_464 : i32
      %dma_start3A_466 = arith.constant 0 : i32
      %dma_start3A_467 = arith.constant 0 : i32
      %dma_start3A_468 = tpu.memref_slice %arg4[%dma_start3A_466, %mul3A_465, %dma_start3A_467] : memref<9x40000x128xf32, #tpu.memory_space<hbm>> -> memref<9x5x128xf32, #tpu.memory_space<hbm>>
      %dma_start3A_469 = arith.constant 0 : i32
      %dma_start3A_470 = arith.constant 0 : i32
      %dma_start3A_471 = tpu.memref_slice %arg4[%dma_start3A_469, %mul3A_465, %dma_start3A_470] : memref<9x40000x128xf32, #tpu.memory_space<hbm>> -> memref<9x5x128xf32, #tpu.memory_space<hbm>>
      tpu.enqueue_dma source(%dma_start3A_471 : memref<9x5x128xf32, #tpu.memory_space<hbm>>) target(%arg16 : memref<9x5x128xf32, #tpu.memory_space<vmem>>) target_semaphore(%arg22 : memref<!tpu.dma_semaphore, #tpu.memory_space<semaphore_mem>>)
      %scan3A_472 = arith.constant 0 : i32
      %scan3A_473 = arith.constant 0 : i32
      %scan3A_474 = arith.constant 13 : i32
      %scan3A_475 = arith.addi %scan3A_473, %scan3A_474 : i32
      %scan3A_476 = arith.constant 1 : i32
      scf.for %scan3A_478 = %scan3A_473 to %scan3A_475 step %scan3A_476  : i32 {
        %mul3A_479 = arith.constant 2 : i32
        %mul3A_480 = arith.muli %mul3A_479, %scan3A_478 : i32
        %add3A_481 = arith.constant 0 : i32
        %add3A_482 = arith.addi %mul3A_480, %add3A_481 : i32
        %mul3A_483 = arith.constant 25 : i32
        %mul3A_484 = arith.muli %scan3A_442, %mul3A_483 : i32
        %add3A_485 = arith.addi %mul3A_484, %add3A_482 : i32
        %lt3A = arith.constant 25 : i32
        %lt3A_486 = arith.cmpi slt, %add3A_482, %lt3A : i32
        %convert_element_type3A_487 = arith.extui %lt3A_486 : i1 to i32
        %cond3A_488 = arith.constant 0 : i32
        %cond3A_489 = arith.cmpi ne, %convert_element_type3A_487, %cond3A_488 : i32
        scf.if %cond3A_489 {
          %add3A_502 = arith.constant 1 : i32
          %add3A_503 = arith.addi %add3A_482, %add3A_502 : i32
          %lt3A_504 = arith.constant 25 : i32
          %lt3A_505 = arith.cmpi slt, %add3A_503, %lt3A_504 : i32
          %convert_element_type3A_506 = arith.extui %lt3A_505 : i1 to i32
          %cond3A_507 = arith.constant 0 : i32
          %cond3A_508 = arith.cmpi ne, %convert_element_type3A_506, %cond3A_507 : i32
          scf.if %cond3A_508 {
            %add3A_544 = arith.constant 1 : i32
            %add3A_545 = arith.addi %add3A_482, %add3A_544 : i32
            %mul3A_546 = arith.constant 25 : i32
            %mul3A_547 = arith.muli %scan3A_442, %mul3A_546 : i32
            %add3A_548 = arith.addi %mul3A_2, %mul3A_547 : i32
            %add3A_549 = arith.addi %add3A_548, %add3A_545 : i32
            %mul3A_550 = arith.constant 40 : i32
            %mul3A_551 = arith.muli %add3A_545, %mul3A_550 : i32
            %dma_start3A_552 = tpu.memref_slice %arg10[%mul3A_551] : memref<1000xi32, #tpu.memory_space<vmem>> -> memref<40xi32, #tpu.memory_space<vmem>>
            %dma_start3A_553 = arith.constant 0 : i32
            %dma_start3A_554 = arith.constant 0 : i32
            %dma_start3A_555 = tpu.memref_slice %arg2[%dma_start3A_553, %dma_start3A_554] : memref<10000x144xf32, #tpu.memory_space<hbm>> -> memref<10000x144xf32, #tpu.memory_space<hbm>>
            tpu.enqueue_indirect_dma source(%dma_start3A_555 : memref<10000x144xf32, #tpu.memory_space<hbm>>) target(%arg13 : memref<40x144xf32, #tpu.memory_space<vmem>>) offsets(%dma_start3A_552 : memref<40xi32, #tpu.memory_space<vmem>>) semaphore(%arg23 : memref<!tpu.dma_semaphore, #tpu.memory_space<semaphore_mem>>)
            %mul3A_556 = arith.constant 40 : i32
            %mul3A_557 = arith.muli %add3A_545, %mul3A_556 : i32
            %dma_start3A_558 = tpu.memref_slice %arg11[%mul3A_557] : memref<1000xi32, #tpu.memory_space<vmem>> -> memref<40xi32, #tpu.memory_space<vmem>>
            %dma_start3A_559 = arith.constant 0 : i32
            %dma_start3A_560 = arith.constant 0 : i32
            %dma_start3A_561 = tpu.memref_slice %arg3[%dma_start3A_559, %dma_start3A_560] : memref<10000x144xf32, #tpu.memory_space<hbm>> -> memref<10000x144xf32, #tpu.memory_space<hbm>>
            tpu.enqueue_indirect_dma source(%dma_start3A_561 : memref<10000x144xf32, #tpu.memory_space<hbm>>) target(%arg15 : memref<40x144xf32, #tpu.memory_space<vmem>>) offsets(%dma_start3A_558 : memref<40xi32, #tpu.memory_space<vmem>>) semaphore(%arg23 : memref<!tpu.dma_semaphore, #tpu.memory_space<semaphore_mem>>)
            %mul3A_562 = arith.constant 5 : i32
            %mul3A_563 = arith.muli %add3A_549, %mul3A_562 : i32
            %dma_start3A_564 = arith.constant 0 : i32
            %dma_start3A_565 = arith.constant 0 : i32
            %dma_start3A_566 = tpu.memref_slice %arg4[%dma_start3A_564, %mul3A_563, %dma_start3A_565] : memref<9x40000x128xf32, #tpu.memory_space<hbm>> -> memref<9x5x128xf32, #tpu.memory_space<hbm>>
            %dma_start3A_567 = arith.constant 0 : i32
            %dma_start3A_568 = arith.constant 0 : i32
            %dma_start3A_569 = tpu.memref_slice %arg4[%dma_start3A_567, %mul3A_563, %dma_start3A_568] : memref<9x40000x128xf32, #tpu.memory_space<hbm>> -> memref<9x5x128xf32, #tpu.memory_space<hbm>>
            tpu.enqueue_dma source(%dma_start3A_569 : memref<9x5x128xf32, #tpu.memory_space<hbm>>) target(%arg17 : memref<9x5x128xf32, #tpu.memory_space<vmem>>) target_semaphore(%arg23 : memref<!tpu.dma_semaphore, #tpu.memory_space<semaphore_mem>>)
          } else {
          }
          %dma_wait3A_509 = arith.constant 0 : i32
          %dma_wait3A_510 = arith.constant 0 : i32
          %dma_wait3A_511 = tpu.memref_slice %arg2[%dma_wait3A_509, %dma_wait3A_510] : memref<10000x144xf32, #tpu.memory_space<hbm>> -> memref<40x144xf32, #tpu.memory_space<hbm>>
          %dma_wait3A_512 = arith.constant 0 : i32
          %dma_wait3A_513 = arith.constant 0 : i32
          %dma_wait3A_514 = tpu.memref_slice %arg2[%dma_wait3A_512, %dma_wait3A_513] : memref<10000x144xf32, #tpu.memory_space<hbm>> -> memref<40x144xf32, #tpu.memory_space<hbm>>
          tpu.wait_dma2 semaphore(%arg22 : memref<!tpu.dma_semaphore, #tpu.memory_space<semaphore_mem>>) src(%dma_wait3A_514 : memref<40x144xf32, #tpu.memory_space<hbm>>) dst(%arg12 : memref<40x144xf32, #tpu.memory_space<vmem>>)
          %dma_wait3A_515 = arith.constant 0 : i32
          %dma_wait3A_516 = arith.constant 0 : i32
          %dma_wait3A_517 = tpu.memref_slice %arg3[%dma_wait3A_515, %dma_wait3A_516] : memref<10000x144xf32, #tpu.memory_space<hbm>> -> memref<40x144xf32, #tpu.memory_space<hbm>>
          %dma_wait3A_518 = arith.constant 0 : i32
          %dma_wait3A_519 = arith.constant 0 : i32
          %dma_wait3A_520 = tpu.memref_slice %arg3[%dma_wait3A_518, %dma_wait3A_519] : memref<10000x144xf32, #tpu.memory_space<hbm>> -> memref<40x144xf32, #tpu.memory_space<hbm>>
          tpu.wait_dma2 semaphore(%arg22 : memref<!tpu.dma_semaphore, #tpu.memory_space<semaphore_mem>>) src(%dma_wait3A_520 : memref<40x144xf32, #tpu.memory_space<hbm>>) dst(%arg14 : memref<40x144xf32, #tpu.memory_space<vmem>>)
          %dma_wait3A_521 = arith.constant 0 : i32
          %dma_wait3A_522 = arith.constant 0 : i32
          %dma_wait3A_523 = arith.constant 0 : i32
          %dma_wait3A_524 = tpu.memref_slice %arg4[%dma_wait3A_521, %dma_wait3A_522, %dma_wait3A_523] : memref<9x40000x128xf32, #tpu.memory_space<hbm>> -> memref<9x5x128xf32, #tpu.memory_space<hbm>>
          %dma_wait3A_525 = arith.constant 0 : i32
          %dma_wait3A_526 = arith.constant 0 : i32
          %dma_wait3A_527 = arith.constant 0 : i32
          %dma_wait3A_528 = tpu.memref_slice %arg4[%dma_wait3A_525, %dma_wait3A_526, %dma_wait3A_527] : memref<9x40000x128xf32, #tpu.memory_space<hbm>> -> memref<9x5x128xf32, #tpu.memory_space<hbm>>
          tpu.wait_dma2 semaphore(%arg22 : memref<!tpu.dma_semaphore, #tpu.memory_space<semaphore_mem>>) src(%dma_wait3A_528 : memref<9x5x128xf32, #tpu.memory_space<hbm>>) dst(%arg16 : memref<9x5x128xf32, #tpu.memory_space<vmem>>)
          %ge3A = arith.constant 2 : i32
          %ge3A_529 = arith.cmpi sge, %add3A_485, %ge3A : i32
          %convert_element_type3A_530 = arith.extui %ge3A_529 : i1 to i32
          %cond3A_531 = arith.constant 0 : i32
          %cond3A_532 = arith.cmpi ne, %convert_element_type3A_530, %cond3A_531 : i32
          scf.if %cond3A_532 {
            %dma_wait3A_544 = arith.constant 0 : i32
            %dma_wait3A_545 = arith.constant 0 : i32
            %dma_wait3A_546 = tpu.memref_slice %arg7[%dma_wait3A_544, %dma_wait3A_545] : memref<320000x128xf32, #tpu.memory_space<hbm>> -> memref<40x128xf32, #tpu.memory_space<hbm>>
            %dma_wait3A_547 = arith.constant 0 : i32
            %dma_wait3A_548 = arith.constant 0 : i32
            %dma_wait3A_549 = tpu.memref_slice %arg7[%dma_wait3A_547, %dma_wait3A_548] : memref<320000x128xf32, #tpu.memory_space<hbm>> -> memref<40x128xf32, #tpu.memory_space<hbm>>
            tpu.wait_dma2 semaphore(%arg24 : memref<!tpu.dma_semaphore, #tpu.memory_space<semaphore_mem>>) src(%arg18 : memref<40x128xf32, #tpu.memory_space<vmem>>) dst(%dma_wait3A_549 : memref<40x128xf32, #tpu.memory_space<hbm>>)
          } else {
          }
          %parallel_loop3A = arith.constant 0 : i32
          %parallel_loop3A_533 = arith.constant 40 : i32
          %parallel_loop3A_534 = arith.constant 1 : i32
          scf.for %parallel_loop3A_544 = %parallel_loop3A to %parallel_loop3A_533 step %parallel_loop3A_534  : i32 {
            %parallel_loop3A_545 = arith.constant 8 : i32
            %parallel_loop3A_546 = arith.constant 0 : i32
            %parallel_loop3A_547 = arith.cmpi eq, %parallel_loop3A_545, %parallel_loop3A_546 : i32
            %parallel_loop3A_548 = arith.constant 1 : i32
            %parallel_loop3A_549 = arith.select %parallel_loop3A_547, %parallel_loop3A_548, %parallel_loop3A_545 : i32
            %parallel_loop3A_550 = arith.remsi %parallel_loop3A_544, %parallel_loop3A_549 : i32
            %parallel_loop3A_551 = arith.constant 0 : i32
            %parallel_loop3A_552 = arith.cmpi ne, %parallel_loop3A_550, %parallel_loop3A_551 : i32
            %parallel_loop3A_553 = arith.constant 0 : i32
            %parallel_loop3A_554 = arith.cmpi slt, %parallel_loop3A_550, %parallel_loop3A_553 : i32
            %parallel_loop3A_555 = arith.constant 0 : i32
            %parallel_loop3A_556 = arith.cmpi slt, %parallel_loop3A_549, %parallel_loop3A_555 : i32
            %parallel_loop3A_557 = arith.xori %parallel_loop3A_554, %parallel_loop3A_556 : i1
            %parallel_loop3A_558 = arith.andi %parallel_loop3A_557, %parallel_loop3A_552 : i1
            %parallel_loop3A_559 = arith.addi %parallel_loop3A_550, %parallel_loop3A_549 : i32
            %parallel_loop3A_560 = arith.select %parallel_loop3A_558, %parallel_loop3A_559, %parallel_loop3A_550 : i32
            %parallel_loop3A_561 = arith.constant 8 : i32
            %parallel_loop3A_562 = arith.divsi %parallel_loop3A_544, %parallel_loop3A_561 : i32
            %parallel_loop3A_563 = arith.constant 0 : i32
            %parallel_loop3A_564 = arith.cmpi sgt, %parallel_loop3A_544, %parallel_loop3A_563 : i32
            %parallel_loop3A_565 = arith.extui %parallel_loop3A_564 : i1 to i32
            %parallel_loop3A_566 = arith.constant 0 : i32
            %parallel_loop3A_567 = arith.cmpi slt, %parallel_loop3A_544, %parallel_loop3A_566 : i32
            %parallel_loop3A_568 = arith.extui %parallel_loop3A_567 : i1 to i32
            %parallel_loop3A_569 = arith.subi %parallel_loop3A_565, %parallel_loop3A_568 : i32
            %parallel_loop3A_570 = arith.constant 0 : i32
            %parallel_loop3A_571 = arith.cmpi sgt, %parallel_loop3A_561, %parallel_loop3A_570 : i32
            %parallel_loop3A_572 = arith.extui %parallel_loop3A_571 : i1 to i32
            %parallel_loop3A_573 = arith.constant 0 : i32
            %parallel_loop3A_574 = arith.cmpi slt, %parallel_loop3A_561, %parallel_loop3A_573 : i32
            %parallel_loop3A_575 = arith.extui %parallel_loop3A_574 : i1 to i32
            %parallel_loop3A_576 = arith.subi %parallel_loop3A_572, %parallel_loop3A_575 : i32
            %parallel_loop3A_577 = arith.cmpi ne, %parallel_loop3A_569, %parallel_loop3A_576 : i32
            %parallel_loop3A_578 = arith.remsi %parallel_loop3A_544, %parallel_loop3A_561 : i32
            %parallel_loop3A_579 = arith.constant 0 : i32
            %parallel_loop3A_580 = arith.cmpi ne, %parallel_loop3A_578, %parallel_loop3A_579 : i32
            %parallel_loop3A_581 = arith.andi %parallel_loop3A_577, %parallel_loop3A_580 : i1
            %parallel_loop3A_582 = arith.constant 1 : i32
            %parallel_loop3A_583 = arith.subi %parallel_loop3A_562, %parallel_loop3A_582 : i32
            %parallel_loop3A_584 = arith.select %parallel_loop3A_581, %parallel_loop3A_583, %parallel_loop3A_562 : i32
            %parallel_loop3A_585 = arith.index_cast %parallel_loop3A_544 : i32 to index
            %parallel_loop3A_586 = arith.constant 128 : index
            %parallel_loop3A_587 = tpu.vector_load %arg12[%parallel_loop3A_585, %parallel_loop3A_586] {strides = array<i32>} : memref<40x144xf32, #tpu.memory_space<vmem>>, vector<1x16xf32>,
            %parallel_loop3A_588 = vector.shape_cast %parallel_loop3A_587 : vector<1x16xf32> to vector<16xf32>
            %parallel_loop3A_589 = arith.index_cast %parallel_loop3A_544 : i32 to index
            %parallel_loop3A_590 = arith.constant 128 : index
            %parallel_loop3A_591 = tpu.vector_load %arg14[%parallel_loop3A_589, %parallel_loop3A_590] {strides = array<i32>} : memref<40x144xf32, #tpu.memory_space<vmem>>, vector<1x16xf32>,
            %parallel_loop3A_592 = vector.shape_cast %parallel_loop3A_591 : vector<1x16xf32> to vector<16xf32>
            %parallel_loop3A_593 = arith.addf %parallel_loop3A_588, %parallel_loop3A_592 : vector<16xf32>
            %parallel_loop3A_594 = arith.constant 16 : i32
            %parallel_loop3A_595 = arith.muli %parallel_loop3A_560, %parallel_loop3A_594 : i32
            %parallel_loop3A_596 = arith.constant 8 : i32
            %parallel_loop3A_597 = arith.index_cast %parallel_loop3A_596 : i32 to index
            %parallel_loop3A_598 = arith.index_cast %parallel_loop3A_584 : i32 to index
            %parallel_loop3A_599 = arith.index_cast %parallel_loop3A_595 : i32 to index
            %parallel_loop3A_600 = tpu.vector_load %arg16[%parallel_loop3A_597, %parallel_loop3A_598, %parallel_loop3A_599] {strides = array<i32>} : memref<9x5x128xf32, #tpu.memory_space<vmem>>, vector<1x1x16xf32>,
            %parallel_loop3A_601 = vector.shape_cast %parallel_loop3A_600 : vector<1x1x16xf32> to vector<16xf32>
            %parallel_loop3A_602 = arith.addf %parallel_loop3A_593, %parallel_loop3A_601 : vector<16xf32>
            %parallel_loop3A_603 = arith.constant 0.000000e+00 : f32
            %parallel_loop3A_604 = vector.broadcast %parallel_loop3A_603 : f32 to vector<16xf32>
            %parallel_loop3A_605 = arith.subf %parallel_loop3A_604, %parallel_loop3A_602 : vector<16xf32>
            %parallel_loop3A_606 = math.exp %parallel_loop3A_605 : vector<16xf32>
            %parallel_loop3A_607 = arith.constant 1.000000e+00 : f32
            %parallel_loop3A_608 = vector.broadcast %parallel_loop3A_607 : f32 to vector<16xf32>
            %parallel_loop3A_609 = arith.addf %parallel_loop3A_608, %parallel_loop3A_606 : vector<16xf32>
            %parallel_loop3A_610 = arith.constant 1.000000e+00 : f32
            %parallel_loop3A_611 = vector.broadcast %parallel_loop3A_610 : f32 to vector<16xf32>
            %parallel_loop3A_612 = arith.divf %parallel_loop3A_611, %parallel_loop3A_609 : vector<16xf32>
            %parallel_loop3A_613 = arith.index_cast %parallel_loop3A_544 : i32 to index
            %parallel_loop3A_614 = arith.constant 0 : index
            %parallel_loop3A_615 = tpu.vector_load %arg12[%parallel_loop3A_613, %parallel_loop3A_614] {strides = array<i32>} : memref<40x144xf32, #tpu.memory_space<vmem>>, vector<1x16xf32>,
            %parallel_loop3A_616 = vector.shape_cast %parallel_loop3A_615 : vector<1x16xf32> to vector<16xf32>
            %parallel_loop3A_617 = arith.index_cast %parallel_loop3A_544 : i32 to index
            %parallel_loop3A_618 = arith.constant 0 : index
            %parallel_loop3A_619 = tpu.vector_load %arg14[%parallel_loop3A_617, %parallel_loop3A_618] {strides = array<i32>} : memref<40x144xf32, #tpu.memory_space<vmem>>, vector<1x16xf32>,
            %parallel_loop3A_620 = vector.shape_cast %parallel_loop3A_619 : vector<1x16xf32> to vector<16xf32>
            %parallel_loop3A_621 = arith.addf %parallel_loop3A_616, %parallel_loop3A_620 : vector<16xf32>
            %parallel_loop3A_622 = arith.index_cast %parallel_loop3A_560 : i32 to index
            %parallel_loop3A_623 = arith.index_cast %parallel_loop3A_584 : i32 to index
            %parallel_loop3A_624 = arith.constant 0 : index
            %parallel_loop3A_625 = tpu.vector_load %arg16[%parallel_loop3A_622, %parallel_loop3A_623, %parallel_loop3A_624] {strides = array<i32>} : memref<9x5x128xf32, #tpu.memory_space<vmem>>, vector<1x1x16xf32>,
            %parallel_loop3A_626 = vector.shape_cast %parallel_loop3A_625 : vector<1x1x16xf32> to vector<16xf32>
            %parallel_loop3A_627 = arith.addf %parallel_loop3A_621, %parallel_loop3A_626 : vector<16xf32>
            %parallel_loop3A_628 = arith.mulf %parallel_loop3A_612, %parallel_loop3A_627 : vector<16xf32>
            %parallel_loop3A_629 = arith.index_cast %parallel_loop3A_544 : i32 to index
            %parallel_loop3A_630 = arith.constant 0 : index
            %parallel_loop3A_631 = tpu.vector_load %arg18[%parallel_loop3A_629, %parallel_loop3A_630] {strides = array<i32>} : memref<40x128xf32, #tpu.memory_space<vmem>>, vector<1x16xf32>,
            %parallel_loop3A_632 = vector.shape_cast %parallel_loop3A_631 : vector<1x16xf32> to vector<16xf32>
            %parallel_loop3A_633 = vector.shape_cast %parallel_loop3A_628 : vector<16xf32> to vector<1x16xf32>
            tpu.vector_store %arg18[%parallel_loop3A_629, %parallel_loop3A_630], %parallel_loop3A_633 {strides = array<i32>} : memref<40x128xf32, #tpu.memory_space<vmem>>, vector<1x16xf32>,
            %parallel_loop3A_634 = arith.index_cast %parallel_loop3A_544 : i32 to index
            %parallel_loop3A_635 = arith.constant 16 : index
            %parallel_loop3A_636 = tpu.vector_load %arg12[%parallel_loop3A_634, %parallel_loop3A_635] {strides = array<i32>} : memref<40x144xf32, #tpu.memory_space<vmem>>, vector<1x16xf32>,
            %parallel_loop3A_637 = vector.shape_cast %parallel_loop3A_636 : vector<1x16xf32> to vector<16xf32>
            %parallel_loop3A_638 = arith.index_cast %parallel_loop3A_544 : i32 to index
            %parallel_loop3A_639 = arith.constant 16 : index
            %parallel_loop3A_640 = tpu.vector_load %arg14[%parallel_loop3A_638, %parallel_loop3A_639] {strides = array<i32>} : memref<40x144xf32, #tpu.memory_space<vmem>>, vector<1x16xf32>,
            %parallel_loop3A_641 = vector.shape_cast %parallel_loop3A_640 : vector<1x16xf32> to vector<16xf32>
            %parallel_loop3A_642 = arith.addf %parallel_loop3A_637, %parallel_loop3A_641 : vector<16xf32>
            %parallel_loop3A_643 = arith.index_cast %parallel_loop3A_560 : i32 to index
            %parallel_loop3A_644 = arith.index_cast %parallel_loop3A_584 : i32 to index
            %parallel_loop3A_645 = arith.constant 16 : index
            %parallel_loop3A_646 = tpu.vector_load %arg16[%parallel_loop3A_643, %parallel_loop3A_644, %parallel_loop3A_645] {strides = array<i32>} : memref<9x5x128xf32, #tpu.memory_space<vmem>>, vector<1x1x16xf32>,
            %parallel_loop3A_647 = vector.shape_cast %parallel_loop3A_646 : vector<1x1x16xf32> to vector<16xf32>
            %parallel_loop3A_648 = arith.addf %parallel_loop3A_642, %parallel_loop3A_647 : vector<16xf32>
            %parallel_loop3A_649 = arith.mulf %parallel_loop3A_612, %parallel_loop3A_648 : vector<16xf32>
            %parallel_loop3A_650 = arith.index_cast %parallel_loop3A_544 : i32 to index
            %parallel_loop3A_651 = arith.constant 16 : index
            %parallel_loop3A_652 = tpu.vector_load %arg18[%parallel_loop3A_650, %parallel_loop3A_651] {strides = array<i32>} : memref<40x128xf32, #tpu.memory_space<vmem>>, vector<1x16xf32>,
            %parallel_loop3A_653 = vector.shape_cast %parallel_loop3A_652 : vector<1x16xf32> to vector<16xf32>
            %parallel_loop3A_654 = vector.shape_cast %parallel_loop3A_649 : vector<16xf32> to vector<1x16xf32>
            tpu.vector_store %arg18[%parallel_loop3A_650, %parallel_loop3A_651], %parallel_loop3A_654 {strides = array<i32>} : memref<40x128xf32, #tpu.memory_space<vmem>>, vector<1x16xf32>,
            %parallel_loop3A_655 = arith.index_cast %parallel_loop3A_544 : i32 to index
            %parallel_loop3A_656 = arith.constant 32 : index
            %parallel_loop3A_657 = tpu.vector_load %arg12[%parallel_loop3A_655, %parallel_loop3A_656] {strides = array<i32>} : memref<40x144xf32, #tpu.memory_space<vmem>>, vector<1x16xf32>,
            %parallel_loop3A_658 = vector.shape_cast %parallel_loop3A_657 : vector<1x16xf32> to vector<16xf32>
            %parallel_loop3A_659 = arith.index_cast %parallel_loop3A_544 : i32 to index
            %parallel_loop3A_660 = arith.constant 32 : index
            %parallel_loop3A_661 = tpu.vector_load %arg14[%parallel_loop3A_659, %parallel_loop3A_660] {strides = array<i32>} : memref<40x144xf32, #tpu.memory_space<vmem>>, vector<1x16xf32>,
            %parallel_loop3A_662 = vector.shape_cast %parallel_loop3A_661 : vector<1x16xf32> to vector<16xf32>
            %parallel_loop3A_663 = arith.addf %parallel_loop3A_658, %parallel_loop3A_662 : vector<16xf32>
            %parallel_loop3A_664 = arith.index_cast %parallel_loop3A_560 : i32 to index
            %parallel_loop3A_665 = arith.index_cast %parallel_loop3A_584 : i32 to index
            %parallel_loop3A_666 = arith.constant 32 : index
            %parallel_loop3A_667 = tpu.vector_load %arg16[%parallel_loop3A_664, %parallel_loop3A_665, %parallel_loop3A_666] {strides = array<i32>} : memref<9x5x128xf32, #tpu.memory_space<vmem>>, vector<1x1x16xf32>,
            %parallel_loop3A_668 = vector.shape_cast %parallel_loop3A_667 : vector<1x1x16xf32> to vector<16xf32>
            %parallel_loop3A_669 = arith.addf %parallel_loop3A_663, %parallel_loop3A_668 : vector<16xf32>
            %parallel_loop3A_670 = arith.mulf %parallel_loop3A_612, %parallel_loop3A_669 : vector<16xf32>
            %parallel_loop3A_671 = arith.index_cast %parallel_loop3A_544 : i32 to index
            %parallel_loop3A_672 = arith.constant 32 : index
            %parallel_loop3A_673 = tpu.vector_load %arg18[%parallel_loop3A_671, %parallel_loop3A_672] {strides = array<i32>} : memref<40x128xf32, #tpu.memory_space<vmem>>, vector<1x16xf32>,
            %parallel_loop3A_674 = vector.shape_cast %parallel_loop3A_673 : vector<1x16xf32> to vector<16xf32>
            %parallel_loop3A_675 = vector.shape_cast %parallel_loop3A_670 : vector<16xf32> to vector<1x16xf32>
            tpu.vector_store %arg18[%parallel_loop3A_671, %parallel_loop3A_672], %parallel_loop3A_675 {strides = array<i32>} : memref<40x128xf32, #tpu.memory_space<vmem>>, vector<1x16xf32>,
            %parallel_loop3A_676 = arith.index_cast %parallel_loop3A_544 : i32 to index
            %parallel_loop3A_677 = arith.constant 48 : index
            %parallel_loop3A_678 = tpu.vector_load %arg12[%parallel_loop3A_676, %parallel_loop3A_677] {strides = array<i32>} : memref<40x144xf32, #tpu.memory_space<vmem>>, vector<1x16xf32>,
            %parallel_loop3A_679 = vector.shape_cast %parallel_loop3A_678 : vector<1x16xf32> to vector<16xf32>
            %parallel_loop3A_680 = arith.index_cast %parallel_loop3A_544 : i32 to index
            %parallel_loop3A_681 = arith.constant 48 : index
            %parallel_loop3A_682 = tpu.vector_load %arg14[%parallel_loop3A_680, %parallel_loop3A_681] {strides = array<i32>} : memref<40x144xf32, #tpu.memory_space<vmem>>, vector<1x16xf32>,
            %parallel_loop3A_683 = vector.shape_cast %parallel_loop3A_682 : vector<1x16xf32> to vector<16xf32>
            %parallel_loop3A_684 = arith.addf %parallel_loop3A_679, %parallel_loop3A_683 : vector<16xf32>
            %parallel_loop3A_685 = arith.index_cast %parallel_loop3A_560 : i32 to index
            %parallel_loop3A_686 = arith.index_cast %parallel_loop3A_584 : i32 to index
            %parallel_loop3A_687 = arith.constant 48 : index
            %parallel_loop3A_688 = tpu.vector_load %arg16[%parallel_loop3A_685, %parallel_loop3A_686, %parallel_loop3A_687] {strides = array<i32>} : memref<9x5x128xf32, #tpu.memory_space<vmem>>, vector<1x1x16xf32>,
            %parallel_loop3A_689 = vector.shape_cast %parallel_loop3A_688 : vector<1x1x16xf32> to vector<16xf32>
            %parallel_loop3A_690 = arith.addf %parallel_loop3A_684, %parallel_loop3A_689 : vector<16xf32>
            %parallel_loop3A_691 = arith.mulf %parallel_loop3A_612, %parallel_loop3A_690 : vector<16xf32>
            %parallel_loop3A_692 = arith.index_cast %parallel_loop3A_544 : i32 to index
            %parallel_loop3A_693 = arith.constant 48 : index
            %parallel_loop3A_694 = tpu.vector_load %arg18[%parallel_loop3A_692, %parallel_loop3A_693] {strides = array<i32>} : memref<40x128xf32, #tpu.memory_space<vmem>>, vector<1x16xf32>,
            %parallel_loop3A_695 = vector.shape_cast %parallel_loop3A_694 : vector<1x16xf32> to vector<16xf32>
            %parallel_loop3A_696 = vector.shape_cast %parallel_loop3A_691 : vector<16xf32> to vector<1x16xf32>
            tpu.vector_store %arg18[%parallel_loop3A_692, %parallel_loop3A_693], %parallel_loop3A_696 {strides = array<i32>} : memref<40x128xf32, #tpu.memory_space<vmem>>, vector<1x16xf32>,
            %parallel_loop3A_697 = arith.index_cast %parallel_loop3A_544 : i32 to index
            %parallel_loop3A_698 = arith.constant 64 : index
            %parallel_loop3A_699 = tpu.vector_load %arg12[%parallel_loop3A_697, %parallel_loop3A_698] {strides = array<i32>} : memref<40x144xf32, #tpu.memory_space<vmem>>, vector<1x16xf32>,
            %parallel_loop3A_700 = vector.shape_cast %parallel_loop3A_699 : vector<1x16xf32> to vector<16xf32>
            %parallel_loop3A_701 = arith.index_cast %parallel_loop3A_544 : i32 to index
            %parallel_loop3A_702 = arith.constant 64 : index
            %parallel_loop3A_703 = tpu.vector_load %arg14[%parallel_loop3A_701, %parallel_loop3A_702] {strides = array<i32>} : memref<40x144xf32, #tpu.memory_space<vmem>>, vector<1x16xf32>,
            %parallel_loop3A_704 = vector.shape_cast %parallel_loop3A_703 : vector<1x16xf32> to vector<16xf32>
            %parallel_loop3A_705 = arith.addf %parallel_loop3A_700, %parallel_loop3A_704 : vector<16xf32>
            %parallel_loop3A_706 = arith.index_cast %parallel_loop3A_560 : i32 to index
            %parallel_loop3A_707 = arith.index_cast %parallel_loop3A_584 : i32 to index
            %parallel_loop3A_708 = arith.constant 64 : index
            %parallel_loop3A_709 = tpu.vector_load %arg16[%parallel_loop3A_706, %parallel_loop3A_707, %parallel_loop3A_708] {strides = array<i32>} : memref<9x5x128xf32, #tpu.memory_space<vmem>>, vector<1x1x16xf32>,
            %parallel_loop3A_710 = vector.shape_cast %parallel_loop3A_709 : vector<1x1x16xf32> to vector<16xf32>
            %parallel_loop3A_711 = arith.addf %parallel_loop3A_705, %parallel_loop3A_710 : vector<16xf32>
            %parallel_loop3A_712 = arith.mulf %parallel_loop3A_612, %parallel_loop3A_711 : vector<16xf32>
            %parallel_loop3A_713 = arith.index_cast %parallel_loop3A_544 : i32 to index
            %parallel_loop3A_714 = arith.constant 64 : index
            %parallel_loop3A_715 = tpu.vector_load %arg18[%parallel_loop3A_713, %parallel_loop3A_714] {strides = array<i32>} : memref<40x128xf32, #tpu.memory_space<vmem>>, vector<1x16xf32>,
            %parallel_loop3A_716 = vector.shape_cast %parallel_loop3A_715 : vector<1x16xf32> to vector<16xf32>
            %parallel_loop3A_717 = vector.shape_cast %parallel_loop3A_712 : vector<16xf32> to vector<1x16xf32>
            tpu.vector_store %arg18[%parallel_loop3A_713, %parallel_loop3A_714], %parallel_loop3A_717 {strides = array<i32>} : memref<40x128xf32, #tpu.memory_space<vmem>>, vector<1x16xf32>,
            %parallel_loop3A_718 = arith.index_cast %parallel_loop3A_544 : i32 to index
            %parallel_loop3A_719 = arith.constant 80 : index
            %parallel_loop3A_720 = tpu.vector_load %arg12[%parallel_loop3A_718, %parallel_loop3A_719] {strides = array<i32>} : memref<40x144xf32, #tpu.memory_space<vmem>>, vector<1x16xf32>,
            %parallel_loop3A_721 = vector.shape_cast %parallel_loop3A_720 : vector<1x16xf32> to vector<16xf32>
            %parallel_loop3A_722 = arith.index_cast %parallel_loop3A_544 : i32 to index
            %parallel_loop3A_723 = arith.constant 80 : index
            %parallel_loop3A_724 = tpu.vector_load %arg14[%parallel_loop3A_722, %parallel_loop3A_723] {strides = array<i32>} : memref<40x144xf32, #tpu.memory_space<vmem>>, vector<1x16xf32>,
            %parallel_loop3A_725 = vector.shape_cast %parallel_loop3A_724 : vector<1x16xf32> to vector<16xf32>
            %parallel_loop3A_726 = arith.addf %parallel_loop3A_721, %parallel_loop3A_725 : vector<16xf32>
            %parallel_loop3A_727 = arith.index_cast %parallel_loop3A_560 : i32 to index
            %parallel_loop3A_728 = arith.index_cast %parallel_loop3A_584 : i32 to index
            %parallel_loop3A_729 = arith.constant 80 : index
            %parallel_loop3A_730 = tpu.vector_load %arg16[%parallel_loop3A_727, %parallel_loop3A_728, %parallel_loop3A_729] {strides = array<i32>} : memref<9x5x128xf32, #tpu.memory_space<vmem>>, vector<1x1x16xf32>,
            %parallel_loop3A_731 = vector.shape_cast %parallel_loop3A_730 : vector<1x1x16xf32> to vector<16xf32>
            %parallel_loop3A_732 = arith.addf %parallel_loop3A_726, %parallel_loop3A_731 : vector<16xf32>
            %parallel_loop3A_733 = arith.mulf %parallel_loop3A_612, %parallel_loop3A_732 : vector<16xf32>
            %parallel_loop3A_734 = arith.index_cast %parallel_loop3A_544 : i32 to index
            %parallel_loop3A_735 = arith.constant 80 : index
            %parallel_loop3A_736 = tpu.vector_load %arg18[%parallel_loop3A_734, %parallel_loop3A_735] {strides = array<i32>} : memref<40x128xf32, #tpu.memory_space<vmem>>, vector<1x16xf32>,
            %parallel_loop3A_737 = vector.shape_cast %parallel_loop3A_736 : vector<1x16xf32> to vector<16xf32>
            %parallel_loop3A_738 = vector.shape_cast %parallel_loop3A_733 : vector<16xf32> to vector<1x16xf32>
            tpu.vector_store %arg18[%parallel_loop3A_734, %parallel_loop3A_735], %parallel_loop3A_738 {strides = array<i32>} : memref<40x128xf32, #tpu.memory_space<vmem>>, vector<1x16xf32>,
            %parallel_loop3A_739 = arith.index_cast %parallel_loop3A_544 : i32 to index
            %parallel_loop3A_740 = arith.constant 96 : index
            %parallel_loop3A_741 = tpu.vector_load %arg12[%parallel_loop3A_739, %parallel_loop3A_740] {strides = array<i32>} : memref<40x144xf32, #tpu.memory_space<vmem>>, vector<1x16xf32>,
            %parallel_loop3A_742 = vector.shape_cast %parallel_loop3A_741 : vector<1x16xf32> to vector<16xf32>
            %parallel_loop3A_743 = arith.index_cast %parallel_loop3A_544 : i32 to index
            %parallel_loop3A_744 = arith.constant 96 : index
            %parallel_loop3A_745 = tpu.vector_load %arg14[%parallel_loop3A_743, %parallel_loop3A_744] {strides = array<i32>} : memref<40x144xf32, #tpu.memory_space<vmem>>, vector<1x16xf32>,
            %parallel_loop3A_746 = vector.shape_cast %parallel_loop3A_745 : vector<1x16xf32> to vector<16xf32>
            %parallel_loop3A_747 = arith.addf %parallel_loop3A_742, %parallel_loop3A_746 : vector<16xf32>
            %parallel_loop3A_748 = arith.index_cast %parallel_loop3A_560 : i32 to index
            %parallel_loop3A_749 = arith.index_cast %parallel_loop3A_584 : i32 to index
            %parallel_loop3A_750 = arith.constant 96 : index
            %parallel_loop3A_751 = tpu.vector_load %arg16[%parallel_loop3A_748, %parallel_loop3A_749, %parallel_loop3A_750] {strides = array<i32>} : memref<9x5x128xf32, #tpu.memory_space<vmem>>, vector<1x1x16xf32>,
            %parallel_loop3A_752 = vector.shape_cast %parallel_loop3A_751 : vector<1x1x16xf32> to vector<16xf32>
            %parallel_loop3A_753 = arith.addf %parallel_loop3A_747, %parallel_loop3A_752 : vector<16xf32>
            %parallel_loop3A_754 = arith.mulf %parallel_loop3A_612, %parallel_loop3A_753 : vector<16xf32>
            %parallel_loop3A_755 = arith.index_cast %parallel_loop3A_544 : i32 to index
            %parallel_loop3A_756 = arith.constant 96 : index
            %parallel_loop3A_757 = tpu.vector_load %arg18[%parallel_loop3A_755, %parallel_loop3A_756] {strides = array<i32>} : memref<40x128xf32, #tpu.memory_space<vmem>>, vector<1x16xf32>,
            %parallel_loop3A_758 = vector.shape_cast %parallel_loop3A_757 : vector<1x16xf32> to vector<16xf32>
            %parallel_loop3A_759 = vector.shape_cast %parallel_loop3A_754 : vector<16xf32> to vector<1x16xf32>
            tpu.vector_store %arg18[%parallel_loop3A_755, %parallel_loop3A_756], %parallel_loop3A_759 {strides = array<i32>} : memref<40x128xf32, #tpu.memory_space<vmem>>, vector<1x16xf32>,
            %parallel_loop3A_760 = arith.index_cast %parallel_loop3A_544 : i32 to index
            %parallel_loop3A_761 = arith.constant 112 : index
            %parallel_loop3A_762 = tpu.vector_load %arg12[%parallel_loop3A_760, %parallel_loop3A_761] {strides = array<i32>} : memref<40x144xf32, #tpu.memory_space<vmem>>, vector<1x16xf32>,
            %parallel_loop3A_763 = vector.shape_cast %parallel_loop3A_762 : vector<1x16xf32> to vector<16xf32>
            %parallel_loop3A_764 = arith.index_cast %parallel_loop3A_544 : i32 to index
            %parallel_loop3A_765 = arith.constant 112 : index
            %parallel_loop3A_766 = tpu.vector_load %arg14[%parallel_loop3A_764, %parallel_loop3A_765] {strides = array<i32>} : memref<40x144xf32, #tpu.memory_space<vmem>>, vector<1x16xf32>,
            %parallel_loop3A_767 = vector.shape_cast %parallel_loop3A_766 : vector<1x16xf32> to vector<16xf32>
            %parallel_loop3A_768 = arith.addf %parallel_loop3A_763, %parallel_loop3A_767 : vector<16xf32>
            %parallel_loop3A_769 = arith.index_cast %parallel_loop3A_560 : i32 to index
            %parallel_loop3A_770 = arith.index_cast %parallel_loop3A_584 : i32 to index
            %parallel_loop3A_771 = arith.constant 112 : index
            %parallel_loop3A_772 = tpu.vector_load %arg16[%parallel_loop3A_769, %parallel_loop3A_770, %parallel_loop3A_771] {strides = array<i32>} : memref<9x5x128xf32, #tpu.memory_space<vmem>>, vector<1x1x16xf32>,
            %parallel_loop3A_773 = vector.shape_cast %parallel_loop3A_772 : vector<1x1x16xf32> to vector<16xf32>
            %parallel_loop3A_774 = arith.addf %parallel_loop3A_768, %parallel_loop3A_773 : vector<16xf32>
            %parallel_loop3A_775 = arith.mulf %parallel_loop3A_612, %parallel_loop3A_774 : vector<16xf32>
            %parallel_loop3A_776 = arith.index_cast %parallel_loop3A_544 : i32 to index
            %parallel_loop3A_777 = arith.constant 112 : index
            %parallel_loop3A_778 = tpu.vector_load %arg18[%parallel_loop3A_776, %parallel_loop3A_777] {strides = array<i32>} : memref<40x128xf32, #tpu.memory_space<vmem>>, vector<1x16xf32>,
            %parallel_loop3A_779 = vector.shape_cast %parallel_loop3A_778 : vector<1x16xf32> to vector<16xf32>
            %parallel_loop3A_780 = vector.shape_cast %parallel_loop3A_775 : vector<16xf32> to vector<1x16xf32>
            tpu.vector_store %arg18[%parallel_loop3A_776, %parallel_loop3A_777], %parallel_loop3A_780 {strides = array<i32>} : memref<40x128xf32, #tpu.memory_space<vmem>>, vector<1x16xf32>,
          } {sc.loop_unroll_factor = 4 : i64, sc.parallel_access}
          %add3A_535 = arith.addi %mul3A_2, %add3A_485 : i32
          %mul3A_536 = arith.constant 40 : i32
          %mul3A_537 = arith.muli %add3A_535, %mul3A_536 : i32
          %dma_start3A_538 = arith.constant 0 : i32
          %dma_start3A_539 = tpu.memref_slice %arg7[%mul3A_537, %dma_start3A_538] : memref<320000x128xf32, #tpu.memory_space<hbm>> -> memref<40x128xf32, #tpu.memory_space<hbm>>
          %dma_start3A_540 = arith.constant 0 : i32
          %dma_start3A_541 = tpu.memref_slice %arg7[%mul3A_537, %dma_start3A_540] : memref<320000x128xf32, #tpu.memory_space<hbm>> -> memref<40x128xf32, #tpu.memory_space<hbm>>
          tpu.enqueue_dma source(%arg18 : memref<40x128xf32, #tpu.memory_space<vmem>>) target(%dma_start3A_541 : memref<40x128xf32, #tpu.memory_space<hbm>>) target_semaphore(%arg24 : memref<!tpu.dma_semaphore, #tpu.memory_space<semaphore_mem>>)
          %mul3A_542 = arith.constant 40 : i32
          %mul3A_543 = arith.muli %add3A_482, %mul3A_542 : i32
          "tpu.region"() ({
            %run_scoped3A = tpu.sem_alloc : memref<!tpu.dma_semaphore, #tpu.memory_space<semaphore_mem>>
            %dma_start3A_544 = tpu.memref_slice %arg11[%mul3A_543] : memref<1000xi32, #tpu.memory_space<vmem>> -> memref<40xi32, #tpu.memory_space<vmem>>
            %dma_start3A_545 = arith.constant 0 : i32
            %dma_start3A_546 = arith.constant 0 : i32
            %dma_start3A_547 = tpu.memref_slice %arg20[%dma_start3A_545, %dma_start3A_546] : memref<10240x128xf32, #tpu.memory_space<vmem_shared>> -> memref<10240x128xf32, #tpu.memory_space<vmem_shared>>
            tpu.enqueue_indirect_dma source(%arg18 : memref<40x128xf32, #tpu.memory_space<vmem>>) target(%dma_start3A_547 : memref<10240x128xf32, #tpu.memory_space<vmem_shared>>) offsets(%dma_start3A_544 : memref<40xi32, #tpu.memory_space<vmem>>) semaphore(%run_scoped3A : memref<!tpu.dma_semaphore, #tpu.memory_space<semaphore_mem>>) {add = true}
            %dma_wait3A_548 = tpu.memref_slice %arg11[%mul3A_543] : memref<1000xi32, #tpu.memory_space<vmem>> -> memref<40xi32, #tpu.memory_space<vmem>>
            %dma_wait3A_549 = arith.constant 0 : i32
            %dma_wait3A_550 = arith.constant 0 : i32
            %dma_wait3A_551 = tpu.memref_slice %arg20[%dma_wait3A_549, %dma_wait3A_550] : memref<10240x128xf32, #tpu.memory_space<vmem_shared>> -> memref<10240x128xf32, #tpu.memory_space<vmem_shared>>
            tpu.wait_indirect_dma semaphore(%run_scoped3A : memref<!tpu.dma_semaphore, #tpu.memory_space<semaphore_mem>>) src(%arg18 : memref<40x128xf32, #tpu.memory_space<vmem>>) dst(%dma_wait3A_551 : memref<10240x128xf32, #tpu.memory_space<vmem_shared>>)
            tpu.yield
          }) : () -> ()
        } else {
        }
        %mul3A_490 = arith.constant 2 : i32
        %mul3A_491 = arith.muli %mul3A_490, %scan3A_478 : i32
        %add3A_492 = arith.constant 1 : i32
        %add3A_493 = arith.addi %mul3A_491, %add3A_492 : i32
        %mul3A_494 = arith.constant 25 : i32
        %mul3A_495 = arith.muli %scan3A_442, %mul3A_494 : i32
        %add3A_496 = arith.addi %mul3A_495, %add3A_493 : i32
        %lt3A_497 = arith.constant 25 : i32
        %lt3A_498 = arith.cmpi slt, %add3A_493, %lt3A_497 : i32
        %convert_element_type3A_499 = arith.extui %lt3A_498 : i1 to i32
        %cond3A_500 = arith.constant 0 : i32
        %cond3A_501 = arith.cmpi ne, %convert_element_type3A_499, %cond3A_500 : i32
        scf.if %cond3A_501 {
          %add3A_502 = arith.constant 1 : i32
          %add3A_503 = arith.addi %add3A_493, %add3A_502 : i32
          %lt3A_504 = arith.constant 25 : i32
          %lt3A_505 = arith.cmpi slt, %add3A_503, %lt3A_504 : i32
          %convert_element_type3A_506 = arith.extui %lt3A_505 : i1 to i32
          %cond3A_507 = arith.constant 0 : i32
          %cond3A_508 = arith.cmpi ne, %convert_element_type3A_506, %cond3A_507 : i32
          scf.if %cond3A_508 {
            %add3A_544 = arith.constant 1 : i32
            %add3A_545 = arith.addi %add3A_493, %add3A_544 : i32
            %mul3A_546 = arith.constant 25 : i32
            %mul3A_547 = arith.muli %scan3A_442, %mul3A_546 : i32
            %add3A_548 = arith.addi %mul3A_2, %mul3A_547 : i32
            %add3A_549 = arith.addi %add3A_548, %add3A_545 : i32
            %mul3A_550 = arith.constant 40 : i32
            %mul3A_551 = arith.muli %add3A_545, %mul3A_550 : i32
            %dma_start3A_552 = tpu.memref_slice %arg10[%mul3A_551] : memref<1000xi32, #tpu.memory_space<vmem>> -> memref<40xi32, #tpu.memory_space<vmem>>
            %dma_start3A_553 = arith.constant 0 : i32
            %dma_start3A_554 = arith.constant 0 : i32
            %dma_start3A_555 = tpu.memref_slice %arg2[%dma_start3A_553, %dma_start3A_554] : memref<10000x144xf32, #tpu.memory_space<hbm>> -> memref<10000x144xf32, #tpu.memory_space<hbm>>
            tpu.enqueue_indirect_dma source(%dma_start3A_555 : memref<10000x144xf32, #tpu.memory_space<hbm>>) target(%arg12 : memref<40x144xf32, #tpu.memory_space<vmem>>) offsets(%dma_start3A_552 : memref<40xi32, #tpu.memory_space<vmem>>) semaphore(%arg22 : memref<!tpu.dma_semaphore, #tpu.memory_space<semaphore_mem>>)
            %mul3A_556 = arith.constant 40 : i32
            %mul3A_557 = arith.muli %add3A_545, %mul3A_556 : i32
            %dma_start3A_558 = tpu.memref_slice %arg11[%mul3A_557] : memref<1000xi32, #tpu.memory_space<vmem>> -> memref<40xi32, #tpu.memory_space<vmem>>
            %dma_start3A_559 = arith.constant 0 : i32
            %dma_start3A_560 = arith.constant 0 : i32
            %dma_start3A_561 = tpu.memref_slice %arg3[%dma_start3A_559, %dma_start3A_560] : memref<10000x144xf32, #tpu.memory_space<hbm>> -> memref<10000x144xf32, #tpu.memory_space<hbm>>
            tpu.enqueue_indirect_dma source(%dma_start3A_561 : memref<10000x144xf32, #tpu.memory_space<hbm>>) target(%arg14 : memref<40x144xf32, #tpu.memory_space<vmem>>) offsets(%dma_start3A_558 : memref<40xi32, #tpu.memory_space<vmem>>) semaphore(%arg22 : memref<!tpu.dma_semaphore, #tpu.memory_space<semaphore_mem>>)
            %mul3A_562 = arith.constant 5 : i32
            %mul3A_563 = arith.muli %add3A_549, %mul3A_562 : i32
            %dma_start3A_564 = arith.constant 0 : i32
            %dma_start3A_565 = arith.constant 0 : i32
            %dma_start3A_566 = tpu.memref_slice %arg4[%dma_start3A_564, %mul3A_563, %dma_start3A_565] : memref<9x40000x128xf32, #tpu.memory_space<hbm>> -> memref<9x5x128xf32, #tpu.memory_space<hbm>>
            %dma_start3A_567 = arith.constant 0 : i32
            %dma_start3A_568 = arith.constant 0 : i32
            %dma_start3A_569 = tpu.memref_slice %arg4[%dma_start3A_567, %mul3A_563, %dma_start3A_568] : memref<9x40000x128xf32, #tpu.memory_space<hbm>> -> memref<9x5x128xf32, #tpu.memory_space<hbm>>
            tpu.enqueue_dma source(%dma_start3A_569 : memref<9x5x128xf32, #tpu.memory_space<hbm>>) target(%arg16 : memref<9x5x128xf32, #tpu.memory_space<vmem>>) target_semaphore(%arg22 : memref<!tpu.dma_semaphore, #tpu.memory_space<semaphore_mem>>)
          } else {
          }
          %dma_wait3A_509 = arith.constant 0 : i32
          %dma_wait3A_510 = arith.constant 0 : i32
          %dma_wait3A_511 = tpu.memref_slice %arg2[%dma_wait3A_509, %dma_wait3A_510] : memref<10000x144xf32, #tpu.memory_space<hbm>> -> memref<40x144xf32, #tpu.memory_space<hbm>>
          %dma_wait3A_512 = arith.constant 0 : i32
          %dma_wait3A_513 = arith.constant 0 : i32
          %dma_wait3A_514 = tpu.memref_slice %arg2[%dma_wait3A_512, %dma_wait3A_513] : memref<10000x144xf32, #tpu.memory_space<hbm>> -> memref<40x144xf32, #tpu.memory_space<hbm>>
          tpu.wait_dma2 semaphore(%arg23 : memref<!tpu.dma_semaphore, #tpu.memory_space<semaphore_mem>>) src(%dma_wait3A_514 : memref<40x144xf32, #tpu.memory_space<hbm>>) dst(%arg13 : memref<40x144xf32, #tpu.memory_space<vmem>>)
          %dma_wait3A_515 = arith.constant 0 : i32
          %dma_wait3A_516 = arith.constant 0 : i32
          %dma_wait3A_517 = tpu.memref_slice %arg3[%dma_wait3A_515, %dma_wait3A_516] : memref<10000x144xf32, #tpu.memory_space<hbm>> -> memref<40x144xf32, #tpu.memory_space<hbm>>
          %dma_wait3A_518 = arith.constant 0 : i32
          %dma_wait3A_519 = arith.constant 0 : i32
          %dma_wait3A_520 = tpu.memref_slice %arg3[%dma_wait3A_518, %dma_wait3A_519] : memref<10000x144xf32, #tpu.memory_space<hbm>> -> memref<40x144xf32, #tpu.memory_space<hbm>>
          tpu.wait_dma2 semaphore(%arg23 : memref<!tpu.dma_semaphore, #tpu.memory_space<semaphore_mem>>) src(%dma_wait3A_520 : memref<40x144xf32, #tpu.memory_space<hbm>>) dst(%arg15 : memref<40x144xf32, #tpu.memory_space<vmem>>)
          %dma_wait3A_521 = arith.constant 0 : i32
          %dma_wait3A_522 = arith.constant 0 : i32
          %dma_wait3A_523 = arith.constant 0 : i32
          %dma_wait3A_524 = tpu.memref_slice %arg4[%dma_wait3A_521, %dma_wait3A_522, %dma_wait3A_523] : memref<9x40000x128xf32, #tpu.memory_space<hbm>> -> memref<9x5x128xf32, #tpu.memory_space<hbm>>
          %dma_wait3A_525 = arith.constant 0 : i32
          %dma_wait3A_526 = arith.constant 0 : i32
          %dma_wait3A_527 = arith.constant 0 : i32
          %dma_wait3A_528 = tpu.memref_slice %arg4[%dma_wait3A_525, %dma_wait3A_526, %dma_wait3A_527] : memref<9x40000x128xf32, #tpu.memory_space<hbm>> -> memref<9x5x128xf32, #tpu.memory_space<hbm>>
          tpu.wait_dma2 semaphore(%arg23 : memref<!tpu.dma_semaphore, #tpu.memory_space<semaphore_mem>>) src(%dma_wait3A_528 : memref<9x5x128xf32, #tpu.memory_space<hbm>>) dst(%arg17 : memref<9x5x128xf32, #tpu.memory_space<vmem>>)
          %ge3A = arith.constant 2 : i32
          %ge3A_529 = arith.cmpi sge, %add3A_496, %ge3A : i32
          %convert_element_type3A_530 = arith.extui %ge3A_529 : i1 to i32
          %cond3A_531 = arith.constant 0 : i32
          %cond3A_532 = arith.cmpi ne, %convert_element_type3A_530, %cond3A_531 : i32
          scf.if %cond3A_532 {
            %dma_wait3A_544 = arith.constant 0 : i32
            %dma_wait3A_545 = arith.constant 0 : i32
            %dma_wait3A_546 = tpu.memref_slice %arg7[%dma_wait3A_544, %dma_wait3A_545] : memref<320000x128xf32, #tpu.memory_space<hbm>> -> memref<40x128xf32, #tpu.memory_space<hbm>>
            %dma_wait3A_547 = arith.constant 0 : i32
            %dma_wait3A_548 = arith.constant 0 : i32
            %dma_wait3A_549 = tpu.memref_slice %arg7[%dma_wait3A_547, %dma_wait3A_548] : memref<320000x128xf32, #tpu.memory_space<hbm>> -> memref<40x128xf32, #tpu.memory_space<hbm>>
            tpu.wait_dma2 semaphore(%arg25 : memref<!tpu.dma_semaphore, #tpu.memory_space<semaphore_mem>>) src(%arg19 : memref<40x128xf32, #tpu.memory_space<vmem>>) dst(%dma_wait3A_549 : memref<40x128xf32, #tpu.memory_space<hbm>>)
          } else {
          }
          %parallel_loop3A = arith.constant 0 : i32
          %parallel_loop3A_533 = arith.constant 40 : i32
          %parallel_loop3A_534 = arith.constant 1 : i32
          scf.for %parallel_loop3A_544 = %parallel_loop3A to %parallel_loop3A_533 step %parallel_loop3A_534  : i32 {
            %parallel_loop3A_545 = arith.constant 8 : i32
            %parallel_loop3A_546 = arith.constant 0 : i32
            %parallel_loop3A_547 = arith.cmpi eq, %parallel_loop3A_545, %parallel_loop3A_546 : i32
            %parallel_loop3A_548 = arith.constant 1 : i32
            %parallel_loop3A_549 = arith.select %parallel_loop3A_547, %parallel_loop3A_548, %parallel_loop3A_545 : i32
            %parallel_loop3A_550 = arith.remsi %parallel_loop3A_544, %parallel_loop3A_549 : i32
            %parallel_loop3A_551 = arith.constant 0 : i32
            %parallel_loop3A_552 = arith.cmpi ne, %parallel_loop3A_550, %parallel_loop3A_551 : i32
            %parallel_loop3A_553 = arith.constant 0 : i32
            %parallel_loop3A_554 = arith.cmpi slt, %parallel_loop3A_550, %parallel_loop3A_553 : i32
            %parallel_loop3A_555 = arith.constant 0 : i32
            %parallel_loop3A_556 = arith.cmpi slt, %parallel_loop3A_549, %parallel_loop3A_555 : i32
            %parallel_loop3A_557 = arith.xori %parallel_loop3A_554, %parallel_loop3A_556 : i1
            %parallel_loop3A_558 = arith.andi %parallel_loop3A_557, %parallel_loop3A_552 : i1
            %parallel_loop3A_559 = arith.addi %parallel_loop3A_550, %parallel_loop3A_549 : i32
            %parallel_loop3A_560 = arith.select %parallel_loop3A_558, %parallel_loop3A_559, %parallel_loop3A_550 : i32
            %parallel_loop3A_561 = arith.constant 8 : i32
            %parallel_loop3A_562 = arith.divsi %parallel_loop3A_544, %parallel_loop3A_561 : i32
            %parallel_loop3A_563 = arith.constant 0 : i32
            %parallel_loop3A_564 = arith.cmpi sgt, %parallel_loop3A_544, %parallel_loop3A_563 : i32
            %parallel_loop3A_565 = arith.extui %parallel_loop3A_564 : i1 to i32
            %parallel_loop3A_566 = arith.constant 0 : i32
            %parallel_loop3A_567 = arith.cmpi slt, %parallel_loop3A_544, %parallel_loop3A_566 : i32
            %parallel_loop3A_568 = arith.extui %parallel_loop3A_567 : i1 to i32
            %parallel_loop3A_569 = arith.subi %parallel_loop3A_565, %parallel_loop3A_568 : i32
            %parallel_loop3A_570 = arith.constant 0 : i32
            %parallel_loop3A_571 = arith.cmpi sgt, %parallel_loop3A_561, %parallel_loop3A_570 : i32
            %parallel_loop3A_572 = arith.extui %parallel_loop3A_571 : i1 to i32
            %parallel_loop3A_573 = arith.constant 0 : i32
            %parallel_loop3A_574 = arith.cmpi slt, %parallel_loop3A_561, %parallel_loop3A_573 : i32
            %parallel_loop3A_575 = arith.extui %parallel_loop3A_574 : i1 to i32
            %parallel_loop3A_576 = arith.subi %parallel_loop3A_572, %parallel_loop3A_575 : i32
            %parallel_loop3A_577 = arith.cmpi ne, %parallel_loop3A_569, %parallel_loop3A_576 : i32
            %parallel_loop3A_578 = arith.remsi %parallel_loop3A_544, %parallel_loop3A_561 : i32
            %parallel_loop3A_579 = arith.constant 0 : i32
            %parallel_loop3A_580 = arith.cmpi ne, %parallel_loop3A_578, %parallel_loop3A_579 : i32
            %parallel_loop3A_581 = arith.andi %parallel_loop3A_577, %parallel_loop3A_580 : i1
            %parallel_loop3A_582 = arith.constant 1 : i32
            %parallel_loop3A_583 = arith.subi %parallel_loop3A_562, %parallel_loop3A_582 : i32
            %parallel_loop3A_584 = arith.select %parallel_loop3A_581, %parallel_loop3A_583, %parallel_loop3A_562 : i32
            %parallel_loop3A_585 = arith.index_cast %parallel_loop3A_544 : i32 to index
            %parallel_loop3A_586 = arith.constant 128 : index
            %parallel_loop3A_587 = tpu.vector_load %arg13[%parallel_loop3A_585, %parallel_loop3A_586] {strides = array<i32>} : memref<40x144xf32, #tpu.memory_space<vmem>>, vector<1x16xf32>,
            %parallel_loop3A_588 = vector.shape_cast %parallel_loop3A_587 : vector<1x16xf32> to vector<16xf32>
            %parallel_loop3A_589 = arith.index_cast %parallel_loop3A_544 : i32 to index
            %parallel_loop3A_590 = arith.constant 128 : index
            %parallel_loop3A_591 = tpu.vector_load %arg15[%parallel_loop3A_589, %parallel_loop3A_590] {strides = array<i32>} : memref<40x144xf32, #tpu.memory_space<vmem>>, vector<1x16xf32>,
            %parallel_loop3A_592 = vector.shape_cast %parallel_loop3A_591 : vector<1x16xf32> to vector<16xf32>
            %parallel_loop3A_593 = arith.addf %parallel_loop3A_588, %parallel_loop3A_592 : vector<16xf32>
            %parallel_loop3A_594 = arith.constant 16 : i32
            %parallel_loop3A_595 = arith.muli %parallel_loop3A_560, %parallel_loop3A_594 : i32
            %parallel_loop3A_596 = arith.constant 8 : i32
            %parallel_loop3A_597 = arith.index_cast %parallel_loop3A_596 : i32 to index
            %parallel_loop3A_598 = arith.index_cast %parallel_loop3A_584 : i32 to index
            %parallel_loop3A_599 = arith.index_cast %parallel_loop3A_595 : i32 to index
            %parallel_loop3A_600 = tpu.vector_load %arg17[%parallel_loop3A_597, %parallel_loop3A_598, %parallel_loop3A_599] {strides = array<i32>} : memref<9x5x128xf32, #tpu.memory_space<vmem>>, vector<1x1x16xf32>,
            %parallel_loop3A_601 = vector.shape_cast %parallel_loop3A_600 : vector<1x1x16xf32> to vector<16xf32>
            %parallel_loop3A_602 = arith.addf %parallel_loop3A_593, %parallel_loop3A_601 : vector<16xf32>
            %parallel_loop3A_603 = arith.constant 0.000000e+00 : f32
            %parallel_loop3A_604 = vector.broadcast %parallel_loop3A_603 : f32 to vector<16xf32>
            %parallel_loop3A_605 = arith.subf %parallel_loop3A_604, %parallel_loop3A_602 : vector<16xf32>
            %parallel_loop3A_606 = math.exp %parallel_loop3A_605 : vector<16xf32>
            %parallel_loop3A_607 = arith.constant 1.000000e+00 : f32
            %parallel_loop3A_608 = vector.broadcast %parallel_loop3A_607 : f32 to vector<16xf32>
            %parallel_loop3A_609 = arith.addf %parallel_loop3A_608, %parallel_loop3A_606 : vector<16xf32>
            %parallel_loop3A_610 = arith.constant 1.000000e+00 : f32
            %parallel_loop3A_611 = vector.broadcast %parallel_loop3A_610 : f32 to vector<16xf32>
            %parallel_loop3A_612 = arith.divf %parallel_loop3A_611, %parallel_loop3A_609 : vector<16xf32>
            %parallel_loop3A_613 = arith.index_cast %parallel_loop3A_544 : i32 to index
            %parallel_loop3A_614 = arith.constant 0 : index
            %parallel_loop3A_615 = tpu.vector_load %arg13[%parallel_loop3A_613, %parallel_loop3A_614] {strides = array<i32>} : memref<40x144xf32, #tpu.memory_space<vmem>>, vector<1x16xf32>,
            %parallel_loop3A_616 = vector.shape_cast %parallel_loop3A_615 : vector<1x16xf32> to vector<16xf32>
            %parallel_loop3A_617 = arith.index_cast %parallel_loop3A_544 : i32 to index
            %parallel_loop3A_618 = arith.constant 0 : index
            %parallel_loop3A_619 = tpu.vector_load %arg15[%parallel_loop3A_617, %parallel_loop3A_618] {strides = array<i32>} : memref<40x144xf32, #tpu.memory_space<vmem>>, vector<1x16xf32>,
            %parallel_loop3A_620 = vector.shape_cast %parallel_loop3A_619 : vector<1x16xf32> to vector<16xf32>
            %parallel_loop3A_621 = arith.addf %parallel_loop3A_616, %parallel_loop3A_620 : vector<16xf32>
            %parallel_loop3A_622 = arith.index_cast %parallel_loop3A_560 : i32 to index
            %parallel_loop3A_623 = arith.index_cast %parallel_loop3A_584 : i32 to index
            %parallel_loop3A_624 = arith.constant 0 : index
            %parallel_loop3A_625 = tpu.vector_load %arg17[%parallel_loop3A_622, %parallel_loop3A_623, %parallel_loop3A_624] {strides = array<i32>} : memref<9x5x128xf32, #tpu.memory_space<vmem>>, vector<1x1x16xf32>,
            %parallel_loop3A_626 = vector.shape_cast %parallel_loop3A_625 : vector<1x1x16xf32> to vector<16xf32>
            %parallel_loop3A_627 = arith.addf %parallel_loop3A_621, %parallel_loop3A_626 : vector<16xf32>
            %parallel_loop3A_628 = arith.mulf %parallel_loop3A_612, %parallel_loop3A_627 : vector<16xf32>
            %parallel_loop3A_629 = arith.index_cast %parallel_loop3A_544 : i32 to index
            %parallel_loop3A_630 = arith.constant 0 : index
            %parallel_loop3A_631 = tpu.vector_load %arg19[%parallel_loop3A_629, %parallel_loop3A_630] {strides = array<i32>} : memref<40x128xf32, #tpu.memory_space<vmem>>, vector<1x16xf32>,
            %parallel_loop3A_632 = vector.shape_cast %parallel_loop3A_631 : vector<1x16xf32> to vector<16xf32>
            %parallel_loop3A_633 = vector.shape_cast %parallel_loop3A_628 : vector<16xf32> to vector<1x16xf32>
            tpu.vector_store %arg19[%parallel_loop3A_629, %parallel_loop3A_630], %parallel_loop3A_633 {strides = array<i32>} : memref<40x128xf32, #tpu.memory_space<vmem>>, vector<1x16xf32>,
            %parallel_loop3A_634 = arith.index_cast %parallel_loop3A_544 : i32 to index
            %parallel_loop3A_635 = arith.constant 16 : index
            %parallel_loop3A_636 = tpu.vector_load %arg13[%parallel_loop3A_634, %parallel_loop3A_635] {strides = array<i32>} : memref<40x144xf32, #tpu.memory_space<vmem>>, vector<1x16xf32>,
            %parallel_loop3A_637 = vector.shape_cast %parallel_loop3A_636 : vector<1x16xf32> to vector<16xf32>
            %parallel_loop3A_638 = arith.index_cast %parallel_loop3A_544 : i32 to index
            %parallel_loop3A_639 = arith.constant 16 : index
            %parallel_loop3A_640 = tpu.vector_load %arg15[%parallel_loop3A_638, %parallel_loop3A_639] {strides = array<i32>} : memref<40x144xf32, #tpu.memory_space<vmem>>, vector<1x16xf32>,
            %parallel_loop3A_641 = vector.shape_cast %parallel_loop3A_640 : vector<1x16xf32> to vector<16xf32>
            %parallel_loop3A_642 = arith.addf %parallel_loop3A_637, %parallel_loop3A_641 : vector<16xf32>
            %parallel_loop3A_643 = arith.index_cast %parallel_loop3A_560 : i32 to index
            %parallel_loop3A_644 = arith.index_cast %parallel_loop3A_584 : i32 to index
            %parallel_loop3A_645 = arith.constant 16 : index
            %parallel_loop3A_646 = tpu.vector_load %arg17[%parallel_loop3A_643, %parallel_loop3A_644, %parallel_loop3A_645] {strides = array<i32>} : memref<9x5x128xf32, #tpu.memory_space<vmem>>, vector<1x1x16xf32>,
            %parallel_loop3A_647 = vector.shape_cast %parallel_loop3A_646 : vector<1x1x16xf32> to vector<16xf32>
            %parallel_loop3A_648 = arith.addf %parallel_loop3A_642, %parallel_loop3A_647 : vector<16xf32>
            %parallel_loop3A_649 = arith.mulf %parallel_loop3A_612, %parallel_loop3A_648 : vector<16xf32>
            %parallel_loop3A_650 = arith.index_cast %parallel_loop3A_544 : i32 to index
            %parallel_loop3A_651 = arith.constant 16 : index
            %parallel_loop3A_652 = tpu.vector_load %arg19[%parallel_loop3A_650, %parallel_loop3A_651] {strides = array<i32>} : memref<40x128xf32, #tpu.memory_space<vmem>>, vector<1x16xf32>,
            %parallel_loop3A_653 = vector.shape_cast %parallel_loop3A_652 : vector<1x16xf32> to vector<16xf32>
            %parallel_loop3A_654 = vector.shape_cast %parallel_loop3A_649 : vector<16xf32> to vector<1x16xf32>
            tpu.vector_store %arg19[%parallel_loop3A_650, %parallel_loop3A_651], %parallel_loop3A_654 {strides = array<i32>} : memref<40x128xf32, #tpu.memory_space<vmem>>, vector<1x16xf32>,
            %parallel_loop3A_655 = arith.index_cast %parallel_loop3A_544 : i32 to index
            %parallel_loop3A_656 = arith.constant 32 : index
            %parallel_loop3A_657 = tpu.vector_load %arg13[%parallel_loop3A_655, %parallel_loop3A_656] {strides = array<i32>} : memref<40x144xf32, #tpu.memory_space<vmem>>, vector<1x16xf32>,
            %parallel_loop3A_658 = vector.shape_cast %parallel_loop3A_657 : vector<1x16xf32> to vector<16xf32>
            %parallel_loop3A_659 = arith.index_cast %parallel_loop3A_544 : i32 to index
            %parallel_loop3A_660 = arith.constant 32 : index
            %parallel_loop3A_661 = tpu.vector_load %arg15[%parallel_loop3A_659, %parallel_loop3A_660] {strides = array<i32>} : memref<40x144xf32, #tpu.memory_space<vmem>>, vector<1x16xf32>,
            %parallel_loop3A_662 = vector.shape_cast %parallel_loop3A_661 : vector<1x16xf32> to vector<16xf32>
            %parallel_loop3A_663 = arith.addf %parallel_loop3A_658, %parallel_loop3A_662 : vector<16xf32>
            %parallel_loop3A_664 = arith.index_cast %parallel_loop3A_560 : i32 to index
            %parallel_loop3A_665 = arith.index_cast %parallel_loop3A_584 : i32 to index
            %parallel_loop3A_666 = arith.constant 32 : index
            %parallel_loop3A_667 = tpu.vector_load %arg17[%parallel_loop3A_664, %parallel_loop3A_665, %parallel_loop3A_666] {strides = array<i32>} : memref<9x5x128xf32, #tpu.memory_space<vmem>>, vector<1x1x16xf32>,
            %parallel_loop3A_668 = vector.shape_cast %parallel_loop3A_667 : vector<1x1x16xf32> to vector<16xf32>
            %parallel_loop3A_669 = arith.addf %parallel_loop3A_663, %parallel_loop3A_668 : vector<16xf32>
            %parallel_loop3A_670 = arith.mulf %parallel_loop3A_612, %parallel_loop3A_669 : vector<16xf32>
            %parallel_loop3A_671 = arith.index_cast %parallel_loop3A_544 : i32 to index
            %parallel_loop3A_672 = arith.constant 32 : index
            %parallel_loop3A_673 = tpu.vector_load %arg19[%parallel_loop3A_671, %parallel_loop3A_672] {strides = array<i32>} : memref<40x128xf32, #tpu.memory_space<vmem>>, vector<1x16xf32>,
            %parallel_loop3A_674 = vector.shape_cast %parallel_loop3A_673 : vector<1x16xf32> to vector<16xf32>
            %parallel_loop3A_675 = vector.shape_cast %parallel_loop3A_670 : vector<16xf32> to vector<1x16xf32>
            tpu.vector_store %arg19[%parallel_loop3A_671, %parallel_loop3A_672], %parallel_loop3A_675 {strides = array<i32>} : memref<40x128xf32, #tpu.memory_space<vmem>>, vector<1x16xf32>,
            %parallel_loop3A_676 = arith.index_cast %parallel_loop3A_544 : i32 to index
            %parallel_loop3A_677 = arith.constant 48 : index
            %parallel_loop3A_678 = tpu.vector_load %arg13[%parallel_loop3A_676, %parallel_loop3A_677] {strides = array<i32>} : memref<40x144xf32, #tpu.memory_space<vmem>>, vector<1x16xf32>,
            %parallel_loop3A_679 = vector.shape_cast %parallel_loop3A_678 : vector<1x16xf32> to vector<16xf32>
            %parallel_loop3A_680 = arith.index_cast %parallel_loop3A_544 : i32 to index
            %parallel_loop3A_681 = arith.constant 48 : index
            %parallel_loop3A_682 = tpu.vector_load %arg15[%parallel_loop3A_680, %parallel_loop3A_681] {strides = array<i32>} : memref<40x144xf32, #tpu.memory_space<vmem>>, vector<1x16xf32>,
            %parallel_loop3A_683 = vector.shape_cast %parallel_loop3A_682 : vector<1x16xf32> to vector<16xf32>
            %parallel_loop3A_684 = arith.addf %parallel_loop3A_679, %parallel_loop3A_683 : vector<16xf32>
            %parallel_loop3A_685 = arith.index_cast %parallel_loop3A_560 : i32 to index
            %parallel_loop3A_686 = arith.index_cast %parallel_loop3A_584 : i32 to index
            %parallel_loop3A_687 = arith.constant 48 : index
            %parallel_loop3A_688 = tpu.vector_load %arg17[%parallel_loop3A_685, %parallel_loop3A_686, %parallel_loop3A_687] {strides = array<i32>} : memref<9x5x128xf32, #tpu.memory_space<vmem>>, vector<1x1x16xf32>,
            %parallel_loop3A_689 = vector.shape_cast %parallel_loop3A_688 : vector<1x1x16xf32> to vector<16xf32>
            %parallel_loop3A_690 = arith.addf %parallel_loop3A_684, %parallel_loop3A_689 : vector<16xf32>
            %parallel_loop3A_691 = arith.mulf %parallel_loop3A_612, %parallel_loop3A_690 : vector<16xf32>
            %parallel_loop3A_692 = arith.index_cast %parallel_loop3A_544 : i32 to index
            %parallel_loop3A_693 = arith.constant 48 : index
            %parallel_loop3A_694 = tpu.vector_load %arg19[%parallel_loop3A_692, %parallel_loop3A_693] {strides = array<i32>} : memref<40x128xf32, #tpu.memory_space<vmem>>, vector<1x16xf32>,
            %parallel_loop3A_695 = vector.shape_cast %parallel_loop3A_694 : vector<1x16xf32> to vector<16xf32>
            %parallel_loop3A_696 = vector.shape_cast %parallel_loop3A_691 : vector<16xf32> to vector<1x16xf32>
            tpu.vector_store %arg19[%parallel_loop3A_692, %parallel_loop3A_693], %parallel_loop3A_696 {strides = array<i32>} : memref<40x128xf32, #tpu.memory_space<vmem>>, vector<1x16xf32>,
            %parallel_loop3A_697 = arith.index_cast %parallel_loop3A_544 : i32 to index
            %parallel_loop3A_698 = arith.constant 64 : index
            %parallel_loop3A_699 = tpu.vector_load %arg13[%parallel_loop3A_697, %parallel_loop3A_698] {strides = array<i32>} : memref<40x144xf32, #tpu.memory_space<vmem>>, vector<1x16xf32>,
            %parallel_loop3A_700 = vector.shape_cast %parallel_loop3A_699 : vector<1x16xf32> to vector<16xf32>
            %parallel_loop3A_701 = arith.index_cast %parallel_loop3A_544 : i32 to index
            %parallel_loop3A_702 = arith.constant 64 : index
            %parallel_loop3A_703 = tpu.vector_load %arg15[%parallel_loop3A_701, %parallel_loop3A_702] {strides = array<i32>} : memref<40x144xf32, #tpu.memory_space<vmem>>, vector<1x16xf32>,
            %parallel_loop3A_704 = vector.shape_cast %parallel_loop3A_703 : vector<1x16xf32> to vector<16xf32>
            %parallel_loop3A_705 = arith.addf %parallel_loop3A_700, %parallel_loop3A_704 : vector<16xf32>
            %parallel_loop3A_706 = arith.index_cast %parallel_loop3A_560 : i32 to index
            %parallel_loop3A_707 = arith.index_cast %parallel_loop3A_584 : i32 to index
            %parallel_loop3A_708 = arith.constant 64 : index
            %parallel_loop3A_709 = tpu.vector_load %arg17[%parallel_loop3A_706, %parallel_loop3A_707, %parallel_loop3A_708] {strides = array<i32>} : memref<9x5x128xf32, #tpu.memory_space<vmem>>, vector<1x1x16xf32>,
            %parallel_loop3A_710 = vector.shape_cast %parallel_loop3A_709 : vector<1x1x16xf32> to vector<16xf32>
            %parallel_loop3A_711 = arith.addf %parallel_loop3A_705, %parallel_loop3A_710 : vector<16xf32>
            %parallel_loop3A_712 = arith.mulf %parallel_loop3A_612, %parallel_loop3A_711 : vector<16xf32>
            %parallel_loop3A_713 = arith.index_cast %parallel_loop3A_544 : i32 to index
            %parallel_loop3A_714 = arith.constant 64 : index
            %parallel_loop3A_715 = tpu.vector_load %arg19[%parallel_loop3A_713, %parallel_loop3A_714] {strides = array<i32>} : memref<40x128xf32, #tpu.memory_space<vmem>>, vector<1x16xf32>,
            %parallel_loop3A_716 = vector.shape_cast %parallel_loop3A_715 : vector<1x16xf32> to vector<16xf32>
            %parallel_loop3A_717 = vector.shape_cast %parallel_loop3A_712 : vector<16xf32> to vector<1x16xf32>
            tpu.vector_store %arg19[%parallel_loop3A_713, %parallel_loop3A_714], %parallel_loop3A_717 {strides = array<i32>} : memref<40x128xf32, #tpu.memory_space<vmem>>, vector<1x16xf32>,
            %parallel_loop3A_718 = arith.index_cast %parallel_loop3A_544 : i32 to index
            %parallel_loop3A_719 = arith.constant 80 : index
            %parallel_loop3A_720 = tpu.vector_load %arg13[%parallel_loop3A_718, %parallel_loop3A_719] {strides = array<i32>} : memref<40x144xf32, #tpu.memory_space<vmem>>, vector<1x16xf32>,
            %parallel_loop3A_721 = vector.shape_cast %parallel_loop3A_720 : vector<1x16xf32> to vector<16xf32>
            %parallel_loop3A_722 = arith.index_cast %parallel_loop3A_544 : i32 to index
            %parallel_loop3A_723 = arith.constant 80 : index
            %parallel_loop3A_724 = tpu.vector_load %arg15[%parallel_loop3A_722, %parallel_loop3A_723] {strides = array<i32>} : memref<40x144xf32, #tpu.memory_space<vmem>>, vector<1x16xf32>,
            %parallel_loop3A_725 = vector.shape_cast %parallel_loop3A_724 : vector<1x16xf32> to vector<16xf32>
            %parallel_loop3A_726 = arith.addf %parallel_loop3A_721, %parallel_loop3A_725 : vector<16xf32>
            %parallel_loop3A_727 = arith.index_cast %parallel_loop3A_560 : i32 to index
            %parallel_loop3A_728 = arith.index_cast %parallel_loop3A_584 : i32 to index
            %parallel_loop3A_729 = arith.constant 80 : index
            %parallel_loop3A_730 = tpu.vector_load %arg17[%parallel_loop3A_727, %parallel_loop3A_728, %parallel_loop3A_729] {strides = array<i32>} : memref<9x5x128xf32, #tpu.memory_space<vmem>>, vector<1x1x16xf32>,
            %parallel_loop3A_731 = vector.shape_cast %parallel_loop3A_730 : vector<1x1x16xf32> to vector<16xf32>
            %parallel_loop3A_732 = arith.addf %parallel_loop3A_726, %parallel_loop3A_731 : vector<16xf32>
            %parallel_loop3A_733 = arith.mulf %parallel_loop3A_612, %parallel_loop3A_732 : vector<16xf32>
            %parallel_loop3A_734 = arith.index_cast %parallel_loop3A_544 : i32 to index
            %parallel_loop3A_735 = arith.constant 80 : index
            %parallel_loop3A_736 = tpu.vector_load %arg19[%parallel_loop3A_734, %parallel_loop3A_735] {strides = array<i32>} : memref<40x128xf32, #tpu.memory_space<vmem>>, vector<1x16xf32>,
            %parallel_loop3A_737 = vector.shape_cast %parallel_loop3A_736 : vector<1x16xf32> to vector<16xf32>
            %parallel_loop3A_738 = vector.shape_cast %parallel_loop3A_733 : vector<16xf32> to vector<1x16xf32>
            tpu.vector_store %arg19[%parallel_loop3A_734, %parallel_loop3A_735], %parallel_loop3A_738 {strides = array<i32>} : memref<40x128xf32, #tpu.memory_space<vmem>>, vector<1x16xf32>,
            %parallel_loop3A_739 = arith.index_cast %parallel_loop3A_544 : i32 to index
            %parallel_loop3A_740 = arith.constant 96 : index
            %parallel_loop3A_741 = tpu.vector_load %arg13[%parallel_loop3A_739, %parallel_loop3A_740] {strides = array<i32>} : memref<40x144xf32, #tpu.memory_space<vmem>>, vector<1x16xf32>,
            %parallel_loop3A_742 = vector.shape_cast %parallel_loop3A_741 : vector<1x16xf32> to vector<16xf32>
            %parallel_loop3A_743 = arith.index_cast %parallel_loop3A_544 : i32 to index
            %parallel_loop3A_744 = arith.constant 96 : index
            %parallel_loop3A_745 = tpu.vector_load %arg15[%parallel_loop3A_743, %parallel_loop3A_744] {strides = array<i32>} : memref<40x144xf32, #tpu.memory_space<vmem>>, vector<1x16xf32>,
            %parallel_loop3A_746 = vector.shape_cast %parallel_loop3A_745 : vector<1x16xf32> to vector<16xf32>
            %parallel_loop3A_747 = arith.addf %parallel_loop3A_742, %parallel_loop3A_746 : vector<16xf32>
            %parallel_loop3A_748 = arith.index_cast %parallel_loop3A_560 : i32 to index
            %parallel_loop3A_749 = arith.index_cast %parallel_loop3A_584 : i32 to index
            %parallel_loop3A_750 = arith.constant 96 : index
            %parallel_loop3A_751 = tpu.vector_load %arg17[%parallel_loop3A_748, %parallel_loop3A_749, %parallel_loop3A_750] {strides = array<i32>} : memref<9x5x128xf32, #tpu.memory_space<vmem>>, vector<1x1x16xf32>,
            %parallel_loop3A_752 = vector.shape_cast %parallel_loop3A_751 : vector<1x1x16xf32> to vector<16xf32>
            %parallel_loop3A_753 = arith.addf %parallel_loop3A_747, %parallel_loop3A_752 : vector<16xf32>
            %parallel_loop3A_754 = arith.mulf %parallel_loop3A_612, %parallel_loop3A_753 : vector<16xf32>
            %parallel_loop3A_755 = arith.index_cast %parallel_loop3A_544 : i32 to index
            %parallel_loop3A_756 = arith.constant 96 : index
            %parallel_loop3A_757 = tpu.vector_load %arg19[%parallel_loop3A_755, %parallel_loop3A_756] {strides = array<i32>} : memref<40x128xf32, #tpu.memory_space<vmem>>, vector<1x16xf32>,
            %parallel_loop3A_758 = vector.shape_cast %parallel_loop3A_757 : vector<1x16xf32> to vector<16xf32>
            %parallel_loop3A_759 = vector.shape_cast %parallel_loop3A_754 : vector<16xf32> to vector<1x16xf32>
            tpu.vector_store %arg19[%parallel_loop3A_755, %parallel_loop3A_756], %parallel_loop3A_759 {strides = array<i32>} : memref<40x128xf32, #tpu.memory_space<vmem>>, vector<1x16xf32>,
            %parallel_loop3A_760 = arith.index_cast %parallel_loop3A_544 : i32 to index
            %parallel_loop3A_761 = arith.constant 112 : index
            %parallel_loop3A_762 = tpu.vector_load %arg13[%parallel_loop3A_760, %parallel_loop3A_761] {strides = array<i32>} : memref<40x144xf32, #tpu.memory_space<vmem>>, vector<1x16xf32>,
            %parallel_loop3A_763 = vector.shape_cast %parallel_loop3A_762 : vector<1x16xf32> to vector<16xf32>
            %parallel_loop3A_764 = arith.index_cast %parallel_loop3A_544 : i32 to index
            %parallel_loop3A_765 = arith.constant 112 : index
            %parallel_loop3A_766 = tpu.vector_load %arg15[%parallel_loop3A_764, %parallel_loop3A_765] {strides = array<i32>} : memref<40x144xf32, #tpu.memory_space<vmem>>, vector<1x16xf32>,
            %parallel_loop3A_767 = vector.shape_cast %parallel_loop3A_766 : vector<1x16xf32> to vector<16xf32>
            %parallel_loop3A_768 = arith.addf %parallel_loop3A_763, %parallel_loop3A_767 : vector<16xf32>
            %parallel_loop3A_769 = arith.index_cast %parallel_loop3A_560 : i32 to index
            %parallel_loop3A_770 = arith.index_cast %parallel_loop3A_584 : i32 to index
            %parallel_loop3A_771 = arith.constant 112 : index
            %parallel_loop3A_772 = tpu.vector_load %arg17[%parallel_loop3A_769, %parallel_loop3A_770, %parallel_loop3A_771] {strides = array<i32>} : memref<9x5x128xf32, #tpu.memory_space<vmem>>, vector<1x1x16xf32>,
            %parallel_loop3A_773 = vector.shape_cast %parallel_loop3A_772 : vector<1x1x16xf32> to vector<16xf32>
            %parallel_loop3A_774 = arith.addf %parallel_loop3A_768, %parallel_loop3A_773 : vector<16xf32>
            %parallel_loop3A_775 = arith.mulf %parallel_loop3A_612, %parallel_loop3A_774 : vector<16xf32>
            %parallel_loop3A_776 = arith.index_cast %parallel_loop3A_544 : i32 to index
            %parallel_loop3A_777 = arith.constant 112 : index
            %parallel_loop3A_778 = tpu.vector_load %arg19[%parallel_loop3A_776, %parallel_loop3A_777] {strides = array<i32>} : memref<40x128xf32, #tpu.memory_space<vmem>>, vector<1x16xf32>,
            %parallel_loop3A_779 = vector.shape_cast %parallel_loop3A_778 : vector<1x16xf32> to vector<16xf32>
            %parallel_loop3A_780 = vector.shape_cast %parallel_loop3A_775 : vector<16xf32> to vector<1x16xf32>
            tpu.vector_store %arg19[%parallel_loop3A_776, %parallel_loop3A_777], %parallel_loop3A_780 {strides = array<i32>} : memref<40x128xf32, #tpu.memory_space<vmem>>, vector<1x16xf32>,
          } {sc.loop_unroll_factor = 4 : i64, sc.parallel_access}
          %add3A_535 = arith.addi %mul3A_2, %add3A_496 : i32
          %mul3A_536 = arith.constant 40 : i32
          %mul3A_537 = arith.muli %add3A_535, %mul3A_536 : i32
          %dma_start3A_538 = arith.constant 0 : i32
          %dma_start3A_539 = tpu.memref_slice %arg7[%mul3A_537, %dma_start3A_538] : memref<320000x128xf32, #tpu.memory_space<hbm>> -> memref<40x128xf32, #tpu.memory_space<hbm>>
          %dma_start3A_540 = arith.constant 0 : i32
          %dma_start3A_541 = tpu.memref_slice %arg7[%mul3A_537, %dma_start3A_540] : memref<320000x128xf32, #tpu.memory_space<hbm>> -> memref<40x128xf32, #tpu.memory_space<hbm>>
          tpu.enqueue_dma source(%arg19 : memref<40x128xf32, #tpu.memory_space<vmem>>) target(%dma_start3A_541 : memref<40x128xf32, #tpu.memory_space<hbm>>) target_semaphore(%arg25 : memref<!tpu.dma_semaphore, #tpu.memory_space<semaphore_mem>>)
          %mul3A_542 = arith.constant 40 : i32
          %mul3A_543 = arith.muli %add3A_493, %mul3A_542 : i32
          "tpu.region"() ({
            %run_scoped3A = tpu.sem_alloc : memref<!tpu.dma_semaphore, #tpu.memory_space<semaphore_mem>>
            %dma_start3A_544 = tpu.memref_slice %arg11[%mul3A_543] : memref<1000xi32, #tpu.memory_space<vmem>> -> memref<40xi32, #tpu.memory_space<vmem>>
            %dma_start3A_545 = arith.constant 0 : i32
            %dma_start3A_546 = arith.constant 0 : i32
            %dma_start3A_547 = tpu.memref_slice %arg20[%dma_start3A_545, %dma_start3A_546] : memref<10240x128xf32, #tpu.memory_space<vmem_shared>> -> memref<10240x128xf32, #tpu.memory_space<vmem_shared>>
            tpu.enqueue_indirect_dma source(%arg19 : memref<40x128xf32, #tpu.memory_space<vmem>>) target(%dma_start3A_547 : memref<10240x128xf32, #tpu.memory_space<vmem_shared>>) offsets(%dma_start3A_544 : memref<40xi32, #tpu.memory_space<vmem>>) semaphore(%run_scoped3A : memref<!tpu.dma_semaphore, #tpu.memory_space<semaphore_mem>>) {add = true}
            %dma_wait3A_548 = tpu.memref_slice %arg11[%mul3A_543] : memref<1000xi32, #tpu.memory_space<vmem>> -> memref<40xi32, #tpu.memory_space<vmem>>
            %dma_wait3A_549 = arith.constant 0 : i32
            %dma_wait3A_550 = arith.constant 0 : i32
            %dma_wait3A_551 = tpu.memref_slice %arg20[%dma_wait3A_549, %dma_wait3A_550] : memref<10240x128xf32, #tpu.memory_space<vmem_shared>> -> memref<10240x128xf32, #tpu.memory_space<vmem_shared>>
            tpu.wait_indirect_dma semaphore(%run_scoped3A : memref<!tpu.dma_semaphore, #tpu.memory_space<semaphore_mem>>) src(%arg19 : memref<40x128xf32, #tpu.memory_space<vmem>>) dst(%dma_wait3A_551 : memref<10240x128xf32, #tpu.memory_space<vmem_shared>>)
            tpu.yield
          }) : () -> ()
        } else {
        }
      }
      %scan3A_477 = arith.constant 13 : i32
    }
    %scan3A_175 = arith.constant 10 : i32
    %dma_wait3A_176 = arith.constant 0 : i32
    %dma_wait3A_177 = arith.constant 0 : i32
    %dma_wait3A_178 = tpu.memref_slice %arg7[%dma_wait3A_176, %dma_wait3A_177] : memref<320000x128xf32, #tpu.memory_space<hbm>> -> memref<40x128xf32, #tpu.memory_space<hbm>>
    %dma_wait3A_179 = arith.constant 0 : i32
    %dma_wait3A_180 = arith.constant 0 : i32
    %dma_wait3A_181 = tpu.memref_slice %arg7[%dma_wait3A_179, %dma_wait3A_180] : memref<320000x128xf32, #tpu.memory_space<hbm>> -> memref<40x128xf32, #tpu.memory_space<hbm>>
    tpu.wait_dma2 semaphore(%arg24 : memref<!tpu.dma_semaphore, #tpu.memory_space<semaphore_mem>>) src(%arg18 : memref<40x128xf32, #tpu.memory_space<vmem>>) dst(%dma_wait3A_181 : memref<40x128xf32, #tpu.memory_space<hbm>>)
    %dma_wait3A_182 = arith.constant 0 : i32
    %dma_wait3A_183 = arith.constant 0 : i32
    %dma_wait3A_184 = tpu.memref_slice %arg7[%dma_wait3A_182, %dma_wait3A_183] : memref<320000x128xf32, #tpu.memory_space<hbm>> -> memref<40x128xf32, #tpu.memory_space<hbm>>
    %dma_wait3A_185 = arith.constant 0 : i32
    %dma_wait3A_186 = arith.constant 0 : i32
    %dma_wait3A_187 = tpu.memref_slice %arg7[%dma_wait3A_185, %dma_wait3A_186] : memref<320000x128xf32, #tpu.memory_space<hbm>> -> memref<40x128xf32, #tpu.memory_space<hbm>>
    tpu.wait_dma2 semaphore(%arg25 : memref<!tpu.dma_semaphore, #tpu.memory_space<semaphore_mem>>) src(%arg19 : memref<40x128xf32, #tpu.memory_space<vmem>>) dst(%dma_wait3A_187 : memref<40x128xf32, #tpu.memory_space<hbm>>)
    %barrier3A_188 = arith.constant 0 : index
    tpu.barrier barrier_id(%barrier3A_188)
    %add3A_189 = arith.constant 0 : i32
    %add3A_190 = arith.addi %mul3A_6, %add3A_189 : i32
    %eq3A = arith.constant 0 : i32
    %eq3A_191 = arith.cmpi eq, %arg0, %eq3A : i32
    %convert_element_type3A = arith.extui %eq3A_191 : i1 to i32
    %cond3A = arith.constant 0 : i32
    %cond3A_192 = arith.cmpi ne, %convert_element_type3A, %cond3A : i32
    scf.if %cond3A_192 {
      %dma_start3A_442 = arith.constant 0 : i32
      %dma_start3A_443 = tpu.memref_slice %arg8[%add3A_190, %dma_start3A_442] : memref<10240x128xf32, #tpu.memory_space<hbm>> -> memref<40x128xf32, #tpu.memory_space<hbm>>
      %dma_start3A_444 = arith.constant 0 : i32
      %dma_start3A_445 = tpu.memref_slice %arg20[%add3A_190, %dma_start3A_444] : memref<10240x128xf32, #tpu.memory_space<vmem_shared>> -> memref<40x128xf32, #tpu.memory_space<vmem_shared>>
      tpu.enqueue_dma source(%dma_start3A_445 : memref<40x128xf32, #tpu.memory_space<vmem_shared>>) target(%dma_start3A_443 : memref<40x128xf32, #tpu.memory_space<hbm>>) target_semaphore(%arg21 : memref<!tpu.dma_semaphore, #tpu.memory_space<semaphore_mem>>)
    } else {
    }
    %eq3A_193 = arith.constant 1 : i32
    %eq3A_194 = arith.cmpi eq, %arg0, %eq3A_193 : i32
    %convert_element_type3A_195 = arith.extui %eq3A_194 : i1 to i32
    %cond3A_196 = arith.constant 0 : i32
    %cond3A_197 = arith.cmpi ne, %convert_element_type3A_195, %cond3A_196 : i32
    scf.if %cond3A_197 {
      %dma_start3A_442 = arith.constant 0 : i32
      %dma_start3A_443 = tpu.memref_slice %arg9[%add3A_190, %dma_start3A_442] : memref<10240x128xf32, #tpu.memory_space<hbm>> -> memref<40x128xf32, #tpu.memory_space<hbm>>
      %dma_start3A_444 = arith.constant 0 : i32
      %dma_start3A_445 = tpu.memref_slice %arg20[%add3A_190, %dma_start3A_444] : memref<10240x128xf32, #tpu.memory_space<vmem_shared>> -> memref<40x128xf32, #tpu.memory_space<vmem_shared>>
      tpu.enqueue_dma source(%dma_start3A_445 : memref<40x128xf32, #tpu.memory_space<vmem_shared>>) target(%dma_start3A_443 : memref<40x128xf32, #tpu.memory_space<hbm>>) target_semaphore(%arg21 : memref<!tpu.dma_semaphore, #tpu.memory_space<semaphore_mem>>)
    } else {
    }
    %add3A_198 = arith.constant 40 : i32
    %add3A_199 = arith.addi %mul3A_6, %add3A_198 : i32
    %eq3A_200 = arith.constant 0 : i32
    %eq3A_201 = arith.cmpi eq, %arg0, %eq3A_200 : i32
    %convert_element_type3A_202 = arith.extui %eq3A_201 : i1 to i32
    %cond3A_203 = arith.constant 0 : i32
    %cond3A_204 = arith.cmpi ne, %convert_element_type3A_202, %cond3A_203 : i32
    scf.if %cond3A_204 {
      %dma_start3A_442 = arith.constant 0 : i32
      %dma_start3A_443 = tpu.memref_slice %arg8[%add3A_199, %dma_start3A_442] : memref<10240x128xf32, #tpu.memory_space<hbm>> -> memref<40x128xf32, #tpu.memory_space<hbm>>
      %dma_start3A_444 = arith.constant 0 : i32
      %dma_start3A_445 = tpu.memref_slice %arg20[%add3A_199, %dma_start3A_444] : memref<10240x128xf32, #tpu.memory_space<vmem_shared>> -> memref<40x128xf32, #tpu.memory_space<vmem_shared>>
      tpu.enqueue_dma source(%dma_start3A_445 : memref<40x128xf32, #tpu.memory_space<vmem_shared>>) target(%dma_start3A_443 : memref<40x128xf32, #tpu.memory_space<hbm>>) target_semaphore(%arg21 : memref<!tpu.dma_semaphore, #tpu.memory_space<semaphore_mem>>)
    } else {
    }
    %eq3A_205 = arith.constant 1 : i32
    %eq3A_206 = arith.cmpi eq, %arg0, %eq3A_205 : i32
    %convert_element_type3A_207 = arith.extui %eq3A_206 : i1 to i32
    %cond3A_208 = arith.constant 0 : i32
    %cond3A_209 = arith.cmpi ne, %convert_element_type3A_207, %cond3A_208 : i32
    scf.if %cond3A_209 {
      %dma_start3A_442 = arith.constant 0 : i32
      %dma_start3A_443 = tpu.memref_slice %arg9[%add3A_199, %dma_start3A_442] : memref<10240x128xf32, #tpu.memory_space<hbm>> -> memref<40x128xf32, #tpu.memory_space<hbm>>
      %dma_start3A_444 = arith.constant 0 : i32
      %dma_start3A_445 = tpu.memref_slice %arg20[%add3A_199, %dma_start3A_444] : memref<10240x128xf32, #tpu.memory_space<vmem_shared>> -> memref<40x128xf32, #tpu.memory_space<vmem_shared>>
      tpu.enqueue_dma source(%dma_start3A_445 : memref<40x128xf32, #tpu.memory_space<vmem_shared>>) target(%dma_start3A_443 : memref<40x128xf32, #tpu.memory_space<hbm>>) target_semaphore(%arg21 : memref<!tpu.dma_semaphore, #tpu.memory_space<semaphore_mem>>)
    } else {
    }
    %add3A_210 = arith.constant 80 : i32
    %add3A_211 = arith.addi %mul3A_6, %add3A_210 : i32
    %eq3A_212 = arith.constant 0 : i32
    %eq3A_213 = arith.cmpi eq, %arg0, %eq3A_212 : i32
    %convert_element_type3A_214 = arith.extui %eq3A_213 : i1 to i32
    %cond3A_215 = arith.constant 0 : i32
    %cond3A_216 = arith.cmpi ne, %convert_element_type3A_214, %cond3A_215 : i32
    scf.if %cond3A_216 {
      %dma_start3A_442 = arith.constant 0 : i32
      %dma_start3A_443 = tpu.memref_slice %arg8[%add3A_211, %dma_start3A_442] : memref<10240x128xf32, #tpu.memory_space<hbm>> -> memref<40x128xf32, #tpu.memory_space<hbm>>
      %dma_start3A_444 = arith.constant 0 : i32
      %dma_start3A_445 = tpu.memref_slice %arg20[%add3A_211, %dma_start3A_444] : memref<10240x128xf32, #tpu.memory_space<vmem_shared>> -> memref<40x128xf32, #tpu.memory_space<vmem_shared>>
      tpu.enqueue_dma source(%dma_start3A_445 : memref<40x128xf32, #tpu.memory_space<vmem_shared>>) target(%dma_start3A_443 : memref<40x128xf32, #tpu.memory_space<hbm>>) target_semaphore(%arg21 : memref<!tpu.dma_semaphore, #tpu.memory_space<semaphore_mem>>)
    } else {
    }
    %eq3A_217 = arith.constant 1 : i32
    %eq3A_218 = arith.cmpi eq, %arg0, %eq3A_217 : i32
    %convert_element_type3A_219 = arith.extui %eq3A_218 : i1 to i32
    %cond3A_220 = arith.constant 0 : i32
    %cond3A_221 = arith.cmpi ne, %convert_element_type3A_219, %cond3A_220 : i32
    scf.if %cond3A_221 {
      %dma_start3A_442 = arith.constant 0 : i32
      %dma_start3A_443 = tpu.memref_slice %arg9[%add3A_211, %dma_start3A_442] : memref<10240x128xf32, #tpu.memory_space<hbm>> -> memref<40x128xf32, #tpu.memory_space<hbm>>
      %dma_start3A_444 = arith.constant 0 : i32
      %dma_start3A_445 = tpu.memref_slice %arg20[%add3A_211, %dma_start3A_444] : memref<10240x128xf32, #tpu.memory_space<vmem_shared>> -> memref<40x128xf32, #tpu.memory_space<vmem_shared>>
      tpu.enqueue_dma source(%dma_start3A_445 : memref<40x128xf32, #tpu.memory_space<vmem_shared>>) target(%dma_start3A_443 : memref<40x128xf32, #tpu.memory_space<hbm>>) target_semaphore(%arg21 : memref<!tpu.dma_semaphore, #tpu.memory_space<semaphore_mem>>)
    } else {
    }
    %add3A_222 = arith.constant 120 : i32
    %add3A_223 = arith.addi %mul3A_6, %add3A_222 : i32
    %eq3A_224 = arith.constant 0 : i32
    %eq3A_225 = arith.cmpi eq, %arg0, %eq3A_224 : i32
    %convert_element_type3A_226 = arith.extui %eq3A_225 : i1 to i32
    %cond3A_227 = arith.constant 0 : i32
    %cond3A_228 = arith.cmpi ne, %convert_element_type3A_226, %cond3A_227 : i32
    scf.if %cond3A_228 {
      %dma_start3A_442 = arith.constant 0 : i32
      %dma_start3A_443 = tpu.memref_slice %arg8[%add3A_223, %dma_start3A_442] : memref<10240x128xf32, #tpu.memory_space<hbm>> -> memref<40x128xf32, #tpu.memory_space<hbm>>
      %dma_start3A_444 = arith.constant 0 : i32
      %dma_start3A_445 = tpu.memref_slice %arg20[%add3A_223, %dma_start3A_444] : memref<10240x128xf32, #tpu.memory_space<vmem_shared>> -> memref<40x128xf32, #tpu.memory_space<vmem_shared>>
      tpu.enqueue_dma source(%dma_start3A_445 : memref<40x128xf32, #tpu.memory_space<vmem_shared>>) target(%dma_start3A_443 : memref<40x128xf32, #tpu.memory_space<hbm>>) target_semaphore(%arg21 : memref<!tpu.dma_semaphore, #tpu.memory_space<semaphore_mem>>)
    } else {
    }
    %eq3A_229 = arith.constant 1 : i32
    %eq3A_230 = arith.cmpi eq, %arg0, %eq3A_229 : i32
    %convert_element_type3A_231 = arith.extui %eq3A_230 : i1 to i32
    %cond3A_232 = arith.constant 0 : i32
    %cond3A_233 = arith.cmpi ne, %convert_element_type3A_231, %cond3A_232 : i32
    scf.if %cond3A_233 {
      %dma_start3A_442 = arith.constant 0 : i32
      %dma_start3A_443 = tpu.memref_slice %arg9[%add3A_223, %dma_start3A_442] : memref<10240x128xf32, #tpu.memory_space<hbm>> -> memref<40x128xf32, #tpu.memory_space<hbm>>
      %dma_start3A_444 = arith.constant 0 : i32
      %dma_start3A_445 = tpu.memref_slice %arg20[%add3A_223, %dma_start3A_444] : memref<10240x128xf32, #tpu.memory_space<vmem_shared>> -> memref<40x128xf32, #tpu.memory_space<vmem_shared>>
      tpu.enqueue_dma source(%dma_start3A_445 : memref<40x128xf32, #tpu.memory_space<vmem_shared>>) target(%dma_start3A_443 : memref<40x128xf32, #tpu.memory_space<hbm>>) target_semaphore(%arg21 : memref<!tpu.dma_semaphore, #tpu.memory_space<semaphore_mem>>)
    } else {
    }
    %add3A_234 = arith.constant 160 : i32
    %add3A_235 = arith.addi %mul3A_6, %add3A_234 : i32
    %eq3A_236 = arith.constant 0 : i32
    %eq3A_237 = arith.cmpi eq, %arg0, %eq3A_236 : i32
    %convert_element_type3A_238 = arith.extui %eq3A_237 : i1 to i32
    %cond3A_239 = arith.constant 0 : i32
    %cond3A_240 = arith.cmpi ne, %convert_element_type3A_238, %cond3A_239 : i32
    scf.if %cond3A_240 {
      %dma_start3A_442 = arith.constant 0 : i32
      %dma_start3A_443 = tpu.memref_slice %arg8[%add3A_235, %dma_start3A_442] : memref<10240x128xf32, #tpu.memory_space<hbm>> -> memref<40x128xf32, #tpu.memory_space<hbm>>
      %dma_start3A_444 = arith.constant 0 : i32
      %dma_start3A_445 = tpu.memref_slice %arg20[%add3A_235, %dma_start3A_444] : memref<10240x128xf32, #tpu.memory_space<vmem_shared>> -> memref<40x128xf32, #tpu.memory_space<vmem_shared>>
      tpu.enqueue_dma source(%dma_start3A_445 : memref<40x128xf32, #tpu.memory_space<vmem_shared>>) target(%dma_start3A_443 : memref<40x128xf32, #tpu.memory_space<hbm>>) target_semaphore(%arg21 : memref<!tpu.dma_semaphore, #tpu.memory_space<semaphore_mem>>)
    } else {
    }
    %eq3A_241 = arith.constant 1 : i32
    %eq3A_242 = arith.cmpi eq, %arg0, %eq3A_241 : i32
    %convert_element_type3A_243 = arith.extui %eq3A_242 : i1 to i32
    %cond3A_244 = arith.constant 0 : i32
    %cond3A_245 = arith.cmpi ne, %convert_element_type3A_243, %cond3A_244 : i32
    scf.if %cond3A_245 {
      %dma_start3A_442 = arith.constant 0 : i32
      %dma_start3A_443 = tpu.memref_slice %arg9[%add3A_235, %dma_start3A_442] : memref<10240x128xf32, #tpu.memory_space<hbm>> -> memref<40x128xf32, #tpu.memory_space<hbm>>
      %dma_start3A_444 = arith.constant 0 : i32
      %dma_start3A_445 = tpu.memref_slice %arg20[%add3A_235, %dma_start3A_444] : memref<10240x128xf32, #tpu.memory_space<vmem_shared>> -> memref<40x128xf32, #tpu.memory_space<vmem_shared>>
      tpu.enqueue_dma source(%dma_start3A_445 : memref<40x128xf32, #tpu.memory_space<vmem_shared>>) target(%dma_start3A_443 : memref<40x128xf32, #tpu.memory_space<hbm>>) target_semaphore(%arg21 : memref<!tpu.dma_semaphore, #tpu.memory_space<semaphore_mem>>)
    } else {
    }
    %add3A_246 = arith.constant 200 : i32
    %add3A_247 = arith.addi %mul3A_6, %add3A_246 : i32
    %eq3A_248 = arith.constant 0 : i32
    %eq3A_249 = arith.cmpi eq, %arg0, %eq3A_248 : i32
    %convert_element_type3A_250 = arith.extui %eq3A_249 : i1 to i32
    %cond3A_251 = arith.constant 0 : i32
    %cond3A_252 = arith.cmpi ne, %convert_element_type3A_250, %cond3A_251 : i32
    scf.if %cond3A_252 {
      %dma_start3A_442 = arith.constant 0 : i32
      %dma_start3A_443 = tpu.memref_slice %arg8[%add3A_247, %dma_start3A_442] : memref<10240x128xf32, #tpu.memory_space<hbm>> -> memref<40x128xf32, #tpu.memory_space<hbm>>
      %dma_start3A_444 = arith.constant 0 : i32
      %dma_start3A_445 = tpu.memref_slice %arg20[%add3A_247, %dma_start3A_444] : memref<10240x128xf32, #tpu.memory_space<vmem_shared>> -> memref<40x128xf32, #tpu.memory_space<vmem_shared>>
      tpu.enqueue_dma source(%dma_start3A_445 : memref<40x128xf32, #tpu.memory_space<vmem_shared>>) target(%dma_start3A_443 : memref<40x128xf32, #tpu.memory_space<hbm>>) target_semaphore(%arg21 : memref<!tpu.dma_semaphore, #tpu.memory_space<semaphore_mem>>)
    } else {
    }
    %eq3A_253 = arith.constant 1 : i32
    %eq3A_254 = arith.cmpi eq, %arg0, %eq3A_253 : i32
    %convert_element_type3A_255 = arith.extui %eq3A_254 : i1 to i32
    %cond3A_256 = arith.constant 0 : i32
    %cond3A_257 = arith.cmpi ne, %convert_element_type3A_255, %cond3A_256 : i32
    scf.if %cond3A_257 {
      %dma_start3A_442 = arith.constant 0 : i32
      %dma_start3A_443 = tpu.memref_slice %arg9[%add3A_247, %dma_start3A_442] : memref<10240x128xf32, #tpu.memory_space<hbm>> -> memref<40x128xf32, #tpu.memory_space<hbm>>
      %dma_start3A_444 = arith.constant 0 : i32
      %dma_start3A_445 = tpu.memref_slice %arg20[%add3A_247, %dma_start3A_444] : memref<10240x128xf32, #tpu.memory_space<vmem_shared>> -> memref<40x128xf32, #tpu.memory_space<vmem_shared>>
      tpu.enqueue_dma source(%dma_start3A_445 : memref<40x128xf32, #tpu.memory_space<vmem_shared>>) target(%dma_start3A_443 : memref<40x128xf32, #tpu.memory_space<hbm>>) target_semaphore(%arg21 : memref<!tpu.dma_semaphore, #tpu.memory_space<semaphore_mem>>)
    } else {
    }
    %add3A_258 = arith.constant 240 : i32
    %add3A_259 = arith.addi %mul3A_6, %add3A_258 : i32
    %eq3A_260 = arith.constant 0 : i32
    %eq3A_261 = arith.cmpi eq, %arg0, %eq3A_260 : i32
    %convert_element_type3A_262 = arith.extui %eq3A_261 : i1 to i32
    %cond3A_263 = arith.constant 0 : i32
    %cond3A_264 = arith.cmpi ne, %convert_element_type3A_262, %cond3A_263 : i32
    scf.if %cond3A_264 {
      %dma_start3A_442 = arith.constant 0 : i32
      %dma_start3A_443 = tpu.memref_slice %arg8[%add3A_259, %dma_start3A_442] : memref<10240x128xf32, #tpu.memory_space<hbm>> -> memref<40x128xf32, #tpu.memory_space<hbm>>
      %dma_start3A_444 = arith.constant 0 : i32
      %dma_start3A_445 = tpu.memref_slice %arg20[%add3A_259, %dma_start3A_444] : memref<10240x128xf32, #tpu.memory_space<vmem_shared>> -> memref<40x128xf32, #tpu.memory_space<vmem_shared>>
      tpu.enqueue_dma source(%dma_start3A_445 : memref<40x128xf32, #tpu.memory_space<vmem_shared>>) target(%dma_start3A_443 : memref<40x128xf32, #tpu.memory_space<hbm>>) target_semaphore(%arg21 : memref<!tpu.dma_semaphore, #tpu.memory_space<semaphore_mem>>)
    } else {
    }
    %eq3A_265 = arith.constant 1 : i32
    %eq3A_266 = arith.cmpi eq, %arg0, %eq3A_265 : i32
    %convert_element_type3A_267 = arith.extui %eq3A_266 : i1 to i32
    %cond3A_268 = arith.constant 0 : i32
    %cond3A_269 = arith.cmpi ne, %convert_element_type3A_267, %cond3A_268 : i32
    scf.if %cond3A_269 {
      %dma_start3A_442 = arith.constant 0 : i32
      %dma_start3A_443 = tpu.memref_slice %arg9[%add3A_259, %dma_start3A_442] : memref<10240x128xf32, #tpu.memory_space<hbm>> -> memref<40x128xf32, #tpu.memory_space<hbm>>
      %dma_start3A_444 = arith.constant 0 : i32
      %dma_start3A_445 = tpu.memref_slice %arg20[%add3A_259, %dma_start3A_444] : memref<10240x128xf32, #tpu.memory_space<vmem_shared>> -> memref<40x128xf32, #tpu.memory_space<vmem_shared>>
      tpu.enqueue_dma source(%dma_start3A_445 : memref<40x128xf32, #tpu.memory_space<vmem_shared>>) target(%dma_start3A_443 : memref<40x128xf32, #tpu.memory_space<hbm>>) target_semaphore(%arg21 : memref<!tpu.dma_semaphore, #tpu.memory_space<semaphore_mem>>)
    } else {
    }
    %add3A_270 = arith.constant 280 : i32
    %add3A_271 = arith.addi %mul3A_6, %add3A_270 : i32
    %eq3A_272 = arith.constant 0 : i32
    %eq3A_273 = arith.cmpi eq, %arg0, %eq3A_272 : i32
    %convert_element_type3A_274 = arith.extui %eq3A_273 : i1 to i32
    %cond3A_275 = arith.constant 0 : i32
    %cond3A_276 = arith.cmpi ne, %convert_element_type3A_274, %cond3A_275 : i32
    scf.if %cond3A_276 {
      %dma_start3A_442 = arith.constant 0 : i32
      %dma_start3A_443 = tpu.memref_slice %arg8[%add3A_271, %dma_start3A_442] : memref<10240x128xf32, #tpu.memory_space<hbm>> -> memref<40x128xf32, #tpu.memory_space<hbm>>
      %dma_start3A_444 = arith.constant 0 : i32
      %dma_start3A_445 = tpu.memref_slice %arg20[%add3A_271, %dma_start3A_444] : memref<10240x128xf32, #tpu.memory_space<vmem_shared>> -> memref<40x128xf32, #tpu.memory_space<vmem_shared>>
      tpu.enqueue_dma source(%dma_start3A_445 : memref<40x128xf32, #tpu.memory_space<vmem_shared>>) target(%dma_start3A_443 : memref<40x128xf32, #tpu.memory_space<hbm>>) target_semaphore(%arg21 : memref<!tpu.dma_semaphore, #tpu.memory_space<semaphore_mem>>)
    } else {
    }
    %eq3A_277 = arith.constant 1 : i32
    %eq3A_278 = arith.cmpi eq, %arg0, %eq3A_277 : i32
    %convert_element_type3A_279 = arith.extui %eq3A_278 : i1 to i32
    %cond3A_280 = arith.constant 0 : i32
    %cond3A_281 = arith.cmpi ne, %convert_element_type3A_279, %cond3A_280 : i32
    scf.if %cond3A_281 {
      %dma_start3A_442 = arith.constant 0 : i32
      %dma_start3A_443 = tpu.memref_slice %arg9[%add3A_271, %dma_start3A_442] : memref<10240x128xf32, #tpu.memory_space<hbm>> -> memref<40x128xf32, #tpu.memory_space<hbm>>
      %dma_start3A_444 = arith.constant 0 : i32
      %dma_start3A_445 = tpu.memref_slice %arg20[%add3A_271, %dma_start3A_444] : memref<10240x128xf32, #tpu.memory_space<vmem_shared>> -> memref<40x128xf32, #tpu.memory_space<vmem_shared>>
      tpu.enqueue_dma source(%dma_start3A_445 : memref<40x128xf32, #tpu.memory_space<vmem_shared>>) target(%dma_start3A_443 : memref<40x128xf32, #tpu.memory_space<hbm>>) target_semaphore(%arg21 : memref<!tpu.dma_semaphore, #tpu.memory_space<semaphore_mem>>)
    } else {
    }
    %add3A_282 = arith.constant 320 : i32
    %add3A_283 = arith.addi %mul3A_6, %add3A_282 : i32
    %eq3A_284 = arith.constant 0 : i32
    %eq3A_285 = arith.cmpi eq, %arg0, %eq3A_284 : i32
    %convert_element_type3A_286 = arith.extui %eq3A_285 : i1 to i32
    %cond3A_287 = arith.constant 0 : i32
    %cond3A_288 = arith.cmpi ne, %convert_element_type3A_286, %cond3A_287 : i32
    scf.if %cond3A_288 {
      %dma_start3A_442 = arith.constant 0 : i32
      %dma_start3A_443 = tpu.memref_slice %arg8[%add3A_283, %dma_start3A_442] : memref<10240x128xf32, #tpu.memory_space<hbm>> -> memref<40x128xf32, #tpu.memory_space<hbm>>
      %dma_start3A_444 = arith.constant 0 : i32
      %dma_start3A_445 = tpu.memref_slice %arg20[%add3A_283, %dma_start3A_444] : memref<10240x128xf32, #tpu.memory_space<vmem_shared>> -> memref<40x128xf32, #tpu.memory_space<vmem_shared>>
      tpu.enqueue_dma source(%dma_start3A_445 : memref<40x128xf32, #tpu.memory_space<vmem_shared>>) target(%dma_start3A_443 : memref<40x128xf32, #tpu.memory_space<hbm>>) target_semaphore(%arg21 : memref<!tpu.dma_semaphore, #tpu.memory_space<semaphore_mem>>)
    } else {
    }
    %eq3A_289 = arith.constant 1 : i32
    %eq3A_290 = arith.cmpi eq, %arg0, %eq3A_289 : i32
    %convert_element_type3A_291 = arith.extui %eq3A_290 : i1 to i32
    %cond3A_292 = arith.constant 0 : i32
    %cond3A_293 = arith.cmpi ne, %convert_element_type3A_291, %cond3A_292 : i32
    scf.if %cond3A_293 {
      %dma_start3A_442 = arith.constant 0 : i32
      %dma_start3A_443 = tpu.memref_slice %arg9[%add3A_283, %dma_start3A_442] : memref<10240x128xf32, #tpu.memory_space<hbm>> -> memref<40x128xf32, #tpu.memory_space<hbm>>
      %dma_start3A_444 = arith.constant 0 : i32
      %dma_start3A_445 = tpu.memref_slice %arg20[%add3A_283, %dma_start3A_444] : memref<10240x128xf32, #tpu.memory_space<vmem_shared>> -> memref<40x128xf32, #tpu.memory_space<vmem_shared>>
      tpu.enqueue_dma source(%dma_start3A_445 : memref<40x128xf32, #tpu.memory_space<vmem_shared>>) target(%dma_start3A_443 : memref<40x128xf32, #tpu.memory_space<hbm>>) target_semaphore(%arg21 : memref<!tpu.dma_semaphore, #tpu.memory_space<semaphore_mem>>)
    } else {
    }
    %add3A_294 = arith.constant 360 : i32
    %add3A_295 = arith.addi %mul3A_6, %add3A_294 : i32
    %eq3A_296 = arith.constant 0 : i32
    %eq3A_297 = arith.cmpi eq, %arg0, %eq3A_296 : i32
    %convert_element_type3A_298 = arith.extui %eq3A_297 : i1 to i32
    %cond3A_299 = arith.constant 0 : i32
    %cond3A_300 = arith.cmpi ne, %convert_element_type3A_298, %cond3A_299 : i32
    scf.if %cond3A_300 {
      %dma_start3A_442 = arith.constant 0 : i32
      %dma_start3A_443 = tpu.memref_slice %arg8[%add3A_295, %dma_start3A_442] : memref<10240x128xf32, #tpu.memory_space<hbm>> -> memref<40x128xf32, #tpu.memory_space<hbm>>
      %dma_start3A_444 = arith.constant 0 : i32
      %dma_start3A_445 = tpu.memref_slice %arg20[%add3A_295, %dma_start3A_444] : memref<10240x128xf32, #tpu.memory_space<vmem_shared>> -> memref<40x128xf32, #tpu.memory_space<vmem_shared>>
      tpu.enqueue_dma source(%dma_start3A_445 : memref<40x128xf32, #tpu.memory_space<vmem_shared>>) target(%dma_start3A_443 : memref<40x128xf32, #tpu.memory_space<hbm>>) target_semaphore(%arg21 : memref<!tpu.dma_semaphore, #tpu.memory_space<semaphore_mem>>)
    } else {
    }
    %eq3A_301 = arith.constant 1 : i32
    %eq3A_302 = arith.cmpi eq, %arg0, %eq3A_301 : i32
    %convert_element_type3A_303 = arith.extui %eq3A_302 : i1 to i32
    %cond3A_304 = arith.constant 0 : i32
    %cond3A_305 = arith.cmpi ne, %convert_element_type3A_303, %cond3A_304 : i32
    scf.if %cond3A_305 {
      %dma_start3A_442 = arith.constant 0 : i32
      %dma_start3A_443 = tpu.memref_slice %arg9[%add3A_295, %dma_start3A_442] : memref<10240x128xf32, #tpu.memory_space<hbm>> -> memref<40x128xf32, #tpu.memory_space<hbm>>
      %dma_start3A_444 = arith.constant 0 : i32
      %dma_start3A_445 = tpu.memref_slice %arg20[%add3A_295, %dma_start3A_444] : memref<10240x128xf32, #tpu.memory_space<vmem_shared>> -> memref<40x128xf32, #tpu.memory_space<vmem_shared>>
      tpu.enqueue_dma source(%dma_start3A_445 : memref<40x128xf32, #tpu.memory_space<vmem_shared>>) target(%dma_start3A_443 : memref<40x128xf32, #tpu.memory_space<hbm>>) target_semaphore(%arg21 : memref<!tpu.dma_semaphore, #tpu.memory_space<semaphore_mem>>)
    } else {
    }
    %add3A_306 = arith.constant 400 : i32
    %add3A_307 = arith.addi %mul3A_6, %add3A_306 : i32
    %eq3A_308 = arith.constant 0 : i32
    %eq3A_309 = arith.cmpi eq, %arg0, %eq3A_308 : i32
    %convert_element_type3A_310 = arith.extui %eq3A_309 : i1 to i32
    %cond3A_311 = arith.constant 0 : i32
    %cond3A_312 = arith.cmpi ne, %convert_element_type3A_310, %cond3A_311 : i32
    scf.if %cond3A_312 {
      %dma_start3A_442 = arith.constant 0 : i32
      %dma_start3A_443 = tpu.memref_slice %arg8[%add3A_307, %dma_start3A_442] : memref<10240x128xf32, #tpu.memory_space<hbm>> -> memref<40x128xf32, #tpu.memory_space<hbm>>
      %dma_start3A_444 = arith.constant 0 : i32
      %dma_start3A_445 = tpu.memref_slice %arg20[%add3A_307, %dma_start3A_444] : memref<10240x128xf32, #tpu.memory_space<vmem_shared>> -> memref<40x128xf32, #tpu.memory_space<vmem_shared>>
      tpu.enqueue_dma source(%dma_start3A_445 : memref<40x128xf32, #tpu.memory_space<vmem_shared>>) target(%dma_start3A_443 : memref<40x128xf32, #tpu.memory_space<hbm>>) target_semaphore(%arg21 : memref<!tpu.dma_semaphore, #tpu.memory_space<semaphore_mem>>)
    } else {
    }
    %eq3A_313 = arith.constant 1 : i32
    %eq3A_314 = arith.cmpi eq, %arg0, %eq3A_313 : i32
    %convert_element_type3A_315 = arith.extui %eq3A_314 : i1 to i32
    %cond3A_316 = arith.constant 0 : i32
    %cond3A_317 = arith.cmpi ne, %convert_element_type3A_315, %cond3A_316 : i32
    scf.if %cond3A_317 {
      %dma_start3A_442 = arith.constant 0 : i32
      %dma_start3A_443 = tpu.memref_slice %arg9[%add3A_307, %dma_start3A_442] : memref<10240x128xf32, #tpu.memory_space<hbm>> -> memref<40x128xf32, #tpu.memory_space<hbm>>
      %dma_start3A_444 = arith.constant 0 : i32
      %dma_start3A_445 = tpu.memref_slice %arg20[%add3A_307, %dma_start3A_444] : memref<10240x128xf32, #tpu.memory_space<vmem_shared>> -> memref<40x128xf32, #tpu.memory_space<vmem_shared>>
      tpu.enqueue_dma source(%dma_start3A_445 : memref<40x128xf32, #tpu.memory_space<vmem_shared>>) target(%dma_start3A_443 : memref<40x128xf32, #tpu.memory_space<hbm>>) target_semaphore(%arg21 : memref<!tpu.dma_semaphore, #tpu.memory_space<semaphore_mem>>)
    } else {
    }
    %add3A_318 = arith.constant 440 : i32
    %add3A_319 = arith.addi %mul3A_6, %add3A_318 : i32
    %eq3A_320 = arith.constant 0 : i32
    %eq3A_321 = arith.cmpi eq, %arg0, %eq3A_320 : i32
    %convert_element_type3A_322 = arith.extui %eq3A_321 : i1 to i32
    %cond3A_323 = arith.constant 0 : i32
    %cond3A_324 = arith.cmpi ne, %convert_element_type3A_322, %cond3A_323 : i32
    scf.if %cond3A_324 {
      %dma_start3A_442 = arith.constant 0 : i32
      %dma_start3A_443 = tpu.memref_slice %arg8[%add3A_319, %dma_start3A_442] : memref<10240x128xf32, #tpu.memory_space<hbm>> -> memref<40x128xf32, #tpu.memory_space<hbm>>
      %dma_start3A_444 = arith.constant 0 : i32
      %dma_start3A_445 = tpu.memref_slice %arg20[%add3A_319, %dma_start3A_444] : memref<10240x128xf32, #tpu.memory_space<vmem_shared>> -> memref<40x128xf32, #tpu.memory_space<vmem_shared>>
      tpu.enqueue_dma source(%dma_start3A_445 : memref<40x128xf32, #tpu.memory_space<vmem_shared>>) target(%dma_start3A_443 : memref<40x128xf32, #tpu.memory_space<hbm>>) target_semaphore(%arg21 : memref<!tpu.dma_semaphore, #tpu.memory_space<semaphore_mem>>)
    } else {
    }
    %eq3A_325 = arith.constant 1 : i32
    %eq3A_326 = arith.cmpi eq, %arg0, %eq3A_325 : i32
    %convert_element_type3A_327 = arith.extui %eq3A_326 : i1 to i32
    %cond3A_328 = arith.constant 0 : i32
    %cond3A_329 = arith.cmpi ne, %convert_element_type3A_327, %cond3A_328 : i32
    scf.if %cond3A_329 {
      %dma_start3A_442 = arith.constant 0 : i32
      %dma_start3A_443 = tpu.memref_slice %arg9[%add3A_319, %dma_start3A_442] : memref<10240x128xf32, #tpu.memory_space<hbm>> -> memref<40x128xf32, #tpu.memory_space<hbm>>
      %dma_start3A_444 = arith.constant 0 : i32
      %dma_start3A_445 = tpu.memref_slice %arg20[%add3A_319, %dma_start3A_444] : memref<10240x128xf32, #tpu.memory_space<vmem_shared>> -> memref<40x128xf32, #tpu.memory_space<vmem_shared>>
      tpu.enqueue_dma source(%dma_start3A_445 : memref<40x128xf32, #tpu.memory_space<vmem_shared>>) target(%dma_start3A_443 : memref<40x128xf32, #tpu.memory_space<hbm>>) target_semaphore(%arg21 : memref<!tpu.dma_semaphore, #tpu.memory_space<semaphore_mem>>)
    } else {
    }
    %add3A_330 = arith.constant 480 : i32
    %add3A_331 = arith.addi %mul3A_6, %add3A_330 : i32
    %eq3A_332 = arith.constant 0 : i32
    %eq3A_333 = arith.cmpi eq, %arg0, %eq3A_332 : i32
    %convert_element_type3A_334 = arith.extui %eq3A_333 : i1 to i32
    %cond3A_335 = arith.constant 0 : i32
    %cond3A_336 = arith.cmpi ne, %convert_element_type3A_334, %cond3A_335 : i32
    scf.if %cond3A_336 {
      %dma_start3A_442 = arith.constant 0 : i32
      %dma_start3A_443 = tpu.memref_slice %arg8[%add3A_331, %dma_start3A_442] : memref<10240x128xf32, #tpu.memory_space<hbm>> -> memref<40x128xf32, #tpu.memory_space<hbm>>
      %dma_start3A_444 = arith.constant 0 : i32
      %dma_start3A_445 = tpu.memref_slice %arg20[%add3A_331, %dma_start3A_444] : memref<10240x128xf32, #tpu.memory_space<vmem_shared>> -> memref<40x128xf32, #tpu.memory_space<vmem_shared>>
      tpu.enqueue_dma source(%dma_start3A_445 : memref<40x128xf32, #tpu.memory_space<vmem_shared>>) target(%dma_start3A_443 : memref<40x128xf32, #tpu.memory_space<hbm>>) target_semaphore(%arg21 : memref<!tpu.dma_semaphore, #tpu.memory_space<semaphore_mem>>)
    } else {
    }
    %eq3A_337 = arith.constant 1 : i32
    %eq3A_338 = arith.cmpi eq, %arg0, %eq3A_337 : i32
    %convert_element_type3A_339 = arith.extui %eq3A_338 : i1 to i32
    %cond3A_340 = arith.constant 0 : i32
    %cond3A_341 = arith.cmpi ne, %convert_element_type3A_339, %cond3A_340 : i32
    scf.if %cond3A_341 {
      %dma_start3A_442 = arith.constant 0 : i32
      %dma_start3A_443 = tpu.memref_slice %arg9[%add3A_331, %dma_start3A_442] : memref<10240x128xf32, #tpu.memory_space<hbm>> -> memref<40x128xf32, #tpu.memory_space<hbm>>
      %dma_start3A_444 = arith.constant 0 : i32
      %dma_start3A_445 = tpu.memref_slice %arg20[%add3A_331, %dma_start3A_444] : memref<10240x128xf32, #tpu.memory_space<vmem_shared>> -> memref<40x128xf32, #tpu.memory_space<vmem_shared>>
      tpu.enqueue_dma source(%dma_start3A_445 : memref<40x128xf32, #tpu.memory_space<vmem_shared>>) target(%dma_start3A_443 : memref<40x128xf32, #tpu.memory_space<hbm>>) target_semaphore(%arg21 : memref<!tpu.dma_semaphore, #tpu.memory_space<semaphore_mem>>)
    } else {
    }
    %add3A_342 = arith.constant 520 : i32
    %add3A_343 = arith.addi %mul3A_6, %add3A_342 : i32
    %eq3A_344 = arith.constant 0 : i32
    %eq3A_345 = arith.cmpi eq, %arg0, %eq3A_344 : i32
    %convert_element_type3A_346 = arith.extui %eq3A_345 : i1 to i32
    %cond3A_347 = arith.constant 0 : i32
    %cond3A_348 = arith.cmpi ne, %convert_element_type3A_346, %cond3A_347 : i32
    scf.if %cond3A_348 {
      %dma_start3A_442 = arith.constant 0 : i32
      %dma_start3A_443 = tpu.memref_slice %arg8[%add3A_343, %dma_start3A_442] : memref<10240x128xf32, #tpu.memory_space<hbm>> -> memref<40x128xf32, #tpu.memory_space<hbm>>
      %dma_start3A_444 = arith.constant 0 : i32
      %dma_start3A_445 = tpu.memref_slice %arg20[%add3A_343, %dma_start3A_444] : memref<10240x128xf32, #tpu.memory_space<vmem_shared>> -> memref<40x128xf32, #tpu.memory_space<vmem_shared>>
      tpu.enqueue_dma source(%dma_start3A_445 : memref<40x128xf32, #tpu.memory_space<vmem_shared>>) target(%dma_start3A_443 : memref<40x128xf32, #tpu.memory_space<hbm>>) target_semaphore(%arg21 : memref<!tpu.dma_semaphore, #tpu.memory_space<semaphore_mem>>)
    } else {
    }
    %eq3A_349 = arith.constant 1 : i32
    %eq3A_350 = arith.cmpi eq, %arg0, %eq3A_349 : i32
    %convert_element_type3A_351 = arith.extui %eq3A_350 : i1 to i32
    %cond3A_352 = arith.constant 0 : i32
    %cond3A_353 = arith.cmpi ne, %convert_element_type3A_351, %cond3A_352 : i32
    scf.if %cond3A_353 {
      %dma_start3A_442 = arith.constant 0 : i32
      %dma_start3A_443 = tpu.memref_slice %arg9[%add3A_343, %dma_start3A_442] : memref<10240x128xf32, #tpu.memory_space<hbm>> -> memref<40x128xf32, #tpu.memory_space<hbm>>
      %dma_start3A_444 = arith.constant 0 : i32
      %dma_start3A_445 = tpu.memref_slice %arg20[%add3A_343, %dma_start3A_444] : memref<10240x128xf32, #tpu.memory_space<vmem_shared>> -> memref<40x128xf32, #tpu.memory_space<vmem_shared>>
      tpu.enqueue_dma source(%dma_start3A_445 : memref<40x128xf32, #tpu.memory_space<vmem_shared>>) target(%dma_start3A_443 : memref<40x128xf32, #tpu.memory_space<hbm>>) target_semaphore(%arg21 : memref<!tpu.dma_semaphore, #tpu.memory_space<semaphore_mem>>)
    } else {
    }
    %add3A_354 = arith.constant 560 : i32
    %add3A_355 = arith.addi %mul3A_6, %add3A_354 : i32
    %eq3A_356 = arith.constant 0 : i32
    %eq3A_357 = arith.cmpi eq, %arg0, %eq3A_356 : i32
    %convert_element_type3A_358 = arith.extui %eq3A_357 : i1 to i32
    %cond3A_359 = arith.constant 0 : i32
    %cond3A_360 = arith.cmpi ne, %convert_element_type3A_358, %cond3A_359 : i32
    scf.if %cond3A_360 {
      %dma_start3A_442 = arith.constant 0 : i32
      %dma_start3A_443 = tpu.memref_slice %arg8[%add3A_355, %dma_start3A_442] : memref<10240x128xf32, #tpu.memory_space<hbm>> -> memref<40x128xf32, #tpu.memory_space<hbm>>
      %dma_start3A_444 = arith.constant 0 : i32
      %dma_start3A_445 = tpu.memref_slice %arg20[%add3A_355, %dma_start3A_444] : memref<10240x128xf32, #tpu.memory_space<vmem_shared>> -> memref<40x128xf32, #tpu.memory_space<vmem_shared>>
      tpu.enqueue_dma source(%dma_start3A_445 : memref<40x128xf32, #tpu.memory_space<vmem_shared>>) target(%dma_start3A_443 : memref<40x128xf32, #tpu.memory_space<hbm>>) target_semaphore(%arg21 : memref<!tpu.dma_semaphore, #tpu.memory_space<semaphore_mem>>)
    } else {
    }
    %eq3A_361 = arith.constant 1 : i32
    %eq3A_362 = arith.cmpi eq, %arg0, %eq3A_361 : i32
    %convert_element_type3A_363 = arith.extui %eq3A_362 : i1 to i32
    %cond3A_364 = arith.constant 0 : i32
    %cond3A_365 = arith.cmpi ne, %convert_element_type3A_363, %cond3A_364 : i32
    scf.if %cond3A_365 {
      %dma_start3A_442 = arith.constant 0 : i32
      %dma_start3A_443 = tpu.memref_slice %arg9[%add3A_355, %dma_start3A_442] : memref<10240x128xf32, #tpu.memory_space<hbm>> -> memref<40x128xf32, #tpu.memory_space<hbm>>
      %dma_start3A_444 = arith.constant 0 : i32
      %dma_start3A_445 = tpu.memref_slice %arg20[%add3A_355, %dma_start3A_444] : memref<10240x128xf32, #tpu.memory_space<vmem_shared>> -> memref<40x128xf32, #tpu.memory_space<vmem_shared>>
      tpu.enqueue_dma source(%dma_start3A_445 : memref<40x128xf32, #tpu.memory_space<vmem_shared>>) target(%dma_start3A_443 : memref<40x128xf32, #tpu.memory_space<hbm>>) target_semaphore(%arg21 : memref<!tpu.dma_semaphore, #tpu.memory_space<semaphore_mem>>)
    } else {
    }
    %add3A_366 = arith.constant 600 : i32
    %add3A_367 = arith.addi %mul3A_6, %add3A_366 : i32
    %eq3A_368 = arith.constant 0 : i32
    %eq3A_369 = arith.cmpi eq, %arg0, %eq3A_368 : i32
    %convert_element_type3A_370 = arith.extui %eq3A_369 : i1 to i32
    %cond3A_371 = arith.constant 0 : i32
    %cond3A_372 = arith.cmpi ne, %convert_element_type3A_370, %cond3A_371 : i32
    scf.if %cond3A_372 {
      %dma_start3A_442 = arith.constant 0 : i32
      %dma_start3A_443 = tpu.memref_slice %arg8[%add3A_367, %dma_start3A_442] : memref<10240x128xf32, #tpu.memory_space<hbm>> -> memref<40x128xf32, #tpu.memory_space<hbm>>
      %dma_start3A_444 = arith.constant 0 : i32
      %dma_start3A_445 = tpu.memref_slice %arg20[%add3A_367, %dma_start3A_444] : memref<10240x128xf32, #tpu.memory_space<vmem_shared>> -> memref<40x128xf32, #tpu.memory_space<vmem_shared>>
      tpu.enqueue_dma source(%dma_start3A_445 : memref<40x128xf32, #tpu.memory_space<vmem_shared>>) target(%dma_start3A_443 : memref<40x128xf32, #tpu.memory_space<hbm>>) target_semaphore(%arg21 : memref<!tpu.dma_semaphore, #tpu.memory_space<semaphore_mem>>)
    } else {
    }
    %eq3A_373 = arith.constant 1 : i32
    %eq3A_374 = arith.cmpi eq, %arg0, %eq3A_373 : i32
    %convert_element_type3A_375 = arith.extui %eq3A_374 : i1 to i32
    %cond3A_376 = arith.constant 0 : i32
    %cond3A_377 = arith.cmpi ne, %convert_element_type3A_375, %cond3A_376 : i32
    scf.if %cond3A_377 {
      %dma_start3A_442 = arith.constant 0 : i32
      %dma_start3A_443 = tpu.memref_slice %arg9[%add3A_367, %dma_start3A_442] : memref<10240x128xf32, #tpu.memory_space<hbm>> -> memref<40x128xf32, #tpu.memory_space<hbm>>
      %dma_start3A_444 = arith.constant 0 : i32
      %dma_start3A_445 = tpu.memref_slice %arg20[%add3A_367, %dma_start3A_444] : memref<10240x128xf32, #tpu.memory_space<vmem_shared>> -> memref<40x128xf32, #tpu.memory_space<vmem_shared>>
      tpu.enqueue_dma source(%dma_start3A_445 : memref<40x128xf32, #tpu.memory_space<vmem_shared>>) target(%dma_start3A_443 : memref<40x128xf32, #tpu.memory_space<hbm>>) target_semaphore(%arg21 : memref<!tpu.dma_semaphore, #tpu.memory_space<semaphore_mem>>)
    } else {
    }
    %dma_wait3A_378 = arith.constant 0 : i32
    %dma_wait3A_379 = tpu.memref_slice %arg8[%mul3A_6, %dma_wait3A_378] : memref<10240x128xf32, #tpu.memory_space<hbm>> -> memref<40x128xf32, #tpu.memory_space<hbm>>
    %dma_wait3A_380 = arith.constant 0 : i32
    %dma_wait3A_381 = tpu.memref_slice %arg20[%mul3A_6, %dma_wait3A_380] : memref<10240x128xf32, #tpu.memory_space<vmem_shared>> -> memref<40x128xf32, #tpu.memory_space<vmem_shared>>
    tpu.wait_dma2 semaphore(%arg21 : memref<!tpu.dma_semaphore, #tpu.memory_space<semaphore_mem>>) src(%dma_wait3A_381 : memref<40x128xf32, #tpu.memory_space<vmem_shared>>) dst(%dma_wait3A_379 : memref<40x128xf32, #tpu.memory_space<hbm>>)
    %dma_wait3A_382 = arith.constant 0 : i32
    %dma_wait3A_383 = tpu.memref_slice %arg8[%mul3A_6, %dma_wait3A_382] : memref<10240x128xf32, #tpu.memory_space<hbm>> -> memref<40x128xf32, #tpu.memory_space<hbm>>
    %dma_wait3A_384 = arith.constant 0 : i32
    %dma_wait3A_385 = tpu.memref_slice %arg20[%mul3A_6, %dma_wait3A_384] : memref<10240x128xf32, #tpu.memory_space<vmem_shared>> -> memref<40x128xf32, #tpu.memory_space<vmem_shared>>
    tpu.wait_dma2 semaphore(%arg21 : memref<!tpu.dma_semaphore, #tpu.memory_space<semaphore_mem>>) src(%dma_wait3A_385 : memref<40x128xf32, #tpu.memory_space<vmem_shared>>) dst(%dma_wait3A_383 : memref<40x128xf32, #tpu.memory_space<hbm>>)
    %dma_wait3A_386 = arith.constant 0 : i32
    %dma_wait3A_387 = tpu.memref_slice %arg8[%mul3A_6, %dma_wait3A_386] : memref<10240x128xf32, #tpu.memory_space<hbm>> -> memref<40x128xf32, #tpu.memory_space<hbm>>
    %dma_wait3A_388 = arith.constant 0 : i32
    %dma_wait3A_389 = tpu.memref_slice %arg20[%mul3A_6, %dma_wait3A_388] : memref<10240x128xf32, #tpu.memory_space<vmem_shared>> -> memref<40x128xf32, #tpu.memory_space<vmem_shared>>
    tpu.wait_dma2 semaphore(%arg21 : memref<!tpu.dma_semaphore, #tpu.memory_space<semaphore_mem>>) src(%dma_wait3A_389 : memref<40x128xf32, #tpu.memory_space<vmem_shared>>) dst(%dma_wait3A_387 : memref<40x128xf32, #tpu.memory_space<hbm>>)
    %dma_wait3A_390 = arith.constant 0 : i32
    %dma_wait3A_391 = tpu.memref_slice %arg8[%mul3A_6, %dma_wait3A_390] : memref<10240x128xf32, #tpu.memory_space<hbm>> -> memref<40x128xf32, #tpu.memory_space<hbm>>
    %dma_wait3A_392 = arith.constant 0 : i32
    %dma_wait3A_393 = tpu.memref_slice %arg20[%mul3A_6, %dma_wait3A_392] : memref<10240x128xf32, #tpu.memory_space<vmem_shared>> -> memref<40x128xf32, #tpu.memory_space<vmem_shared>>
    tpu.wait_dma2 semaphore(%arg21 : memref<!tpu.dma_semaphore, #tpu.memory_space<semaphore_mem>>) src(%dma_wait3A_393 : memref<40x128xf32, #tpu.memory_space<vmem_shared>>) dst(%dma_wait3A_391 : memref<40x128xf32, #tpu.memory_space<hbm>>)
    %dma_wait3A_394 = arith.constant 0 : i32
    %dma_wait3A_395 = tpu.memref_slice %arg8[%mul3A_6, %dma_wait3A_394] : memref<10240x128xf32, #tpu.memory_space<hbm>> -> memref<40x128xf32, #tpu.memory_space<hbm>>
    %dma_wait3A_396 = arith.constant 0 : i32
    %dma_wait3A_397 = tpu.memref_slice %arg20[%mul3A_6, %dma_wait3A_396] : memref<10240x128xf32, #tpu.memory_space<vmem_shared>> -> memref<40x128xf32, #tpu.memory_space<vmem_shared>>
    tpu.wait_dma2 semaphore(%arg21 : memref<!tpu.dma_semaphore, #tpu.memory_space<semaphore_mem>>) src(%dma_wait3A_397 : memref<40x128xf32, #tpu.memory_space<vmem_shared>>) dst(%dma_wait3A_395 : memref<40x128xf32, #tpu.memory_space<hbm>>)
    %dma_wait3A_398 = arith.constant 0 : i32
    %dma_wait3A_399 = tpu.memref_slice %arg8[%mul3A_6, %dma_wait3A_398] : memref<10240x128xf32, #tpu.memory_space<hbm>> -> memref<40x128xf32, #tpu.memory_space<hbm>>
    %dma_wait3A_400 = arith.constant 0 : i32
    %dma_wait3A_401 = tpu.memref_slice %arg20[%mul3A_6, %dma_wait3A_400] : memref<10240x128xf32, #tpu.memory_space<vmem_shared>> -> memref<40x128xf32, #tpu.memory_space<vmem_shared>>
    tpu.wait_dma2 semaphore(%arg21 : memref<!tpu.dma_semaphore, #tpu.memory_space<semaphore_mem>>) src(%dma_wait3A_401 : memref<40x128xf32, #tpu.memory_space<vmem_shared>>) dst(%dma_wait3A_399 : memref<40x128xf32, #tpu.memory_space<hbm>>)
    %dma_wait3A_402 = arith.constant 0 : i32
    %dma_wait3A_403 = tpu.memref_slice %arg8[%mul3A_6, %dma_wait3A_402] : memref<10240x128xf32, #tpu.memory_space<hbm>> -> memref<40x128xf32, #tpu.memory_space<hbm>>
    %dma_wait3A_404 = arith.constant 0 : i32
    %dma_wait3A_405 = tpu.memref_slice %arg20[%mul3A_6, %dma_wait3A_404] : memref<10240x128xf32, #tpu.memory_space<vmem_shared>> -> memref<40x128xf32, #tpu.memory_space<vmem_shared>>
    tpu.wait_dma2 semaphore(%arg21 : memref<!tpu.dma_semaphore, #tpu.memory_space<semaphore_mem>>) src(%dma_wait3A_405 : memref<40x128xf32, #tpu.memory_space<vmem_shared>>) dst(%dma_wait3A_403 : memref<40x128xf32, #tpu.memory_space<hbm>>)
    %dma_wait3A_406 = arith.constant 0 : i32
    %dma_wait3A_407 = tpu.memref_slice %arg8[%mul3A_6, %dma_wait3A_406] : memref<10240x128xf32, #tpu.memory_space<hbm>> -> memref<40x128xf32, #tpu.memory_space<hbm>>
    %dma_wait3A_408 = arith.constant 0 : i32
    %dma_wait3A_409 = tpu.memref_slice %arg20[%mul3A_6, %dma_wait3A_408] : memref<10240x128xf32, #tpu.memory_space<vmem_shared>> -> memref<40x128xf32, #tpu.memory_space<vmem_shared>>
    tpu.wait_dma2 semaphore(%arg21 : memref<!tpu.dma_semaphore, #tpu.memory_space<semaphore_mem>>) src(%dma_wait3A_409 : memref<40x128xf32, #tpu.memory_space<vmem_shared>>) dst(%dma_wait3A_407 : memref<40x128xf32, #tpu.memory_space<hbm>>)
    %dma_wait3A_410 = arith.constant 0 : i32
    %dma_wait3A_411 = tpu.memref_slice %arg8[%mul3A_6, %dma_wait3A_410] : memref<10240x128xf32, #tpu.memory_space<hbm>> -> memref<40x128xf32, #tpu.memory_space<hbm>>
    %dma_wait3A_412 = arith.constant 0 : i32
    %dma_wait3A_413 = tpu.memref_slice %arg20[%mul3A_6, %dma_wait3A_412] : memref<10240x128xf32, #tpu.memory_space<vmem_shared>> -> memref<40x128xf32, #tpu.memory_space<vmem_shared>>
    tpu.wait_dma2 semaphore(%arg21 : memref<!tpu.dma_semaphore, #tpu.memory_space<semaphore_mem>>) src(%dma_wait3A_413 : memref<40x128xf32, #tpu.memory_space<vmem_shared>>) dst(%dma_wait3A_411 : memref<40x128xf32, #tpu.memory_space<hbm>>)
    %dma_wait3A_414 = arith.constant 0 : i32
    %dma_wait3A_415 = tpu.memref_slice %arg8[%mul3A_6, %dma_wait3A_414] : memref<10240x128xf32, #tpu.memory_space<hbm>> -> memref<40x128xf32, #tpu.memory_space<hbm>>
    %dma_wait3A_416 = arith.constant 0 : i32
    %dma_wait3A_417 = tpu.memref_slice %arg20[%mul3A_6, %dma_wait3A_416] : memref<10240x128xf32, #tpu.memory_space<vmem_shared>> -> memref<40x128xf32, #tpu.memory_space<vmem_shared>>
    tpu.wait_dma2 semaphore(%arg21 : memref<!tpu.dma_semaphore, #tpu.memory_space<semaphore_mem>>) src(%dma_wait3A_417 : memref<40x128xf32, #tpu.memory_space<vmem_shared>>) dst(%dma_wait3A_415 : memref<40x128xf32, #tpu.memory_space<hbm>>)
    %dma_wait3A_418 = arith.constant 0 : i32
    %dma_wait3A_419 = tpu.memref_slice %arg8[%mul3A_6, %dma_wait3A_418] : memref<10240x128xf32, #tpu.memory_space<hbm>> -> memref<40x128xf32, #tpu.memory_space<hbm>>
    %dma_wait3A_420 = arith.constant 0 : i32
    %dma_wait3A_421 = tpu.memref_slice %arg20[%mul3A_6, %dma_wait3A_420] : memref<10240x128xf32, #tpu.memory_space<vmem_shared>> -> memref<40x128xf32, #tpu.memory_space<vmem_shared>>
    tpu.wait_dma2 semaphore(%arg21 : memref<!tpu.dma_semaphore, #tpu.memory_space<semaphore_mem>>) src(%dma_wait3A_421 : memref<40x128xf32, #tpu.memory_space<vmem_shared>>) dst(%dma_wait3A_419 : memref<40x128xf32, #tpu.memory_space<hbm>>)
    %dma_wait3A_422 = arith.constant 0 : i32
    %dma_wait3A_423 = tpu.memref_slice %arg8[%mul3A_6, %dma_wait3A_422] : memref<10240x128xf32, #tpu.memory_space<hbm>> -> memref<40x128xf32, #tpu.memory_space<hbm>>
    %dma_wait3A_424 = arith.constant 0 : i32
    %dma_wait3A_425 = tpu.memref_slice %arg20[%mul3A_6, %dma_wait3A_424] : memref<10240x128xf32, #tpu.memory_space<vmem_shared>> -> memref<40x128xf32, #tpu.memory_space<vmem_shared>>
    tpu.wait_dma2 semaphore(%arg21 : memref<!tpu.dma_semaphore, #tpu.memory_space<semaphore_mem>>) src(%dma_wait3A_425 : memref<40x128xf32, #tpu.memory_space<vmem_shared>>) dst(%dma_wait3A_423 : memref<40x128xf32, #tpu.memory_space<hbm>>)
    %dma_wait3A_426 = arith.constant 0 : i32
    %dma_wait3A_427 = tpu.memref_slice %arg8[%mul3A_6, %dma_wait3A_426] : memref<10240x128xf32, #tpu.memory_space<hbm>> -> memref<40x128xf32, #tpu.memory_space<hbm>>
    %dma_wait3A_428 = arith.constant 0 : i32
    %dma_wait3A_429 = tpu.memref_slice %arg20[%mul3A_6, %dma_wait3A_428] : memref<10240x128xf32, #tpu.memory_space<vmem_shared>> -> memref<40x128xf32, #tpu.memory_space<vmem_shared>>
    tpu.wait_dma2 semaphore(%arg21 : memref<!tpu.dma_semaphore, #tpu.memory_space<semaphore_mem>>) src(%dma_wait3A_429 : memref<40x128xf32, #tpu.memory_space<vmem_shared>>) dst(%dma_wait3A_427 : memref<40x128xf32, #tpu.memory_space<hbm>>)
    %dma_wait3A_430 = arith.constant 0 : i32
    %dma_wait3A_431 = tpu.memref_slice %arg8[%mul3A_6, %dma_wait3A_430] : memref<10240x128xf32, #tpu.memory_space<hbm>> -> memref<40x128xf32, #tpu.memory_space<hbm>>
    %dma_wait3A_432 = arith.constant 0 : i32
    %dma_wait3A_433 = tpu.memref_slice %arg20[%mul3A_6, %dma_wait3A_432] : memref<10240x128xf32, #tpu.memory_space<vmem_shared>> -> memref<40x128xf32, #tpu.memory_space<vmem_shared>>
    tpu.wait_dma2 semaphore(%arg21 : memref<!tpu.dma_semaphore, #tpu.memory_space<semaphore_mem>>) src(%dma_wait3A_433 : memref<40x128xf32, #tpu.memory_space<vmem_shared>>) dst(%dma_wait3A_431 : memref<40x128xf32, #tpu.memory_space<hbm>>)
    %dma_wait3A_434 = arith.constant 0 : i32
    %dma_wait3A_435 = tpu.memref_slice %arg8[%mul3A_6, %dma_wait3A_434] : memref<10240x128xf32, #tpu.memory_space<hbm>> -> memref<40x128xf32, #tpu.memory_space<hbm>>
    %dma_wait3A_436 = arith.constant 0 : i32
    %dma_wait3A_437 = tpu.memref_slice %arg20[%mul3A_6, %dma_wait3A_436] : memref<10240x128xf32, #tpu.memory_space<vmem_shared>> -> memref<40x128xf32, #tpu.memory_space<vmem_shared>>
    tpu.wait_dma2 semaphore(%arg21 : memref<!tpu.dma_semaphore, #tpu.memory_space<semaphore_mem>>) src(%dma_wait3A_437 : memref<40x128xf32, #tpu.memory_space<vmem_shared>>) dst(%dma_wait3A_435 : memref<40x128xf32, #tpu.memory_space<hbm>>)
    %dma_wait3A_438 = arith.constant 0 : i32
    %dma_wait3A_439 = tpu.memref_slice %arg8[%mul3A_6, %dma_wait3A_438] : memref<10240x128xf32, #tpu.memory_space<hbm>> -> memref<40x128xf32, #tpu.memory_space<hbm>>
    %dma_wait3A_440 = arith.constant 0 : i32
    %dma_wait3A_441 = tpu.memref_slice %arg20[%mul3A_6, %dma_wait3A_440] : memref<10240x128xf32, #tpu.memory_space<vmem_shared>> -> memref<40x128xf32, #tpu.memory_space<vmem_shared>>
    tpu.wait_dma2 semaphore(%arg21 : memref<!tpu.dma_semaphore, #tpu.memory_space<semaphore_mem>>) src(%dma_wait3A_441 : memref<40x128xf32, #tpu.memory_space<vmem_shared>>) dst(%dma_wait3A_439 : memref<40x128xf32, #tpu.memory_space<hbm>>)
    return
  }
}

module attributes {stable_mosaic.version = 14 : i64} {
  func.func @_prep_node_body(%arg0: i32, %arg1: memref<2000x128xf32, #tpu.memory_space<vmem>>, %arg2: memref<128x144xf32, #tpu.memory_space<vmem>>, %arg3: memref<128x144xf32, #tpu.memory_space<vmem>>, %arg4: memref<2000x144xf32, #tpu.memory_space<vmem>>, %arg5: memref<2000x144xf32, #tpu.memory_space<vmem>>) attributes {dimension_semantics = [#tpu.dimension_semantics<arbitrary>], iteration_bounds = array<i64: 5>, scalar_prefetch = 0 : i64, scratch_operands = 0 : i64, tpu.core_type = #tpu.core_type<tc>, window_params = [{transform_indices = @transform_0, window_bounds = array<i64: 2000, 128>}, {pipeline_mode = #tpu.pipeline_mode<synchronous>, transform_indices = @transform_1, window_bounds = array<i64: 128, 144>}, {pipeline_mode = #tpu.pipeline_mode<synchronous>, transform_indices = @transform_2, window_bounds = array<i64: 128, 144>}, {transform_indices = @transform_3, window_bounds = array<i64: 2000, 144>}, {transform_indices = @transform_4, window_bounds = array<i64: 2000, 144>}]} {
    %get3A = arith.constant 0 : index
    %get3A_0 = arith.constant 0 : index
    %get3A_1 = vector.load %arg1[%get3A, %get3A_0] : memref<2000x128xf32, #tpu.memory_space<vmem>>, vector<2000x128xf32>
    %get3A_2 = arith.constant 0 : index
    %get3A_3 = arith.constant 0 : index
    %get3A_4 = vector.load %arg2[%get3A_2, %get3A_3] : memref<128x144xf32, #tpu.memory_space<vmem>>, vector<128x144xf32>
    %dot_general3A = arith.constant dense<0.000000e+00> : vector<2000x144xf32>
    %dot_general3A_5 = tpu.matmul %get3A_1, %get3A_4, %dot_general3A {dimension_numbers = #tpu.dot_dimension_numbers<[1], [0], [0], [1], [0, 0, 1, 1], [], []>, transpose_lhs_hint = false} : vector<2000x128xf32>, vector<128x144xf32>, vector<2000x144xf32> -> vector<2000x144xf32>
    %swap3A = arith.constant 0 : index
    %swap3A_6 = arith.constant 0 : index
    %swap3A_7 = vector.load %arg4[%swap3A, %swap3A_6] : memref<2000x144xf32, #tpu.memory_space<vmem>>, vector<2000x144xf32>
    tpu.vector_store %arg4[%swap3A, %swap3A_6], %dot_general3A_5 {strides = array<i32>} : memref<2000x144xf32, #tpu.memory_space<vmem>>, vector<2000x144xf32>,
    %get3A_8 = arith.constant 0 : index
    %get3A_9 = arith.constant 0 : index
    %get3A_10 = vector.load %arg3[%get3A_8, %get3A_9] : memref<128x144xf32, #tpu.memory_space<vmem>>, vector<128x144xf32>
    %dot_general3A_11 = arith.constant dense<0.000000e+00> : vector<2000x144xf32>
    %dot_general3A_12 = tpu.matmul %get3A_1, %get3A_10, %dot_general3A_11 {dimension_numbers = #tpu.dot_dimension_numbers<[1], [0], [0], [1], [0, 0, 1, 1], [], []>, transpose_lhs_hint = false} : vector<2000x128xf32>, vector<128x144xf32>, vector<2000x144xf32> -> vector<2000x144xf32>
    %swap3A_13 = arith.constant 0 : index
    %swap3A_14 = arith.constant 0 : index
    %swap3A_15 = vector.load %arg5[%swap3A_13, %swap3A_14] : memref<2000x144xf32, #tpu.memory_space<vmem>>, vector<2000x144xf32>
    tpu.vector_store %arg5[%swap3A_13, %swap3A_14], %dot_general3A_12 {strides = array<i32>} : memref<2000x144xf32, #tpu.memory_space<vmem>>, vector<2000x144xf32>,
    return
  }
  func.func @transform_0(%arg0: i32) -> (i32, i32) {
    %c0_i32 = arith.constant 0 : i32
    %c0_i32_0 = arith.constant 0 : i32
    return %arg0, %c0_i32 : i32, i32
  }
  func.func @transform_1(%arg0: i32) -> (i32, i32) {
    %c0_i32 = arith.constant 0 : i32
    %c0_i32_0 = arith.constant 0 : i32
    %c0_i32_1 = arith.constant 0 : i32
    return %c0_i32, %c0_i32_0 : i32, i32
  }
  func.func @transform_2(%arg0: i32) -> (i32, i32) {
    %c0_i32 = arith.constant 0 : i32
    %c0_i32_0 = arith.constant 0 : i32
    %c0_i32_1 = arith.constant 0 : i32
    return %c0_i32, %c0_i32_0 : i32, i32
  }
  func.func @transform_3(%arg0: i32) -> (i32, i32) {
    %c0_i32 = arith.constant 0 : i32
    %c0_i32_0 = arith.constant 0 : i32
    return %arg0, %c0_i32 : i32, i32
  }
  func.func @transform_4(%arg0: i32) -> (i32, i32) {
    %c0_i32 = arith.constant 0 : i32
    %c0_i32_0 = arith.constant 0 : i32
    return %arg0, %c0_i32 : i32, i32
  }
}

module attributes {stable_mosaic.version = 14 : i64} {
  func.func @_prep_edge_body(%arg0: i32, %arg1: memref<1000x128xf32, #tpu.memory_space<vmem>>, %arg2: memref<8x128x128xf32, #tpu.memory_space<vmem>>, %arg3: memref<1x128xf32, #tpu.memory_space<vmem>>, %arg4: memref<128x128xf32, #tpu.memory_space<vmem>>, %arg5: memref<1x128xf32, #tpu.memory_space<vmem>>, %arg6: memref<9x1000x128xf32, #tpu.memory_space<vmem>>) attributes {dimension_semantics = [#tpu.dimension_semantics<arbitrary>], iteration_bounds = array<i64: 40>, scalar_prefetch = 0 : i64, scratch_operands = 0 : i64, tpu.core_type = #tpu.core_type<tc>, window_params = [{transform_indices = @transform_0, window_bounds = array<i64: 1000, 128>}, {pipeline_mode = #tpu.pipeline_mode<synchronous>, transform_indices = @transform_1, window_bounds = array<i64: 8, 128, 128>}, {pipeline_mode = #tpu.pipeline_mode<synchronous>, transform_indices = @transform_2, window_bounds = array<i64: 1, 128>}, {pipeline_mode = #tpu.pipeline_mode<synchronous>, transform_indices = @transform_3, window_bounds = array<i64: 128, 128>}, {pipeline_mode = #tpu.pipeline_mode<synchronous>, transform_indices = @transform_4, window_bounds = array<i64: 1, 128>}, {transform_indices = @transform_5, window_bounds = array<i64: 9, 1000, 128>}]} {
    %get3A = arith.constant 0 : index
    %get3A_0 = arith.constant 0 : index
    %get3A_1 = vector.load %arg1[%get3A, %get3A_0] : memref<1000x128xf32, #tpu.memory_space<vmem>>, vector<1000x128xf32>
    %get3A_2 = arith.constant 0 : index
    %get3A_3 = arith.constant 0 : index
    %get3A_4 = arith.constant 0 : index
    %get3A_5 = vector.load %arg2[%get3A_2, %get3A_3, %get3A_4] : memref<8x128x128xf32, #tpu.memory_space<vmem>>, vector<1x128x128xf32>
    %get3A_6 = vector.shape_cast %get3A_5 : vector<1x128x128xf32> to vector<128x128xf32>
    %dot_general3A = arith.constant dense<0.000000e+00> : vector<1000x128xf32>
    %dot_general3A_7 = tpu.matmul %get3A_1, %get3A_6, %dot_general3A {dimension_numbers = #tpu.dot_dimension_numbers<[1], [0], [0], [1], [0, 0, 1, 1], [], []>, transpose_lhs_hint = false} : vector<1000x128xf32>, vector<128x128xf32>, vector<1000x128xf32> -> vector<1000x128xf32>
    %get3A_8 = arith.constant 0 : index
    %get3A_9 = arith.constant 0 : index
    %get3A_10 = vector.load %arg3[%get3A_8, %get3A_9] : memref<1x128xf32, #tpu.memory_space<vmem>>, vector<1x128xf32>
    %add3A = vector.broadcast %get3A_10 : vector<1x128xf32> to vector<1000x128xf32>
    %add3A_11 = arith.addf %dot_general3A_7, %add3A : vector<1000x128xf32>
    %swap3A = arith.constant 0 : index
    %swap3A_12 = arith.constant 0 : index
    %swap3A_13 = arith.constant 0 : index
    %swap3A_14 = vector.load %arg6[%swap3A, %swap3A_12, %swap3A_13] : memref<9x1000x128xf32, #tpu.memory_space<vmem>>, vector<1x1000x128xf32>
    %swap3A_15 = vector.shape_cast %swap3A_14 : vector<1x1000x128xf32> to vector<1000x128xf32>
    %swap3A_16 = vector.shape_cast %add3A_11 : vector<1000x128xf32> to vector<1x1000x128xf32>
    tpu.vector_store %arg6[%swap3A, %swap3A_12, %swap3A_13], %swap3A_16 {strides = array<i32>} : memref<9x1000x128xf32, #tpu.memory_space<vmem>>, vector<1x1000x128xf32>,
    %get3A_17 = arith.constant 1 : index
    %get3A_18 = arith.constant 0 : index
    %get3A_19 = arith.constant 0 : index
    %get3A_20 = vector.load %arg2[%get3A_17, %get3A_18, %get3A_19] : memref<8x128x128xf32, #tpu.memory_space<vmem>>, vector<1x128x128xf32>
    %get3A_21 = vector.shape_cast %get3A_20 : vector<1x128x128xf32> to vector<128x128xf32>
    %dot_general3A_22 = arith.constant dense<0.000000e+00> : vector<1000x128xf32>
    %dot_general3A_23 = tpu.matmul %get3A_1, %get3A_21, %dot_general3A_22 {dimension_numbers = #tpu.dot_dimension_numbers<[1], [0], [0], [1], [0, 0, 1, 1], [], []>, transpose_lhs_hint = false} : vector<1000x128xf32>, vector<128x128xf32>, vector<1000x128xf32> -> vector<1000x128xf32>
    %get3A_24 = arith.constant 0 : index
    %get3A_25 = arith.constant 0 : index
    %get3A_26 = vector.load %arg3[%get3A_24, %get3A_25] : memref<1x128xf32, #tpu.memory_space<vmem>>, vector<1x128xf32>
    %add3A_27 = vector.broadcast %get3A_26 : vector<1x128xf32> to vector<1000x128xf32>
    %add3A_28 = arith.addf %dot_general3A_23, %add3A_27 : vector<1000x128xf32>
    %swap3A_29 = arith.constant 1 : index
    %swap3A_30 = arith.constant 0 : index
    %swap3A_31 = arith.constant 0 : index
    %swap3A_32 = vector.load %arg6[%swap3A_29, %swap3A_30, %swap3A_31] : memref<9x1000x128xf32, #tpu.memory_space<vmem>>, vector<1x1000x128xf32>
    %swap3A_33 = vector.shape_cast %swap3A_32 : vector<1x1000x128xf32> to vector<1000x128xf32>
    %swap3A_34 = vector.shape_cast %add3A_28 : vector<1000x128xf32> to vector<1x1000x128xf32>
    tpu.vector_store %arg6[%swap3A_29, %swap3A_30, %swap3A_31], %swap3A_34 {strides = array<i32>} : memref<9x1000x128xf32, #tpu.memory_space<vmem>>, vector<1x1000x128xf32>,
    %get3A_35 = arith.constant 2 : index
    %get3A_36 = arith.constant 0 : index
    %get3A_37 = arith.constant 0 : index
    %get3A_38 = vector.load %arg2[%get3A_35, %get3A_36, %get3A_37] : memref<8x128x128xf32, #tpu.memory_space<vmem>>, vector<1x128x128xf32>
    %get3A_39 = vector.shape_cast %get3A_38 : vector<1x128x128xf32> to vector<128x128xf32>
    %dot_general3A_40 = arith.constant dense<0.000000e+00> : vector<1000x128xf32>
    %dot_general3A_41 = tpu.matmul %get3A_1, %get3A_39, %dot_general3A_40 {dimension_numbers = #tpu.dot_dimension_numbers<[1], [0], [0], [1], [0, 0, 1, 1], [], []>, transpose_lhs_hint = false} : vector<1000x128xf32>, vector<128x128xf32>, vector<1000x128xf32> -> vector<1000x128xf32>
    %get3A_42 = arith.constant 0 : index
    %get3A_43 = arith.constant 0 : index
    %get3A_44 = vector.load %arg3[%get3A_42, %get3A_43] : memref<1x128xf32, #tpu.memory_space<vmem>>, vector<1x128xf32>
    %add3A_45 = vector.broadcast %get3A_44 : vector<1x128xf32> to vector<1000x128xf32>
    %add3A_46 = arith.addf %dot_general3A_41, %add3A_45 : vector<1000x128xf32>
    %swap3A_47 = arith.constant 2 : index
    %swap3A_48 = arith.constant 0 : index
    %swap3A_49 = arith.constant 0 : index
    %swap3A_50 = vector.load %arg6[%swap3A_47, %swap3A_48, %swap3A_49] : memref<9x1000x128xf32, #tpu.memory_space<vmem>>, vector<1x1000x128xf32>
    %swap3A_51 = vector.shape_cast %swap3A_50 : vector<1x1000x128xf32> to vector<1000x128xf32>
    %swap3A_52 = vector.shape_cast %add3A_46 : vector<1000x128xf32> to vector<1x1000x128xf32>
    tpu.vector_store %arg6[%swap3A_47, %swap3A_48, %swap3A_49], %swap3A_52 {strides = array<i32>} : memref<9x1000x128xf32, #tpu.memory_space<vmem>>, vector<1x1000x128xf32>,
    %get3A_53 = arith.constant 3 : index
    %get3A_54 = arith.constant 0 : index
    %get3A_55 = arith.constant 0 : index
    %get3A_56 = vector.load %arg2[%get3A_53, %get3A_54, %get3A_55] : memref<8x128x128xf32, #tpu.memory_space<vmem>>, vector<1x128x128xf32>
    %get3A_57 = vector.shape_cast %get3A_56 : vector<1x128x128xf32> to vector<128x128xf32>
    %dot_general3A_58 = arith.constant dense<0.000000e+00> : vector<1000x128xf32>
    %dot_general3A_59 = tpu.matmul %get3A_1, %get3A_57, %dot_general3A_58 {dimension_numbers = #tpu.dot_dimension_numbers<[1], [0], [0], [1], [0, 0, 1, 1], [], []>, transpose_lhs_hint = false} : vector<1000x128xf32>, vector<128x128xf32>, vector<1000x128xf32> -> vector<1000x128xf32>
    %get3A_60 = arith.constant 0 : index
    %get3A_61 = arith.constant 0 : index
    %get3A_62 = vector.load %arg3[%get3A_60, %get3A_61] : memref<1x128xf32, #tpu.memory_space<vmem>>, vector<1x128xf32>
    %add3A_63 = vector.broadcast %get3A_62 : vector<1x128xf32> to vector<1000x128xf32>
    %add3A_64 = arith.addf %dot_general3A_59, %add3A_63 : vector<1000x128xf32>
    %swap3A_65 = arith.constant 3 : index
    %swap3A_66 = arith.constant 0 : index
    %swap3A_67 = arith.constant 0 : index
    %swap3A_68 = vector.load %arg6[%swap3A_65, %swap3A_66, %swap3A_67] : memref<9x1000x128xf32, #tpu.memory_space<vmem>>, vector<1x1000x128xf32>
    %swap3A_69 = vector.shape_cast %swap3A_68 : vector<1x1000x128xf32> to vector<1000x128xf32>
    %swap3A_70 = vector.shape_cast %add3A_64 : vector<1000x128xf32> to vector<1x1000x128xf32>
    tpu.vector_store %arg6[%swap3A_65, %swap3A_66, %swap3A_67], %swap3A_70 {strides = array<i32>} : memref<9x1000x128xf32, #tpu.memory_space<vmem>>, vector<1x1000x128xf32>,
    %get3A_71 = arith.constant 4 : index
    %get3A_72 = arith.constant 0 : index
    %get3A_73 = arith.constant 0 : index
    %get3A_74 = vector.load %arg2[%get3A_71, %get3A_72, %get3A_73] : memref<8x128x128xf32, #tpu.memory_space<vmem>>, vector<1x128x128xf32>
    %get3A_75 = vector.shape_cast %get3A_74 : vector<1x128x128xf32> to vector<128x128xf32>
    %dot_general3A_76 = arith.constant dense<0.000000e+00> : vector<1000x128xf32>
    %dot_general3A_77 = tpu.matmul %get3A_1, %get3A_75, %dot_general3A_76 {dimension_numbers = #tpu.dot_dimension_numbers<[1], [0], [0], [1], [0, 0, 1, 1], [], []>, transpose_lhs_hint = false} : vector<1000x128xf32>, vector<128x128xf32>, vector<1000x128xf32> -> vector<1000x128xf32>
    %get3A_78 = arith.constant 0 : index
    %get3A_79 = arith.constant 0 : index
    %get3A_80 = vector.load %arg3[%get3A_78, %get3A_79] : memref<1x128xf32, #tpu.memory_space<vmem>>, vector<1x128xf32>
    %add3A_81 = vector.broadcast %get3A_80 : vector<1x128xf32> to vector<1000x128xf32>
    %add3A_82 = arith.addf %dot_general3A_77, %add3A_81 : vector<1000x128xf32>
    %swap3A_83 = arith.constant 4 : index
    %swap3A_84 = arith.constant 0 : index
    %swap3A_85 = arith.constant 0 : index
    %swap3A_86 = vector.load %arg6[%swap3A_83, %swap3A_84, %swap3A_85] : memref<9x1000x128xf32, #tpu.memory_space<vmem>>, vector<1x1000x128xf32>
    %swap3A_87 = vector.shape_cast %swap3A_86 : vector<1x1000x128xf32> to vector<1000x128xf32>
    %swap3A_88 = vector.shape_cast %add3A_82 : vector<1000x128xf32> to vector<1x1000x128xf32>
    tpu.vector_store %arg6[%swap3A_83, %swap3A_84, %swap3A_85], %swap3A_88 {strides = array<i32>} : memref<9x1000x128xf32, #tpu.memory_space<vmem>>, vector<1x1000x128xf32>,
    %get3A_89 = arith.constant 5 : index
    %get3A_90 = arith.constant 0 : index
    %get3A_91 = arith.constant 0 : index
    %get3A_92 = vector.load %arg2[%get3A_89, %get3A_90, %get3A_91] : memref<8x128x128xf32, #tpu.memory_space<vmem>>, vector<1x128x128xf32>
    %get3A_93 = vector.shape_cast %get3A_92 : vector<1x128x128xf32> to vector<128x128xf32>
    %dot_general3A_94 = arith.constant dense<0.000000e+00> : vector<1000x128xf32>
    %dot_general3A_95 = tpu.matmul %get3A_1, %get3A_93, %dot_general3A_94 {dimension_numbers = #tpu.dot_dimension_numbers<[1], [0], [0], [1], [0, 0, 1, 1], [], []>, transpose_lhs_hint = false} : vector<1000x128xf32>, vector<128x128xf32>, vector<1000x128xf32> -> vector<1000x128xf32>
    %get3A_96 = arith.constant 0 : index
    %get3A_97 = arith.constant 0 : index
    %get3A_98 = vector.load %arg3[%get3A_96, %get3A_97] : memref<1x128xf32, #tpu.memory_space<vmem>>, vector<1x128xf32>
    %add3A_99 = vector.broadcast %get3A_98 : vector<1x128xf32> to vector<1000x128xf32>
    %add3A_100 = arith.addf %dot_general3A_95, %add3A_99 : vector<1000x128xf32>
    %swap3A_101 = arith.constant 5 : index
    %swap3A_102 = arith.constant 0 : index
    %swap3A_103 = arith.constant 0 : index
    %swap3A_104 = vector.load %arg6[%swap3A_101, %swap3A_102, %swap3A_103] : memref<9x1000x128xf32, #tpu.memory_space<vmem>>, vector<1x1000x128xf32>
    %swap3A_105 = vector.shape_cast %swap3A_104 : vector<1x1000x128xf32> to vector<1000x128xf32>
    %swap3A_106 = vector.shape_cast %add3A_100 : vector<1000x128xf32> to vector<1x1000x128xf32>
    tpu.vector_store %arg6[%swap3A_101, %swap3A_102, %swap3A_103], %swap3A_106 {strides = array<i32>} : memref<9x1000x128xf32, #tpu.memory_space<vmem>>, vector<1x1000x128xf32>,
    %get3A_107 = arith.constant 6 : index
    %get3A_108 = arith.constant 0 : index
    %get3A_109 = arith.constant 0 : index
    %get3A_110 = vector.load %arg2[%get3A_107, %get3A_108, %get3A_109] : memref<8x128x128xf32, #tpu.memory_space<vmem>>, vector<1x128x128xf32>
    %get3A_111 = vector.shape_cast %get3A_110 : vector<1x128x128xf32> to vector<128x128xf32>
    %dot_general3A_112 = arith.constant dense<0.000000e+00> : vector<1000x128xf32>
    %dot_general3A_113 = tpu.matmul %get3A_1, %get3A_111, %dot_general3A_112 {dimension_numbers = #tpu.dot_dimension_numbers<[1], [0], [0], [1], [0, 0, 1, 1], [], []>, transpose_lhs_hint = false} : vector<1000x128xf32>, vector<128x128xf32>, vector<1000x128xf32> -> vector<1000x128xf32>
    %get3A_114 = arith.constant 0 : index
    %get3A_115 = arith.constant 0 : index
    %get3A_116 = vector.load %arg3[%get3A_114, %get3A_115] : memref<1x128xf32, #tpu.memory_space<vmem>>, vector<1x128xf32>
    %add3A_117 = vector.broadcast %get3A_116 : vector<1x128xf32> to vector<1000x128xf32>
    %add3A_118 = arith.addf %dot_general3A_113, %add3A_117 : vector<1000x128xf32>
    %swap3A_119 = arith.constant 6 : index
    %swap3A_120 = arith.constant 0 : index
    %swap3A_121 = arith.constant 0 : index
    %swap3A_122 = vector.load %arg6[%swap3A_119, %swap3A_120, %swap3A_121] : memref<9x1000x128xf32, #tpu.memory_space<vmem>>, vector<1x1000x128xf32>
    %swap3A_123 = vector.shape_cast %swap3A_122 : vector<1x1000x128xf32> to vector<1000x128xf32>
    %swap3A_124 = vector.shape_cast %add3A_118 : vector<1000x128xf32> to vector<1x1000x128xf32>
    tpu.vector_store %arg6[%swap3A_119, %swap3A_120, %swap3A_121], %swap3A_124 {strides = array<i32>} : memref<9x1000x128xf32, #tpu.memory_space<vmem>>, vector<1x1000x128xf32>,
    %get3A_125 = arith.constant 7 : index
    %get3A_126 = arith.constant 0 : index
    %get3A_127 = arith.constant 0 : index
    %get3A_128 = vector.load %arg2[%get3A_125, %get3A_126, %get3A_127] : memref<8x128x128xf32, #tpu.memory_space<vmem>>, vector<1x128x128xf32>
    %get3A_129 = vector.shape_cast %get3A_128 : vector<1x128x128xf32> to vector<128x128xf32>
    %dot_general3A_130 = arith.constant dense<0.000000e+00> : vector<1000x128xf32>
    %dot_general3A_131 = tpu.matmul %get3A_1, %get3A_129, %dot_general3A_130 {dimension_numbers = #tpu.dot_dimension_numbers<[1], [0], [0], [1], [0, 0, 1, 1], [], []>, transpose_lhs_hint = false} : vector<1000x128xf32>, vector<128x128xf32>, vector<1000x128xf32> -> vector<1000x128xf32>
    %get3A_132 = arith.constant 0 : index
    %get3A_133 = arith.constant 0 : index
    %get3A_134 = vector.load %arg3[%get3A_132, %get3A_133] : memref<1x128xf32, #tpu.memory_space<vmem>>, vector<1x128xf32>
    %add3A_135 = vector.broadcast %get3A_134 : vector<1x128xf32> to vector<1000x128xf32>
    %add3A_136 = arith.addf %dot_general3A_131, %add3A_135 : vector<1000x128xf32>
    %swap3A_137 = arith.constant 7 : index
    %swap3A_138 = arith.constant 0 : index
    %swap3A_139 = arith.constant 0 : index
    %swap3A_140 = vector.load %arg6[%swap3A_137, %swap3A_138, %swap3A_139] : memref<9x1000x128xf32, #tpu.memory_space<vmem>>, vector<1x1000x128xf32>
    %swap3A_141 = vector.shape_cast %swap3A_140 : vector<1x1000x128xf32> to vector<1000x128xf32>
    %swap3A_142 = vector.shape_cast %add3A_136 : vector<1000x128xf32> to vector<1x1000x128xf32>
    tpu.vector_store %arg6[%swap3A_137, %swap3A_138, %swap3A_139], %swap3A_142 {strides = array<i32>} : memref<9x1000x128xf32, #tpu.memory_space<vmem>>, vector<1x1000x128xf32>,
    %get3A_143 = arith.constant 0 : index
    %get3A_144 = arith.constant 0 : index
    %get3A_145 = vector.load %arg4[%get3A_143, %get3A_144] : memref<128x128xf32, #tpu.memory_space<vmem>>, vector<128x128xf32>
    %dot_general3A_146 = arith.constant dense<0.000000e+00> : vector<1000x128xf32>
    %dot_general3A_147 = tpu.matmul %get3A_1, %get3A_145, %dot_general3A_146 {dimension_numbers = #tpu.dot_dimension_numbers<[1], [0], [0], [1], [0, 0, 1, 1], [], []>, transpose_lhs_hint = false} : vector<1000x128xf32>, vector<128x128xf32>, vector<1000x128xf32> -> vector<1000x128xf32>
    %get3A_148 = arith.constant 0 : index
    %get3A_149 = arith.constant 0 : index
    %get3A_150 = vector.load %arg5[%get3A_148, %get3A_149] : memref<1x128xf32, #tpu.memory_space<vmem>>, vector<1x128xf32>
    %add3A_151 = vector.broadcast %get3A_150 : vector<1x128xf32> to vector<1000x128xf32>
    %add3A_152 = arith.addf %dot_general3A_147, %add3A_151 : vector<1000x128xf32>
    %swap3A_153 = arith.constant 8 : index
    %swap3A_154 = arith.constant 0 : index
    %swap3A_155 = arith.constant 0 : index
    %swap3A_156 = vector.load %arg6[%swap3A_153, %swap3A_154, %swap3A_155] : memref<9x1000x128xf32, #tpu.memory_space<vmem>>, vector<1x1000x128xf32>
    %swap3A_157 = vector.shape_cast %swap3A_156 : vector<1x1000x128xf32> to vector<1000x128xf32>
    %swap3A_158 = vector.shape_cast %add3A_152 : vector<1000x128xf32> to vector<1x1000x128xf32>
    tpu.vector_store %arg6[%swap3A_153, %swap3A_154, %swap3A_155], %swap3A_158 {strides = array<i32>} : memref<9x1000x128xf32, #tpu.memory_space<vmem>>, vector<1x1000x128xf32>,
    return
  }
  func.func @transform_0(%arg0: i32) -> (i32, i32) {
    %c0_i32 = arith.constant 0 : i32
    %c0_i32_0 = arith.constant 0 : i32
    return %arg0, %c0_i32 : i32, i32
  }
  func.func @transform_1(%arg0: i32) -> (i32, i32, i32) {
    %c0_i32 = arith.constant 0 : i32
    %c0_i32_0 = arith.constant 0 : i32
    %c0_i32_1 = arith.constant 0 : i32
    %c0_i32_2 = arith.constant 0 : i32
    return %c0_i32, %c0_i32_0, %c0_i32_1 : i32, i32, i32
  }
  func.func @transform_2(%arg0: i32) -> (i32, i32) {
    %c0_i32 = arith.constant 0 : i32
    %c0_i32_0 = arith.constant 0 : i32
    %c0_i32_1 = arith.constant 0 : i32
    return %c0_i32, %c0_i32_0 : i32, i32
  }
  func.func @transform_3(%arg0: i32) -> (i32, i32) {
    %c0_i32 = arith.constant 0 : i32
    %c0_i32_0 = arith.constant 0 : i32
    %c0_i32_1 = arith.constant 0 : i32
    return %c0_i32, %c0_i32_0 : i32, i32
  }
  func.func @transform_4(%arg0: i32) -> (i32, i32) {
    %c0_i32 = arith.constant 0 : i32
    %c0_i32_0 = arith.constant 0 : i32
    %c0_i32_1 = arith.constant 0 : i32
    return %c0_i32, %c0_i32_0 : i32, i32
  }
  func.func @transform_5(%arg0: i32) -> (i32, i32, i32) {
    %c0_i32 = arith.constant 0 : i32
    %c0_i32_0 = arith.constant 0 : i32
    %c0_i32_1 = arith.constant 0 : i32
    return %c0_i32, %arg0, %c0_i32_0 : i32, i32, i32
  }
}

module attributes {stable_mosaic.version = 14 : i64} {
  func.func @_node_out_body(%arg0: i32, %arg1: memref<2000x128xf32, #tpu.memory_space<vmem>>, %arg2: memref<2000x128xf32, #tpu.memory_space<vmem>>, %arg3: memref<2000x128xf32, #tpu.memory_space<vmem>>, %arg4: memref<128x128xf32, #tpu.memory_space<vmem>>, %arg5: memref<128x128xf32, #tpu.memory_space<vmem>>, %arg6: memref<1x128xf32, #tpu.memory_space<vmem>>, %arg7: memref<2000x128xf32, #tpu.memory_space<vmem>>) attributes {dimension_semantics = [#tpu.dimension_semantics<arbitrary>], iteration_bounds = array<i64: 5>, scalar_prefetch = 0 : i64, scratch_operands = 0 : i64, tpu.core_type = #tpu.core_type<tc>, window_params = [{transform_indices = @transform_0, window_bounds = array<i64: 2000, 128>}, {transform_indices = @transform_1, window_bounds = array<i64: 2000, 128>}, {transform_indices = @transform_2, window_bounds = array<i64: 2000, 128>}, {pipeline_mode = #tpu.pipeline_mode<synchronous>, transform_indices = @transform_3, window_bounds = array<i64: 128, 128>}, {pipeline_mode = #tpu.pipeline_mode<synchronous>, transform_indices = @transform_4, window_bounds = array<i64: 128, 128>}, {pipeline_mode = #tpu.pipeline_mode<synchronous>, transform_indices = @transform_5, window_bounds = array<i64: 1, 128>}, {transform_indices = @transform_6, window_bounds = array<i64: 2000, 128>}]} {
    %get3A = arith.constant 0 : index
    %get3A_0 = arith.constant 0 : index
    %get3A_1 = vector.load %arg1[%get3A, %get3A_0] : memref<2000x128xf32, #tpu.memory_space<vmem>>, vector<2000x128xf32>
    %get3A_2 = arith.constant 0 : index
    %get3A_3 = arith.constant 0 : index
    %get3A_4 = vector.load %arg2[%get3A_2, %get3A_3] : memref<2000x128xf32, #tpu.memory_space<vmem>>, vector<2000x128xf32>
    %add3A = arith.addf %get3A_1, %get3A_4 : vector<2000x128xf32>
    %get3A_5 = arith.constant 0 : index
    %get3A_6 = arith.constant 0 : index
    %get3A_7 = vector.load %arg4[%get3A_5, %get3A_6] : memref<128x128xf32, #tpu.memory_space<vmem>>, vector<128x128xf32>
    %dot_general3A = arith.constant dense<0.000000e+00> : vector<2000x128xf32>
    %dot_general3A_8 = tpu.matmul %add3A, %get3A_7, %dot_general3A {dimension_numbers = #tpu.dot_dimension_numbers<[1], [0], [0], [1], [0, 0, 1, 1], [], []>, transpose_lhs_hint = false} : vector<2000x128xf32>, vector<128x128xf32>, vector<2000x128xf32> -> vector<2000x128xf32>
    %get3A_9 = arith.constant 0 : index
    %get3A_10 = arith.constant 0 : index
    %get3A_11 = vector.load %arg3[%get3A_9, %get3A_10] : memref<2000x128xf32, #tpu.memory_space<vmem>>, vector<2000x128xf32>
    %get3A_12 = arith.constant 0 : index
    %get3A_13 = arith.constant 0 : index
    %get3A_14 = vector.load %arg5[%get3A_12, %get3A_13] : memref<128x128xf32, #tpu.memory_space<vmem>>, vector<128x128xf32>
    %dot_general3A_15 = arith.constant dense<0.000000e+00> : vector<2000x128xf32>
    %dot_general3A_16 = tpu.matmul %get3A_11, %get3A_14, %dot_general3A_15 {dimension_numbers = #tpu.dot_dimension_numbers<[1], [0], [0], [1], [0, 0, 1, 1], [], []>, transpose_lhs_hint = false} : vector<2000x128xf32>, vector<128x128xf32>, vector<2000x128xf32> -> vector<2000x128xf32>
    %add3A_17 = arith.addf %dot_general3A_8, %dot_general3A_16 : vector<2000x128xf32>
    %get3A_18 = arith.constant 0 : index
    %get3A_19 = arith.constant 0 : index
    %get3A_20 = vector.load %arg6[%get3A_18, %get3A_19] : memref<1x128xf32, #tpu.memory_space<vmem>>, vector<1x128xf32>
    %add3A_21 = vector.broadcast %get3A_20 : vector<1x128xf32> to vector<2000x128xf32>
    %add3A_22 = arith.addf %add3A_17, %add3A_21 : vector<2000x128xf32>
    %swap3A = arith.constant 0 : index
    %swap3A_23 = arith.constant 0 : index
    %swap3A_24 = vector.load %arg7[%swap3A, %swap3A_23] : memref<2000x128xf32, #tpu.memory_space<vmem>>, vector<2000x128xf32>
    tpu.vector_store %arg7[%swap3A, %swap3A_23], %add3A_22 {strides = array<i32>} : memref<2000x128xf32, #tpu.memory_space<vmem>>, vector<2000x128xf32>,
    return
  }
  func.func @transform_0(%arg0: i32) -> (i32, i32) {
    %c0_i32 = arith.constant 0 : i32
    %c0_i32_0 = arith.constant 0 : i32
    return %arg0, %c0_i32 : i32, i32
  }
  func.func @transform_1(%arg0: i32) -> (i32, i32) {
    %c0_i32 = arith.constant 0 : i32
    %c0_i32_0 = arith.constant 0 : i32
    return %arg0, %c0_i32 : i32, i32
  }
  func.func @transform_2(%arg0: i32) -> (i32, i32) {
    %c0_i32 = arith.constant 0 : i32
    %c0_i32_0 = arith.constant 0 : i32
    return %arg0, %c0_i32 : i32, i32
  }
  func.func @transform_3(%arg0: i32) -> (i32, i32) {
    %c0_i32 = arith.constant 0 : i32
    %c0_i32_0 = arith.constant 0 : i32
    %c0_i32_1 = arith.constant 0 : i32
    return %c0_i32, %c0_i32_0 : i32, i32
  }
  func.func @transform_4(%arg0: i32) -> (i32, i32) {
    %c0_i32 = arith.constant 0 : i32
    %c0_i32_0 = arith.constant 0 : i32
    %c0_i32_1 = arith.constant 0 : i32
    return %c0_i32, %c0_i32_0 : i32, i32
  }
  func.func @transform_5(%arg0: i32) -> (i32, i32) {
    %c0_i32 = arith.constant 0 : i32
    %c0_i32_0 = arith.constant 0 : i32
    %c0_i32_1 = arith.constant 0 : i32
    return %c0_i32, %c0_i32_0 : i32, i32
  }
  func.func @transform_6(%arg0: i32) -> (i32, i32) {
    %c0_i32 = arith.constant 0 : i32
    %c0_i32_0 = arith.constant 0 : i32
    return %arg0, %c0_i32 : i32, i32
  }
}

</mosaic_0001>

<sc_bundles>
// kernel: kernel.6.cloned.1.call-start
scs
__scs_entry_jumppad:
0x0: {  	(pc) =	sbr.rel $0x88, $3  }
0x1: {  	(tag) =	ssettag $0x0;
	lr =	simm.s32 $0x1  }
0x2: {  	[smem:$0x3F98] =	sst lr;
	_ =	strace $0xD0000000  }
0x3: {  	_ = 	snop  }
0x4: {  	_ = 	snop  }
0x5: {  	_ = 	snop  }
0x6: {  	_ = 	snop  }
0x7: {  	_ = 	snop  }
__scs_overlays_trampoline_lowered:
0x8: {  	[smem:$0x3FA7] =	sst s0  }
0x9: {  	[smem:$0x3FA8] =	sst s1  }
0xa: {  	[smem:$0x3FA9] =	sst s2  }
0xb: {  	[smem:$0x3FAA] =	sst s3  }
0xc: {  	[smem:$0x3FAB] =	sst s4  }
0xd: {  	[smem:$0x3FAC] =	sst s5  }
0xe: {  	[smem:$0x3FAD] =	sst s6  }
0xf: {  	[smem:$0x3FAE] =	sst s7  }
0x10: {  	[smem:$0x3FAF] =	sst s8  }
0x11: {  	[smem:$0x3FB0] =	sst s9;
	s0 =	simm.s32 @!p0 $0x0  }
0x12: {  	s1 =	sld [smem:$0x3F96];
	s0 =	simm.s32 @p0 $0x1  }
0x13: {  	[smem:$0x3FB1] =	sst s0;
	s0 =	simm.s32 @!p1 $0x0  }
0x14: {  	s2 =	sld [smem:$0x3F95];
	s0 =	simm.s32 @p1 $0x1  }
0x15: {  	[smem:$0x3FB2] =	sst s0;
	s0 =	simm.s32 @!p2 $0x0  }
0x16: {  	s3 =	sld [smem:$0x3FDB];
	s0 =	simm.s32 @p2 $0x1  }
0x17: {  	s4 =	simm.s32 $0x1BF5;
	[smem:$0x3FB4] =	sst s0  }
0x18: {  	s0 =	sld [smem:$0x3F97];
	_ =	swait.ge [sflag:s4], $0x0  }
0x19: {  	s7 =	sld [smem:$0x3F98]  }
0x1a: {  	s8 =	sadd.s32 $0xFFFFE003, lr  }
0x1b: {  	s9 =	sadd.s32 $0xFFFFFEF7, lr;
	s5 =	simm.s32 $0xFFFFFFFF;
	p2 =	slt.u32 s8, $0xFFFFF086  }
0x1c: {  	p1 =	slt.u32 s9, $0xF7A;
	s5 =	simm.s32 @!p2 $0x0  }
0x1d: {  	s5 =	simm.s32 @p1 $0x1;
	p0 =	seq.s32 s7, s2  }
0x1e: {  	s7 =	smul.u32 @!p0 $0xF7A, s2;
	p2 =	seq.s32 @!p0 s5, $0x0  }
0x1f: {  	s9 =	smul.u32 $0xF7A, s1;
	s8 =	simm.s32 @!p0 $0x1BF5;
	p2 =	por !p2, p0  }
0x20: {  	[sflag:s8] =	ssyncset.s32 @!p0 $0xFFFFF086;
	s6 =	sadd.s32 @!p0 s3, s7;
	s7 =	simm.s32 @!p0 $0x108  }
0x21: {  	s3 =	sadd.s32 s3, s9;
	s6 =	sadd.s32 @!p0 $0x88, s6;
	s7 =	simm.s32 @p2 $0x1082  }
0x22: {  	[simem:s7], [sflag:s8] =	dma.local @!p0 [hbm:s6], $0xF7A  }
0x23: {  	s9 =	sor.u32 $0xD0000000, s2;
	s6 =	simm.s32 $0x108;
	_ =	swait.ge @!p0 [sflag:s8], $0x0  }
0x24: {  	s3 =	sadd.s32 $0x88, s3;
	s6 =	simm.s32 @!p1 $0x1082;
	[sflag:s4] =	ssyncset.s32 $0xFFFFF086  }
0x25: {  	[simem:s6], [sflag:s4] =	dma.local [hbm:s3], $0xF7A  }
0x26: {  	[smem:$0x3F98] =	sst s1;
	(tag) =	ssettag s2;
	_ =	strace s9  }
0x27: {  	s1 =	sld [smem:$0x3FA8]  }
0x28: {  	s2 =	sld [smem:$0x3FA9]  }
0x29: {  	s4 =	sld [smem:$0x3FAB]  }
0x2a: {  	p0 =	seq.s32 s5, $0x0;
	s5 =	sld [smem:$0x3FAC]  }
0x2b: {  	s6 =	sld [smem:$0x3FAD]  }
0x2c: {  	s7 =	sld [smem:$0x3FAE]  }
0x2d: {  	s3 =	simm.s32 $0x108;
	s8 =	sld [smem:$0x3FAF]  }
0x2e: {  	s3 =	simm.s32 @!p0 $0x1082;
	s9 =	sld [smem:$0x3FB0]  }
0x2f: {  	lr =	sadd.s32 s0, s3;
	s0 =	sld [smem:$0x3FA7]  }
0x30: {  	s3 =	sld [smem:$0x3FAA]  }
0x31: {  	[smem:$0x3FB3] =	sst s10  }
0x32: {  	s10 =	sld [smem:$0x3FB1];
	_ =	sdelay $0x3  }
0x33: {  	p0 =	seq.s32 s10, $0x1;
	s10 =	sld [smem:$0x3FB3];
	_ =	sdelay $0x3  }
0x34: {  	[smem:$0x3FB3] =	sst s10  }
0x35: {  	s10 =	sld [smem:$0x3FB2];
	_ =	sdelay $0x3  }
0x36: {  	p1 =	seq.s32 s10, $0x1;
	s10 =	sld [smem:$0x3FB3];
	_ =	sdelay $0x3  }
0x37: {  	[smem:$0x3FB3] =	sst s10  }
0x38: {  	s10 =	sld [smem:$0x3FB4]  }
0x39: {  	_ = 	snop;
	(pc) =	sbr.ind lr, $3  }
0x3a: {  	_ = 	snop  }
0x3b: {  	_ = 	snop  }
0x3c: {  	p2 =	seq.s32 s10, $0x1;
	s10 =	sld [smem:$0x3FB3]  }
0x3d: {  	_ =	shalt  }
0x3e: {  	_ =	shalt  }
0x3f: {  	_ =	shalt  }
0x40: {  	_ =	shalt  }
0x41: {  	_ =	shalt  }
0x42: {  	_ =	shalt  }
0x43: {  	_ =	shalt  }
0x44: {  	_ =	shalt  }
0x45: {  	_ =	shalt  }
0x46: {  	_ =	shalt  }
0x47: {  	_ =	shalt  }
0x48: {  	_ =	shalt  }
0x49: {  	_ =	shalt  }
0x4a: {  	_ =	shalt  }
0x4b: {  	_ =	shalt  }
0x4c: {  	_ =	shalt  }
0x4d: {  	_ =	shalt  }
0x4e: {  	_ =	shalt  }
0x4f: {  	_ =	shalt  }
0x50: {  	_ =	shalt  }
0x51: {  	_ =	shalt  }
0x52: {  	_ =	shalt  }
0x53: {  	_ =	shalt  }
0x54: {  	_ =	shalt  }
0x55: {  	_ =	shalt  }
0x56: {  	_ =	shalt  }
0x57: {  	_ =	shalt  }
0x58: {  	_ =	shalt  }
0x59: {  	_ =	shalt  }
0x5a: {  	_ =	shalt  }
0x5b: {  	_ =	shalt  }
0x5c: {  	_ =	shalt  }
0x5d: {  	_ =	shalt  }
0x5e: {  	_ =	shalt  }
0x5f: {  	_ =	shalt  }
0x60: {  	_ =	shalt  }
0x61: {  	_ =	shalt  }
0x62: {  	_ =	shalt  }
0x63: {  	_ =	shalt  }
0x64: {  	_ =	shalt  }
0x65: {  	_ =	shalt  }
0x66: {  	_ =	shalt  }
0x67: {  	_ =	shalt  }
0x68: {  	_ =	shalt  }
0x69: {  	_ =	shalt  }
0x6a: {  	_ =	shalt  }
0x6b: {  	_ =	shalt  }
0x6c: {  	_ =	shalt  }
0x6d: {  	_ =	shalt  }
0x6e: {  	_ =	shalt  }
0x6f: {  	_ =	shalt  }
0x70: {  	_ =	shalt  }
0x71: {  	_ =	shalt  }
0x72: {  	_ =	shalt  }
0x73: {  	_ =	shalt  }
0x74: {  	_ =	shalt  }
0x75: {  	_ =	shalt  }
0x76: {  	_ =	shalt  }
0x77: {  	_ =	shalt  }
0x78: {  	_ =	shalt  }
0x79: {  	_ =	shalt  }
0x7a: {  	_ =	shalt  }
0x7b: {  	_ =	shalt  }
0x7c: {  	_ =	shalt  }
0x7d: {  	_ =	shalt  }
0x7e: {  	_ =	shalt  }
0x7f: {  	_ =	shalt  }
0x80: {  	_ =	shalt  }
0x81: {  	_ =	shalt  }
0x82: {  	_ =	shalt  }
0x83: {  	_ =	shalt  }
0x84: {  	_ =	shalt  }
0x85: {  	_ =	shalt  }
0x86: {  	_ =	shalt  }
0x87: {  	_ =	shalt  }
.Lfunc_end0:
.L_simem_size_0:
called_computation_lowered:
.L_overlay_start_0:
0x88: {  	s2 =	sld [smem:$0x3FD9]  }
0x89: {  	s3 =	sld [smem:$0x3FFE];
	_ =	sdelay $0x1  }
0x8a: {  	s1 =	srdreg.scid  }
0x8b: {  	s0 =	sand.u32 $0x1, s1  }
0x8c: {  	s14 =	sshll.u32 s0, $0xA;
	s2 =	sadd.s32 s3, s2  }
0x8d: {  	s2 =	sadd.s32 s2, s14  }
0x8e: {  	[smem:$0x3FBF] =	sst s2  }
0x8f: {  	_ = 	snop  }
0x90: {  	s2 =	sld [smem:$0x3FD0];
	_ =	sdelay $0x2  }
0x91: {  	s15 =	simm.s32 $0xA;
	s4 =	simm.s32 $0x10  }
0x92: {  	[smem:s4], [sflag:s15] =	dma.local [hbm:s2], $0x1  }
0x93: {  	_ =	swait.eq [sflag:s15], $0x1  }
0x94: {  	[sflag:s15] =	ssyncset.done $0x0  }
0x95: {  	s16 =	sld [smem:$0x10];
	[sflag:s15] =	ssyncadd.s32 $0xFFFFFFFF  }
0x96: {  	s17 =	sld [smem:$0x11];
	(tm) =	ssettm $0x1  }
0x97: {  	s18 =	sld [smem:$0x3FFB];
	_ =	sdelay $0x3  }
0x98: {  	_ =	strace s18  }
0x99: {  	s4 =	sld [smem:$0x3FFC];
	_ =	sdelay $0x3  }
0x9a: {  	_ =	strace s4  }
0x9b: {  	s4 =	sld [smem:$0x3FFD];
	_ =	sdelay $0x3  }
0x9c: {  	_ =	strace s4  }
0x9d: {  	_ =	strace $0x8FFFFFFF  }
0x9e: {  	s19 =	sld [smem:$0x3FDB];
	_ =	sdelay $0x1  }
0x9f: {  	s5 =	simm.s32 $_scs_section_size  }
0xa0: {  	s6 =	simm.s32 $_size__tile_overlayer_lowered;
	s7 =	simm.s32 $_tile_overlayer_lowered  }
0xa1: {  	s22 =	simm.s32 $0x1BFF;
	s21 =	sshll.u32 s7, $0x1;
	s4 =	sadd.s32 s5, s19  }
0xa2: {  	s8 =	simm.s32 $0x0;
	s20 =	sshll.u32 s6, $0x1;
	s6 =	sadd.s32 s21, s4  }
0xa3: {  	[timem:s8], [sflag:s22] =	dma.local [hbm:s6], s20  }
0xa4: {  	_ =	swait.ge [sflag:s22], s20  }
0xa5: {  	s5 =	ssub.s32 $0x0, s20;
	[sflag:s22] =	ssyncset.done $0x0  }
0xa6: {  	[sflag:s22] =	ssyncadd.s32 s5;
	_ =	sdelay $0x1  }
0xa7: {  	s23 =	simm.s32 $0x1B8B  }
0xa8: {  	_ =	swait.ge [sflag:s23], $0x1  }
0xa9: {  	[sflag:s23] =	ssyncset.done $0x0  }
0xaa: {  	s25 =	simm.s32 $0x1B8E;
	s24 =	sld [smem:$0x3FFE];
	[sflag:s23] =	ssyncadd.s32 $0xFFFFFFFF  }
0xab: {  	s26 =	simm.s32 $execute0_lowered;
	[smem:$0x3FD2] =	sst s25  }
0xac: {  	s6 =	sshll.u32 s26, $0x1;
	_ =	strace $0x80000046;
	[dreg:$0x1] =	wrdreg $0xFFFFFFFF  }
0xad: {  	s28 =	simm.s32 $_size_execute0_lowered;
	s4 =	sadd.s32 s4, s6;
	[dreg:$0x0] =	wrdreg $0x0  }
0xae: {  	s6 =	sshll.u32 s28, $0x1;
	[dreg:$0x2] =	wrdreg s4  }
0xaf: {  	[dreg:$0x3] =	wrdreg s6  }
0xb0: {  	[dreg:$0x4] =	wrdreg $0xC0  }
0xb1: {  	_ =	task [dreg:s8], $0x5FFFF  }
0xb2: {  	[dreg:$0x1] =	wrdreg $0xFFFFFFFF  }
0xb3: {  	[dreg:$0x0] =	wrdreg $0x60  }
0xb4: {  	[dreg:$0x2] =	wrdreg s24  }
0xb5: {  	[dreg:$0x3] =	wrdreg s16  }
0xb6: {  	[dreg:$0x4] =	wrdreg s17  }
0xb7: {  	[dreg:$0x5] =	wrdreg $0xB6D00  }
0xb8: {  	[dreg:$0x6] =	wrdreg $0x9  }
0xb9: {  	_ =	task.clear_ibuf [dreg:s8], $0x7FFFF;
	_ =	strace $0x90000046  }
0xba: {  	s29 =	simm.s32 $0x9;
	_ =	strace $0x80000048  }
0xbb: {  	_ =	swait.ge [sflag:s29], $0x1  }
0xbc: {  	[sflag:s29] =	ssyncadd.s32 $0xFFFFFFFF  }
0xbd: {  	_ =	strace $0x90000048  }
0xbe: {  	_ =	sfence  }
0xbf: {  	s30 =	sld [smem:$0x0];
	_ =	sdelay $0x2  }
0xc0: {  	s31 =	sshll.u32 s1, $0xD;
	s1 =	sshrl.u32 s1, $0x2  }
0xc1: {  	s3 =	sand.u32 $0x4000, s31;
	s1 =	sadd.s32 s1, s30  }
0xc2: {  	s0 =	sor.u32 s3, s0;
	s1 =	sshll.u32 s1, $0x11  }
0xc3: {  	s0 =	sor.u32 s1, s0  }
0xc4: {  	s0 =	sadd.s32 $0x8F2B, s0  }
0xc5: {  	[sflag:s0] =	ssyncadd.remote.s32 $0x1  }
0xc6: {  	_ =	sfence.sel $0xFFFF  }
0xc7: {  	[dreg:$0x0] =	wrdreg $0xFFFFFFFF;
	(pc) =	sbr.abs _section_cstart, $3  }
0xc8: {  	[dreg:$0x1] =	wrdreg $0xFFFFFFFF  }
0xc9: {  	_ =	task.clear_ibuf [dreg:s8], $0x2FFFF;
	_ =	strace $0x9FFFFFFF  }
0xca: {  	(tm) =	ssettm $0x7FFFFFFF  }
0xcb: {  	_ =	shalt  }
tec
execute0_lowered:
.L_overlay_start_1:
0x0: {  	(tag) =	ssettag $0x1  }
0x1: {  	s0 =	srdreg.scid  }
0x2: {  	s1 =	rddreg [dreg:$0x0];
	s24 =	stileid.u32  }
0x3: {  	s3 =	simm.s32 $0x0;
	s13 =	sand.u32 $0x1, s0;
	s2 =	smul.u32 $0x14000, s24  }
0x4: {  	s19 =	simm.s32 $0x5E2E00;
	[smem:$0x7FF] =	sst s3;
	s0 =	ssub.s32 $0x2, s13  }
0x5: {  	p0 =	seq.s32 s13, $0x0;
	s30 =	sshrl.u32 s0, $0x1;
	s3 =	sor.u32 $0x1400, s2  }
0x6: {  	s4 =	sor.u32 $0x2800, s2;
	s5 =	sor.u32 $0x3C00, s2;
	s6 =	sadd.s32 $0x5000, s2  }
0x7: {  	s7 =	sadd.s32 $0x6400, s2;
	s8 =	sadd.s32 $0x7800, s2;
	s9 =	sadd.s32 $0x8C00, s2  }
0x8: {  	s10 =	sadd.s32 $0xA000, s2;
	s14 =	sshrl.u32 s2, $0x3;
	s19 =	simm.s32 @!p0 $0x60AE00  }
0x9: {  	s15 =	sshrl.u32 s3, $0x3;
	s23 =	sshrl.u32 s10, $0x3;
	s19 =	sadd.s32 s19, s1  }
0xa: {  	s14 =	sadd.s32 s19, s14;
	s25 =	sadd.s32 s19, s23;
	s23 =	rddreg [dreg:$0x3]  }
0xb: {  	s16 =	sshrl.u32 s4, $0x3;
	s31 =	sadd.s32 s19, s15;
	[dreg:$0x5] =	wrdreg s14  }
0xc: {  	s17 =	sshrl.u32 s5, $0x3;
	s15 =	sadd.s32 s19, s16;
	[dreg:$0x6] =	wrdreg s31  }
0xd: {  	s18 =	sshrl.u32 s6, $0x3;
	s16 =	sadd.s32 s19, s17;
	[dreg:$0x7] =	wrdreg s15  }
0xe: {  	s20 =	sshrl.u32 s7, $0x3;
	s17 =	sadd.s32 s19, s18;
	[dreg:$0x8] =	wrdreg s16  }
0xf: {  	s21 =	sshrl.u32 s8, $0x3;
	s18 =	sadd.s32 s19, s20;
	[dreg:$0x9] =	wrdreg s17  }
0x10: {  	s22 =	sshrl.u32 s9, $0x3;
	s20 =	sadd.s32 s19, s21;
	[dreg:$0xa] =	wrdreg s18  }
0x11: {  	s11 =	sadd.s32 $0xB400, s2;
	s21 =	sadd.s32 s19, s22;
	[dreg:$0xb] =	wrdreg s20  }
0x12: {  	s12 =	sadd.s32 $0xC800, s2;
	s0 =	ssub.s32 s0, s30;
	[dreg:$0xc] =	wrdreg s21  }
0x13: {  	s26 =	sshrl.u32 s12, $0x3;
	s22 =	sshrl.u32 s11, $0x3;
	[dreg:$0xd] =	wrdreg s25  }
0x14: {  	s14 =	sadd.s32 s19, s22;
	s15 =	sadd.s32 $0xF000, s2;
	s16 =	sadd.s32 $0x10400, s2  }
0x15: {  	s18 =	sadd.s32 $0x11800, s2;
	s21 =	sadd.s32 $0x12C00, s2;
	[dreg:$0xe] =	wrdreg s14  }
0x16: {  	s14 =	sadd.s32 s19, s26;
	s29 =	sshrl.u32 s15, $0x3;
	s22 =	sshrl.u32 s18, $0x3  }
0x17: {  	[dreg:$0xf] =	wrdreg s14;
	s14 =	sadd.s32 $0xDC00, s2;
	s30 =	sadd.s32 s19, s29  }
0x18: {  	s20 =	sadd.s32 s19, s22;
	s28 =	sshrl.u32 s14, $0x3;
	[dreg:$0x11] =	wrdreg s30  }
0x19: {  	s31 =	sshrl.u32 s16, $0x3;
	[dreg:$0x13] =	wrdreg s20;
	s17 =	sadd.s32 s19, s28  }
0x1a: {  	s25 =	sshrl.u32 s21, $0x3;
	[dreg:$0x10] =	wrdreg s17;
	s17 =	sadd.s32 s19, s31  }
0x1b: {  	s13 =	sshll.u32 s13, $0x4;
	s19 =	sadd.s32 s19, s25;
	[dreg:$0x12] =	wrdreg s17  }
0x1c: {  	s13 =	sor.u32 s24, s13;
	s26 =	sadd.s32 $0x2EC00, s1;
	[dreg:$0x14] =	wrdreg s19  }
0x1d: {  	s28 =	sadd.s32 $0x2C00, s1;
	_ =	strace $0x80000047;
	[dreg:$0x15] =	wrdreg s26  }
0x1e: {  	s29 =	sadd.s32 $0x64A00, s1;
	s30 =	smul.u32 $0xFA, s13;
	[dreg:$0x16] =	wrdreg s28  }
0x1f: {  	[dreg:$0x17] =	wrdreg s29  }
0x20: {  	s1 =	sadd.s32 $0x5AC00, s1;
	s31 =	smul.u32 $0x2710, s13;
	[dreg:$0x18] =	wrdreg s30  }
0x21: {  	[dreg:$0x19] =	wrdreg s1  }
0x22: {  	s0 =	smax.u32 s0, $0x1;
	[dreg:$0x1a] =	wrdreg s31  }
0x23: {  	s13 =	sadd.s32 s2, s23;
	[smem:$0x7F2] =	sst s0  }
0x24: {  	s3 =	sadd.s32 s3, s23;
	[dreg:$0x1b] =	wrdreg s13  }
0x25: {  	s4 =	sadd.s32 s4, s23;
	[dreg:$0x1c] =	wrdreg s3  }
0x26: {  	s5 =	sadd.s32 s5, s23;
	[dreg:$0x1d] =	wrdreg s4  }
0x27: {  	s6 =	sadd.s32 s6, s23;
	[dreg:$0x1e] =	wrdreg s5  }
0x28: {  	s7 =	sadd.s32 s7, s23;
	[dreg:$0x1f] =	wrdreg s6  }
0x29: {  	s8 =	sadd.s32 s8, s23;
	[smem:$0x7F3] =	sst s7  }
0x2a: {  	s9 =	sadd.s32 s9, s23;
	[smem:$0x7F4] =	sst s8  }
0x2b: {  	s10 =	sadd.s32 s10, s23;
	[smem:$0x7F5] =	sst s9  }
0x2c: {  	s11 =	sadd.s32 s11, s23;
	[smem:$0x7F6] =	sst s10  }
0x2d: {  	s12 =	sadd.s32 s12, s23;
	[smem:$0x7F7] =	sst s11  }
0x2e: {  	s14 =	sadd.s32 s14, s23;
	[smem:$0x7F8] =	sst s12  }
.Ltmp0:
0x2f: {  	s15 =	sadd.s32 s15, s23;
	[smem:$0x7F9] =	sst s14;
	(pc) =	sbr.rel .LBB2_1-.Ltmp0, $4  }
0x30: {  	s16 =	sadd.s32 s16, s23;
	[smem:$0x7FA] =	sst s15  }
0x31: {  	s17 =	sadd.s32 s18, s23;
	[smem:$0x7FB] =	sst s16  }
0x32: {  	s18 =	sadd.s32 s21, s23;
	[smem:$0x7FC] =	sst s17  }
0x33: {  	v0 =	vimm.f32 $0.0e+00;
	s2 =	simm.s32 $0x1;
	s1 =	simm.s32 $0x0;
	[smem:$0x7FD] =	sst s18  }
.LBB2_13:
0x34: {  	s0 =	simm.s32 $0x4  }
0x35: {  	_ =	swait.ge [sflag:s0], $0x1400  }
0x36: {  	[sflag:s0] =	ssyncset.done $0x0  }
0x37: {  	s12 =	simm.s32 $0x5;
	[sflag:s0] =	ssyncadd.s32 $0xFFFFEC00  }
0x38: {  	_ =	swait.ge [sflag:s12], $0x1400  }
0x39: {  	[sflag:s12] =	ssyncset.done $0x0  }
0x3a: {  	[sflag:s12] =	ssyncadd.s32 $0xFFFFEC00  }
0x3b: {  	s13 =	stileid.u32;
	[bflag:$0x0] =	sbarrier.arrive $0xFFFF  }
0x3c: {  	s0 =	sshll.u32 s13, $0x6;
	s13 =	rddreg [dreg:$0x1b]  }
0x3d: {  	s0 =	sor.u32 $0x1C01, s0;
	s2 =	rddreg [dreg:$0x5];
	s1 =	sshrl.u32 s13, $0x3  }
0x3e: {  	[hbm:s2], [sflag:s0] =	dma.local [spmem:s1], $0x280  }
0x3f: {  	s3 =	rddreg [dreg:$0x1c]  }
0x40: {  	s2 =	rddreg [dreg:$0x6];
	s14 =	sshrl.u32 s3, $0x3  }
0x41: {  	[hbm:s2], [sflag:s0] =	dma.local [spmem:s14], $0x280  }
0x42: {  	s4 =	rddreg [dreg:$0x1d]  }
0x43: {  	s2 =	rddreg [dreg:$0x7];
	s15 =	sshrl.u32 s4, $0x3  }
0x44: {  	[hbm:s2], [sflag:s0] =	dma.local [spmem:s15], $0x280  }
0x45: {  	s5 =	rddreg [dreg:$0x1e]  }
0x46: {  	s2 =	rddreg [dreg:$0x8];
	s16 =	sshrl.u32 s5, $0x3  }
0x47: {  	[hbm:s2], [sflag:s0] =	dma.local [spmem:s16], $0x280  }
0x48: {  	s6 =	rddreg [dreg:$0x1f]  }
0x49: {  	s2 =	rddreg [dreg:$0x9];
	s17 =	sshrl.u32 s6, $0x3  }
0x4a: {  	[hbm:s2], [sflag:s0] =	dma.local [spmem:s17], $0x280  }
0x4b: {  	s7 =	sld [smem:$0x7F3];
	_ =	sdelay $0x2  }
0x4c: {  	s2 =	rddreg [dreg:$0xa];
	s18 =	sshrl.u32 s7, $0x3  }
0x4d: {  	[hbm:s2], [sflag:s0] =	dma.local [spmem:s18], $0x280  }
0x4e: {  	s8 =	sld [smem:$0x7F4];
	_ =	sdelay $0x2  }
0x4f: {  	s2 =	rddreg [dreg:$0xb];
	s19 =	sshrl.u32 s8, $0x3  }
0x50: {  	[hbm:s2], [sflag:s0] =	dma.local [spmem:s19], $0x280  }
0x51: {  	s9 =	sld [smem:$0x7F5];
	_ =	sdelay $0x2  }
0x52: {  	s2 =	rddreg [dreg:$0xc];
	s20 =	sshrl.u32 s9, $0x3  }
0x53: {  	[hbm:s2], [sflag:s0] =	dma.local [spmem:s20], $0x280  }
0x54: {  	s10 =	sld [smem:$0x7F6];
	_ =	sdelay $0x2  }
0x55: {  	s2 =	rddreg [dreg:$0xd];
	s21 =	sshrl.u32 s10, $0x3  }
0x56: {  	[hbm:s2], [sflag:s0] =	dma.local [spmem:s21], $0x280  }
0x57: {  	s11 =	sld [smem:$0x7F7];
	_ =	sdelay $0x2  }
0x58: {  	s2 =	rddreg [dreg:$0xe];
	s22 =	sshrl.u32 s11, $0x3  }
0x59: {  	[hbm:s2], [sflag:s0] =	dma.local [spmem:s22], $0x280  }
0x5a: {  	s12 =	sld [smem:$0x7F8];
	_ =	sdelay $0x2  }
0x5b: {  	s2 =	rddreg [dreg:$0xf];
	s23 =	sshrl.u32 s12, $0x3  }
0x5c: {  	[hbm:s2], [sflag:s0] =	dma.local [spmem:s23], $0x280  }
0x5d: {  	s14 =	sld [smem:$0x7F9];
	_ =	sdelay $0x2  }
0x5e: {  	s2 =	rddreg [dreg:$0x10];
	s24 =	sshrl.u32 s14, $0x3  }
0x5f: {  	[hbm:s2], [sflag:s0] =	dma.local [spmem:s24], $0x280  }
0x60: {  	s15 =	sld [smem:$0x7FA];
	_ =	sdelay $0x2  }
0x61: {  	s2 =	rddreg [dreg:$0x11];
	s25 =	sshrl.u32 s15, $0x3  }
0x62: {  	[hbm:s2], [sflag:s0] =	dma.local [spmem:s25], $0x280  }
0x63: {  	s16 =	sld [smem:$0x7FB];
	_ =	sdelay $0x2  }
0x64: {  	s2 =	rddreg [dreg:$0x12];
	s26 =	sshrl.u32 s16, $0x3  }
0x65: {  	[hbm:s2], [sflag:s0] =	dma.local [spmem:s26], $0x280  }
0x66: {  	s17 =	sld [smem:$0x7FC];
	_ =	sdelay $0x2  }
0x67: {  	s2 =	rddreg [dreg:$0x13];
	s28 =	sshrl.u32 s17, $0x3  }
0x68: {  	[hbm:s2], [sflag:s0] =	dma.local [spmem:s28], $0x280  }
0x69: {  	s18 =	sld [smem:$0x7FD];
	_ =	sdelay $0x2  }
0x6a: {  	s2 =	rddreg [dreg:$0x14];
	s29 =	sshrl.u32 s18, $0x3  }
0x6b: {  	[hbm:s2], [sflag:s0] =	dma.local [spmem:s29], $0x280  }
0x6c: {  	s2 =	simm.s32 $0x1  }
0x6d: {  	_ =	swait.ge [sflag:s2], $0x280  }
0x6e: {  	[sflag:s2] =	ssyncset.done $0x0  }
0x6f: {  	[sflag:s2] =	ssyncadd.s32 $0xFFFFFD80  }
0x70: {  	_ =	swait.ge [sflag:s2], $0x280  }
0x71: {  	[sflag:s2] =	ssyncset.done $0x0  }
0x72: {  	[sflag:s2] =	ssyncadd.s32 $0xFFFFFD80  }
0x73: {  	_ =	swait.ge [sflag:s2], $0x280  }
0x74: {  	[sflag:s2] =	ssyncset.done $0x0  }
0x75: {  	[sflag:s2] =	ssyncadd.s32 $0xFFFFFD80  }
0x76: {  	_ =	swait.ge [sflag:s2], $0x280  }
0x77: {  	[sflag:s2] =	ssyncset.done $0x0  }
0x78: {  	[sflag:s2] =	ssyncadd.s32 $0xFFFFFD80  }
0x79: {  	_ =	swait.ge [sflag:s2], $0x280  }
0x7a: {  	[sflag:s2] =	ssyncset.done $0x0  }
0x7b: {  	[sflag:s2] =	ssyncadd.s32 $0xFFFFFD80  }
0x7c: {  	_ =	swait.ge [sflag:s2], $0x280  }
0x7d: {  	[sflag:s2] =	ssyncset.done $0x0  }
0x7e: {  	[sflag:s2] =	ssyncadd.s32 $0xFFFFFD80  }
0x7f: {  	_ =	swait.ge [sflag:s2], $0x280  }
0x80: {  	[sflag:s2] =	ssyncset.done $0x0  }
0x81: {  	[sflag:s2] =	ssyncadd.s32 $0xFFFFFD80  }
0x82: {  	_ =	swait.ge [sflag:s2], $0x280  }
0x83: {  	[sflag:s2] =	ssyncset.done $0x0  }
0x84: {  	[sflag:s2] =	ssyncadd.s32 $0xFFFFFD80  }
0x85: {  	_ =	swait.ge [sflag:s2], $0x280  }
0x86: {  	[sflag:s2] =	ssyncset.done $0x0  }
0x87: {  	[sflag:s2] =	ssyncadd.s32 $0xFFFFFD80  }
0x88: {  	_ =	swait.ge [sflag:s2], $0x280  }
0x89: {  	[sflag:s2] =	ssyncset.done $0x0  }
0x8a: {  	[sflag:s2] =	ssyncadd.s32 $0xFFFFFD80  }
0x8b: {  	_ =	swait.ge [sflag:s2], $0x280  }
0x8c: {  	[sflag:s2] =	ssyncset.done $0x0  }
0x8d: {  	[sflag:s2] =	ssyncadd.s32 $0xFFFFFD80  }
0x8e: {  	_ =	swait.ge [sflag:s2], $0x280  }
0x8f: {  	[sflag:s2] =	ssyncset.done $0x0  }
0x90: {  	[sflag:s2] =	ssyncadd.s32 $0xFFFFFD80  }
0x91: {  	_ =	swait.ge [sflag:s2], $0x280  }
0x92: {  	[sflag:s2] =	ssyncset.done $0x0  }
0x93: {  	[sflag:s2] =	ssyncadd.s32 $0xFFFFFD80  }
0x94: {  	_ =	swait.ge [sflag:s2], $0x280  }
0x95: {  	[sflag:s2] =	ssyncset.done $0x0  }
0x96: {  	[sflag:s2] =	ssyncadd.s32 $0xFFFFFD80  }
0x97: {  	_ =	swait.ge [sflag:s2], $0x280  }
0x98: {  	[sflag:s2] =	ssyncset.done $0x0  }
0x99: {  	[sflag:s2] =	ssyncadd.s32 $0xFFFFFD80  }
0x9a: {  	_ =	swait.ge [sflag:s2], $0x280  }
0x9b: {  	s30 =	sld [smem:$0x7F1]  }
0x9c: {  	s31 =	sld [smem:$0x7F2];
	_ =	sdelay $0x1  }
0x9d: {  	s1 =	sadd.s32 $0x1, s30  }
0x9e: {  	p0 =	sne.s32 s1, s31  }
.Ltmp1:
0x9f: {  	_ = 	snop;
	(pc) =	sbr.rel @!p0 .LBB2_14-.Ltmp1, $3  }
0xa0: {  	_ =	sdelay $0x1  }
0xa1: {  	[sflag:s2] =	ssyncset.done $0x0  }
0xa2: {  	[sflag:s2] =	ssyncadd.s32 $0xFFFFFD80  }
.LBB2_1:
0xa3: {  	[smem:$0x7F1] =	sst s1;
	s0 =	simm.s32 $0x0;
	s1 =	simm.s32 $0x200  }
.LBB2_2:
0xa4: {  	p0 =	sne.s32 s1, $0x4E00;
	[tilespmem:s0+$0x8F40] =	vst v0  }
0xa5: {  	[tilespmem:s0+$0x8ED0] =	vst v0  }
0xa6: {  	[tilespmem:s0+$0x8EE0] =	vst v0  }
.Ltmp2:
0xa7: {  	[tilespmem:s0+$0x8EF0] =	vst v0;
	(pc) =	sbr.rel @p0 .LBB2_2-.Ltmp2, $4  }
0xa8: {  	[tilespmem:s0+$0x8F00] =	vst v0  }
0xa9: {  	[tilespmem:s0+$0x8F10] =	vst v0  }
0xaa: {  	[tilespmem:s0+$0x8F20] =	vst v0  }
0xab: {  	[tilespmem:s0+$0x8F30] =	vst v0;
	s0 =	sshra.s32 s1, $0x2;
	s1 =	sadd.s32 $0x200, s1  }
0xac: {  	[tilespmem:s0+$0x8F40] =	vst v0  }
0xad: {  	[tilespmem:s0+$0x8ED0] =	vst v0  }
0xae: {  	[tilespmem:s0+$0x8EE0] =	vst v0  }
0xaf: {  	[tilespmem:s0+$0x8EF0] =	vst v0  }
0xb0: {  	[tilespmem:s0+$0x8F00] =	vst v0  }
0xb1: {  	[tilespmem:s0+$0x8F10] =	vst v0  }
0xb2: {  	[tilespmem:s0+$0x8F20] =	vst v0  }
0xb3: {  	[tilespmem:s0+$0x8F30] =	vst v0;
	s31 =	simm.s32 $0x8ED0  }
0xb4: {  	[spmem:s13] =	stream.linear.scatter [tilespmem:s31], [sflag:$0x1], $0x1400, $0x38;
	[tilespmem:$0x1F6D0] =	vst v63  }
0xb5: {  	_ = 	snop  }
0xb6: {  	[spmem:s3] =	stream.linear.scatter [tilespmem:s31], [sflag:$0x1], $0x1400, $0x38;
	[tilespmem:$0x1F6D0] =	vst v63  }
0xb7: {  	_ = 	snop  }
0xb8: {  	[spmem:s4] =	stream.linear.scatter [tilespmem:s31], [sflag:$0x1], $0x1400, $0x38;
	[tilespmem:$0x1F6D0] =	vst v63  }
0xb9: {  	_ = 	snop  }
0xba: {  	[spmem:s5] =	stream.linear.scatter [tilespmem:s31], [sflag:$0x1], $0x1400, $0x38;
	[tilespmem:$0x1F6D0] =	vst v63  }
0xbb: {  	_ = 	snop  }
0xbc: {  	[spmem:s6] =	stream.linear.scatter [tilespmem:s31], [sflag:$0x1], $0x1400, $0x38;
	[tilespmem:$0x1F6D0] =	vst v63  }
0xbd: {  	_ = 	snop  }
0xbe: {  	[spmem:s7] =	stream.linear.scatter [tilespmem:s31], [sflag:$0x1], $0x1400, $0x38;
	[tilespmem:$0x1F6D0] =	vst v63  }
0xbf: {  	_ = 	snop  }
0xc0: {  	[spmem:s8] =	stream.linear.scatter [tilespmem:s31], [sflag:$0x1], $0x1400, $0x38;
	[tilespmem:$0x1F6D0] =	vst v63  }
0xc1: {  	_ = 	snop  }
0xc2: {  	[spmem:s9] =	stream.linear.scatter [tilespmem:s31], [sflag:$0x1], $0x1400, $0x38;
	[tilespmem:$0x1F6D0] =	vst v63  }
0xc3: {  	_ = 	snop  }
0xc4: {  	[spmem:s10] =	stream.linear.scatter [tilespmem:s31], [sflag:$0x1], $0x1400, $0x38;
	[tilespmem:$0x1F6D0] =	vst v63  }
0xc5: {  	_ = 	snop  }
0xc6: {  	[spmem:s11] =	stream.linear.scatter [tilespmem:s31], [sflag:$0x1], $0x1400, $0x38;
	[tilespmem:$0x1F6D0] =	vst v63  }
0xc7: {  	_ = 	snop  }
0xc8: {  	[spmem:s12] =	stream.linear.scatter [tilespmem:s31], [sflag:$0x1], $0x1400, $0x38;
	[tilespmem:$0x1F6D0] =	vst v63  }
0xc9: {  	_ = 	snop  }
0xca: {  	[spmem:s14] =	stream.linear.scatter [tilespmem:s31], [sflag:$0x1], $0x1400, $0x38;
	[tilespmem:$0x1F6D0] =	vst v63  }
0xcb: {  	_ = 	snop  }
0xcc: {  	[spmem:s15] =	stream.linear.scatter [tilespmem:s31], [sflag:$0x1], $0x1400, $0x38;
	[tilespmem:$0x1F6D0] =	vst v63  }
0xcd: {  	_ = 	snop  }
0xce: {  	[spmem:s16] =	stream.linear.scatter [tilespmem:s31], [sflag:$0x1], $0x1400, $0x38;
	[tilespmem:$0x1F6D0] =	vst v63  }
0xcf: {  	_ = 	snop  }
0xd0: {  	[spmem:s17] =	stream.linear.scatter [tilespmem:s31], [sflag:$0x1], $0x1400, $0x38;
	[tilespmem:$0x1F6D0] =	vst v63  }
0xd1: {  	_ = 	snop  }
0xd2: {  	[spmem:s18] =	stream.linear.scatter [tilespmem:s31], [sflag:$0x1], $0x1400, $0x38;
	[tilespmem:$0x1F6D0] =	vst v63  }
0xd3: {  	_ =	swait.ge [sflag:s2], $0x1400  }
0xd4: {  	[sflag:s2] =	ssyncset.done $0x0  }
0xd5: {  	[sflag:s2] =	ssyncadd.s32 $0xFFFFEC00  }
0xd6: {  	_ =	swait.ge [sflag:s2], $0x1400  }
0xd7: {  	[sflag:s2] =	ssyncset.done $0x0  }
0xd8: {  	[sflag:s2] =	ssyncadd.s32 $0xFFFFEC00  }
0xd9: {  	_ =	swait.ge [sflag:s2], $0x1400  }
0xda: {  	[sflag:s2] =	ssyncset.done $0x0  }
0xdb: {  	[sflag:s2] =	ssyncadd.s32 $0xFFFFEC00  }
0xdc: {  	_ =	swait.ge [sflag:s2], $0x1400  }
0xdd: {  	[sflag:s2] =	ssyncset.done $0x0  }
0xde: {  	[sflag:s2] =	ssyncadd.s32 $0xFFFFEC00  }
0xdf: {  	_ =	swait.ge [sflag:s2], $0x1400  }
0xe0: {  	[sflag:s2] =	ssyncset.done $0x0  }
0xe1: {  	[sflag:s2] =	ssyncadd.s32 $0xFFFFEC00  }
0xe2: {  	_ =	swait.ge [sflag:s2], $0x1400  }
0xe3: {  	[sflag:s2] =	ssyncset.done $0x0  }
0xe4: {  	[sflag:s2] =	ssyncadd.s32 $0xFFFFEC00  }
0xe5: {  	_ =	swait.ge [sflag:s2], $0x1400  }
0xe6: {  	[sflag:s2] =	ssyncset.done $0x0  }
0xe7: {  	[sflag:s2] =	ssyncadd.s32 $0xFFFFEC00  }
0xe8: {  	_ =	swait.ge [sflag:s2], $0x1400  }
0xe9: {  	[sflag:s2] =	ssyncset.done $0x0  }
0xea: {  	[sflag:s2] =	ssyncadd.s32 $0xFFFFEC00  }
0xeb: {  	_ =	swait.ge [sflag:s2], $0x1400  }
0xec: {  	[sflag:s2] =	ssyncset.done $0x0  }
0xed: {  	[sflag:s2] =	ssyncadd.s32 $0xFFFFEC00  }
0xee: {  	_ =	swait.ge [sflag:s2], $0x1400  }
0xef: {  	[sflag:s2] =	ssyncset.done $0x0  }
0xf0: {  	[sflag:s2] =	ssyncadd.s32 $0xFFFFEC00  }
0xf1: {  	_ =	swait.ge [sflag:s2], $0x1400  }
0xf2: {  	[sflag:s2] =	ssyncset.done $0x0  }
0xf3: {  	[sflag:s2] =	ssyncadd.s32 $0xFFFFEC00  }
0xf4: {  	_ =	swait.ge [sflag:s2], $0x1400  }
0xf5: {  	[sflag:s2] =	ssyncset.done $0x0  }
0xf6: {  	[sflag:s2] =	ssyncadd.s32 $0xFFFFEC00  }
0xf7: {  	_ =	swait.ge [sflag:s2], $0x1400  }
0xf8: {  	[sflag:s2] =	ssyncset.done $0x0  }
0xf9: {  	[sflag:s2] =	ssyncadd.s32 $0xFFFFEC00  }
0xfa: {  	_ =	swait.ge [sflag:s2], $0x1400  }
0xfb: {  	[sflag:s2] =	ssyncset.done $0x0  }
0xfc: {  	[sflag:s2] =	ssyncadd.s32 $0xFFFFEC00  }
0xfd: {  	_ =	swait.ge [sflag:s2], $0x1400  }
0xfe: {  	[sflag:s2] =	ssyncset.done $0x0  }
0xff: {  	[sflag:s2] =	ssyncadd.s32 $0xFFFFEC00  }
.Ltmp3:
0x100: {  	_ =	swait.ge [sflag:s2], $0x1400;
	(pc) =	sbr.rel .LBB2_4-.Ltmp3, $4  }
0x101: {  	[sflag:s2] =	ssyncset.done $0x0  }
0x102: {  	[sflag:s2] =	ssyncadd.s32 $0xFFFFEC00  }
0x103: {  	[bflag:$0x0] =	sbarrier.arrive $0xFFFF  }
0x104: {  	s5 =	simm.s32 $0x0  }
.LBB2_12:
0x105: {  	s5 =	sld [smem:$0x7EE];
	_ =	sdelay $0x2  }
0x106: {  	s5 =	sadd.s32 $0x1, s5  }
0x107: {  	p0 =	sne.s32 s5, $0xA  }
.Ltmp4:
0x108: {  	_ = 	snop;
	(pc) =	sbr.rel @!p0 .LBB2_13-.Ltmp4, $1  }
0x109: {  	_ =	sdelay $0x3  }
.LBB2_4:
0x10a: {  	s0 =	smul.u32 $0x3E8, s5  }
0x10b: {  	s1 =	rddreg [dreg:$0x1a]  }
0x10c: {  	s0 =	sadd.s32 s1, s0  }
0x10d: {  	s17 =	rddreg [dreg:$0x19];
	s0 =	sshrl.u32 s0, $0x3  }
0x10e: {  	s4 =	simm.s32 $0x0;
	s2 =	simm.s32 $0x6;
	s1 =	sadd.s32 s17, s0  }
0x10f: {  	[tilespmem:s4], [sflag:$0x6] =	stream.linear.gather [hbm4b:s1+s4], $0x3E8, $0x38;
	[tilespmem:$0x1F6D0] =	vst v63  }
0x110: {  	_ =	swait.ge [sflag:s2], $0x3E8  }
0x111: {  	[sflag:s2] =	ssyncset.done $0x0  }
0x112: {  	[sflag:s2] =	ssyncadd.s32 $0xFFFFFC18  }
0x113: {  	s18 =	rddreg [dreg:$0x1]  }
0x114: {  	s3 =	simm.s32 $0x3E8;
	s0 =	sadd.s32 s18, s0  }
0x115: {  	[tilespmem:s3], [sflag:$0x6] =	stream.linear.gather [hbm4b:s0+s4], $0x3E8, $0x38;
	[tilespmem:$0x1F6D0] =	vst v63  }
0x116: {  	_ =	swait.ge [sflag:s2], $0x3E8  }
0x117: {  	s19 =	smul.u32 $0x19, s5;
	s22 =	simm.s32 $0x28;
	[smem:$0x7EE] =	sst s5  }
0x118: {  	s23 =	simm.s32 $0x7D0;
	s26 =	simm.s32 $0x34D0;
	s20 =	rddreg [dreg:$0x18]  }
0x119: {  	s29 =	simm.s32 $0x280;
	[sflag:s2] =	ssyncset.done $0x0;
	[smem:$0x7EF] =	sst s19  }
0x11a: {  	s30 =	simm.s32 $0x4E2000;
	s21 =	rddreg [dreg:$0x15];
	[sflag:s2] =	ssyncadd.s32 $0xFFFFFC18  }
0x11b: {  	[tilespmem:s23], [sflag:$0x2] =	stream.indirect.gather [hbm4b:s21+s22], $0x90, s4, s22, $0xb8;
	[tilespmem:$0x1F6D0] =	vst v63  }
.Ltmp5:
0x11c: {  	s25 =	rddreg [dreg:$0x16];
	s5 =	sadd.s32 s20, s19;
	(pc) =	sbr.rel .LBB2_5-.Ltmp5, $4  }
0x11d: {  	s31 =	simm.s32 $0x61D0;
	s28 =	rddreg [dreg:$0x17];
	s24 =	smul.u32 $0x50, s5  }
0x11e: {  	[tilespmem:s26], [sflag:$0x2] =	stream.indirect.gather [hbm4b:s25+s22], $0x90, s3, s22, $0xb8;
	[tilespmem:$0x1F6D0] =	vst v63  }
0x11f: {  	s11 =	simm.s32 $0x0;
	[smem:$0x7F0] =	sst s5;
	s0 =	sadd.s32 s28, s24  }
0x120: {  	[tilespmem:s31], [sflag:$0x2] =	stream.strided.gather [hbm4b:s0+s29], $0x1680, s30, s29, $0x38;
	[tilespmem:$0x1F6D0] =	vst v63  }
.LBB2_10:
0x121: {  	v16 =	vld [tilespmem:s29+$0xFFFFFF20];
	v15 =	vmul.f32 v15, v5  }
0x122: {  	v12 =	vadd.f32 v12, v13;
	v56 =	vld [tilespmem:s30+$0xFFFFFF20]  }
0x123: {  	v17 =	vld [tilespmem:s18+$0x7890];
	[tilespmem:s1+$0xFFFFFFB0] =	vst v15  }
0x124: {  	v12 =	vmul.f32 v12, v6;
	v15 =	vld [tilespmem:s29+$0xFFFFFFB0]  }
0x125: {  	v57 =	vld [tilespmem:s30+$0xFFFFFFB0]  }
0x126: {  	v58 =	vld [tilespmem:s8+$0x7890];
	[tilespmem:s1+$0x30] =	vst v12  }
0x127: {  	v18 =	vld [tilespmem:s13+$0x40];
	v13 =	vadd.f32 v56, v16  }
0x128: {  	v19 =	vld [tilespmem:s14+$0x40]  }
0x129: {  	v13 =	vadd.f32 v17, v13  }
0x12a: {  	v59 =	vld [tilespmem:s5+$0x7890];
	v12 =	vadd.f32 v57, v15  }
0x12b: {  	v13 =	vmul.f32 v13, v4  }
0x12c: {  	v23 =	vld [tilespmem:s26+$0x70];
	v12 =	vadd.f32 v58, v12  }
0x12d: {  	v42 =	vld [tilespmem:s16+$0x70];
	v18 =	vadd.f32 v19, v18;
	[tilespmem:s1+$0xFFFFFF40] =	vst v13  }
0x12e: {  	v13 =	vld [tilespmem:s13+$0xFFFFFF30];
	v12 =	vmul.f32 v12, v5  }
0x12f: {  	v17 =	vadd.f32 v59, v18;
	v62 =	vld [tilespmem:s14+$0xFFFFFF30]  }
0x130: {  	v63 =	vld [tilespmem:s18+$0x78A0];
	[tilespmem:s19+$0xFFFFFFC0] =	vst v12  }
0x131: {  	v24 =	vmul.f32 v17, v6;
	v25 =	vld [tilespmem:s13+$0xFFFFFFC0]  }
0x132: {  	v26 =	vld [tilespmem:s14+$0xFFFFFFC0]  }
0x133: {  	v21 =	vld [tilespmem:s8+$0x78A0];
	[tilespmem:s19+$0x40] =	vst v24  }
0x134: {  	v20 =	vld [tilespmem:s13+$0x50];
	v13 =	vadd.f32 v62, v13  }
0x135: {  	v14 =	vmul.f32 v14, v7;
	v27 =	vld [tilespmem:s14+$0x50]  }
0x136: {  	v43 =	vld [tilespmem:s15+$0x78C0];
	v13 =	vadd.f32 v63, v13  }
0x137: {  	[tilespmem:s1+$0xD0] =	vst v14;
	v28 =	vld [tilespmem:s5+$0x78A0];
	v12 =	vadd.f32 v26, v25  }
0x138: {  	v14 =	vld [tilespmem:s29+$0xF0];
	v13 =	vmul.f32 v13, v4  }
0x139: {  	v60 =	vld [tilespmem:s30+$0xF0];
	v12 =	vadd.f32 v21, v12  }
0x13a: {  	v61 =	vld [tilespmem:s20+$0x78B0];
	v29 =	vadd.f32 v27, v20;
	[tilespmem:s19+$0xFFFFFF50] =	vst v13  }
0x13b: {  	v12 =	vmul.f32 v12, v5;
	v33 =	vld [tilespmem:s13+$0xFFFFFF40]  }
0x13c: {  	v32 =	vadd.f32 v28, v29;
	v34 =	vld [tilespmem:s14+$0xFFFFFF40]  }
0x13d: {  	v38 =	vld [tilespmem:s18+$0x78B0];
	[tilespmem:s19+$0xFFFFFFD0] =	vst v12  }
0x13e: {  	v13 =	vmul.f32 v32, v6;
	v35 =	vld [tilespmem:s13+$0xFFFFFFD0]  }
0x13f: {  	v14 =	vadd.f32 v60, v14;
	v36 =	vld [tilespmem:s14+$0xFFFFFFD0]  }
0x140: {  	v40 =	vld [tilespmem:s8+$0x78B0];
	[tilespmem:s19+$0x50] =	vst v13  }
0x141: {  	v14 =	vadd.f32 v61, v14;
	v37 =	vld [tilespmem:s13+$0x60]  }
0x142: {  	v39 =	vld [tilespmem:s14+$0x60];
	v12 =	vadd.f32 v34, v33  }
0x143: {  	v44 =	vld [tilespmem:s7+$0x78C0];
	v14 =	vmul.f32 v14, v7  }
0x144: {  	v41 =	vld [tilespmem:s5+$0x78B0];
	v12 =	vadd.f32 v38, v12  }
0x145: {  	v45 =	vld [tilespmem:s28+$0x78C0];
	[tilespmem:s1+$0xE0] =	vst v14;
	v13 =	vadd.f32 v36, v35  }
0x146: {  	v30 =	vld [tilespmem:s13+$0x100];
	v12 =	vmul.f32 v12, v4  }
0x147: {  	v31 =	vld [tilespmem:s14+$0x100];
	v18 =	vadd.f32 v39, v37;
	v13 =	vadd.f32 v40, v13  }
0x148: {  	v22 =	vld [tilespmem:s20+$0x78C0];
	[tilespmem:s19+$0xFFFFFF60] =	vst v12  }
0x149: {  	v46 =	vmul.f32 v13, v5;
	v47 =	vadd.f32 v41, v18;
	v48 =	vld [tilespmem:s13+$0xFFFFFF50]  }
0x14a: {  	v50 =	vld [tilespmem:s14+$0xFFFFFF50]  }
0x14b: {  	v54 =	vld [tilespmem:s18+$0x78C0];
	[tilespmem:s19+$0xFFFFFFE0] =	vst v46;
	v49 =	vmul.f32 v47, v6  }
0x14c: {  	v51 =	vld [tilespmem:s13+$0xFFFFFFE0]  }
0x14d: {  	v8 =	vadd.f32 v10, v8;
	v52 =	vld [tilespmem:s14+$0xFFFFFFE0];
	[tilespmem:s19+$0x60] =	vst v49  }
0x14e: {  	v9 =	vadd.f32 v11, v9;
	v24 =	vld [tilespmem:s13+$0x70]  }
0x14f: {  	v16 =	vadd.f32 v42, v23;
	v8 =	vadd.f32 v43, v8;
	v53 =	vld [tilespmem:s14+$0x70]  }
0x150: {  	v9 =	vadd.f32 v44, v9;
	v15 =	vadd.f32 v31, v30;
	v56 =	vld [tilespmem:s8+$0x78C0]  }
0x151: {  	v1 =	vmul.f32 v8, v1;
	v60 =	vadd.f32 v45, v16;
	v57 =	vld [tilespmem:s5+$0x78C0]  }
0x152: {  	v2 =	vmul.f32 v9, v2;
	v55 =	vadd.f32 v22, v15;
	v59 =	vadd.f32 v50, v48  }
0x153: {  	[tilespmem:s21+$0xFFFFFF70] =	vst v1;
	v1 =	vmul.f32 v60, v3;
	v12 =	vadd.f32 v52, v51  }
0x154: {  	[tilespmem:s21+$0xFFFFFFF0] =	vst v2;
	v58 =	vmul.f32 v55, v7;
	v62 =	vadd.f32 v54, v59;
	v61 =	vadd.f32 v53, v24  }
0x155: {  	[tilespmem:s21+$0x70] =	vst v1;
	v3 =	vadd.f32 v56, v12  }
0x156: {  	[tilespmem:s1+$0xF0] =	vst v58;
	v2 =	vmul.f32 v62, v4;
	v63 =	vadd.f32 v57, v61  }
0x157: {  	s0 =	rddreg [dreg:$0x18];
	v1 =	vmul.f32 v3, v5  }
0x158: {  	s1 =	sld [smem:$0x7EB];
	[tilespmem:s19+$0xFFFFFF70] =	vst v2;
	v2 =	vmul.f32 v63, v6  }
0x159: {  	[tilespmem:s19+$0xFFFFFFF0] =	vst v1  }
0x15a: {  	[tilespmem:s19+$0x70] =	vst v2  }
0x15b: {  	s0 =	sadd.s32 s0, s1;
	s26 =	sld [smem:$0x7EC]  }
0x15c: {  	s0 =	smul.u32 $0x280, s0  }
0x15d: {  	s25 =	rddreg [dreg:$0x2];
	s2 =	simm.s32 $0x0  }
0x15e: {  	s3 =	simm.s32 $0xA2D0;
	s0 =	sadd.s32 s25, s0;
	s1 =	smul.u32 $0xA0, s26  }
0x15f: {  	[hbm4b:s0+s2] =	stream.linear.scatter [tilespmem:s3], [sflag:$0x5], $0x1400, $0x38;
	[tilespmem:$0x1F6D0] =	vst v63  }
0x160: {  	s31 =	simm.s32 $0x6;
	s28 =	sshra.s32 s1, $0x2  }
0x161: {  	s29 =	rddreg [dreg:$0x3];
	s30 =	simm.s32 $0x28;
	s0 =	sadd.s32 $0x3E8, s28  }
0x162: {  	[spmem:s29] =	stream.indirect.scatter.add.f32 [tilespmem:s3], [sflag:$0x6], $0x80, s0, s30, $0xb8;
	[tilespmem:$0x1F6D0] =	vst v63  }
0x163: {  	_ =	swait.ge [sflag:s31], $0x1400  }
0x164: {  	[sflag:s31] =	ssyncset.done $0x0  }
0x165: {  	[sflag:s31] =	ssyncadd.s32 $0xFFFFEC00  }
.LBB2_11:
0x166: {  	s11 =	sadd.s32 $0x1, s11  }
0x167: {  	p0 =	sne.s32 s11, $0xD  }
.Ltmp6:
0x168: {  	_ = 	snop;
	(pc) =	sbr.rel @!p0 .LBB2_12-.Ltmp6, $1  }
0x169: {  	_ =	sdelay $0x3  }
.LBB2_5:
0x16a: {  	s4 =	sshllo.u32 s11, $0x1  }
0x16b: {  	p0 =	sgt.u32 s4, $0x18  }
0x16c: {  	s0 =	smul.u32 @!p0 $0x28, s4  }
0x16d: {  	s2 =	rddreg [dreg:$0x15];
	s1 =	simm.s32 @!p0 $0x28;
	s3 =	simm.s32 @!p0 $0x1E50  }
0x16e: {  	[tilespmem:s3], [sflag:$0x3] =	stream.indirect.gather @!p0 [hbm4b:s2+s1], $0x90, s0, s1, $0xb8;
	[tilespmem:$0x1F6D0] =	vst v63  }
0x16f: {  	s2 =	sld [smem:$0x7F0];
	_ =	sdelay $0x2  }
0x170: {  	[smem:$0x7EC] =	sst s4;
	s5 =	simm.s32 @!p0 $0x4B50;
	s3 =	sadd.s32 @!p0 s2, s4  }
0x171: {  	s0 =	sadd.s32 @!p0 $0x3E8, s0;
	s2 =	rddreg [dreg:$0x16];
	s3 =	smul.u32 @!p0 $0x50, s3  }
0x172: {  	[tilespmem:s5], [sflag:$0x3] =	stream.indirect.gather @!p0 [hbm4b:s2+s1], $0x90, s0, s1, $0xb8;
	[tilespmem:$0x1F6D0] =	vst v63  }
0x173: {  	s10 =	simm.s32 $0x2;
	s0 =	rddreg [dreg:$0x17];
	s1 =	simm.s32 @!p0 $0x280  }
0x174: {  	s5 =	simm.s32 @!p0 $0x7850;
	s0 =	sadd.s32 @!p0 s0, s3;
	s3 =	simm.s32 @!p0 $0x4E2000  }
0x175: {  	[tilespmem:s5], [sflag:$0x3] =	stream.strided.gather @!p0 [hbm4b:s0+s1], $0x1680, s3, s1, $0x38;
	[tilespmem:$0x1F6D0] =	vst v63  }
0x176: {  	_ =	swait.ge [sflag:s10], $0x1680  }
0x177: {  	[sflag:s10] =	ssyncset.done $0x0  }
0x178: {  	[sflag:s10] =	ssyncadd.s32 $0xFFFFE980  }
0x179: {  	_ =	swait.ge [sflag:s10], $0x1680  }
0x17a: {  	s13 =	sld [smem:$0x7EF]  }
0x17b: {  	s12 =	sshll.u32 s11, $0x1;
	[sflag:s10] =	ssyncset.done $0x0  }
0x17c: {  	[smem:$0x7ED] =	sst s12;
	[sflag:s10] =	ssyncadd.s32 $0xFFFFE980  }
0x17d: {  	_ =	swait.ge [sflag:s10], $0x1680;
	s16 =	sadd.s32 s13, s12  }
0x17e: {  	[sflag:s10] =	ssyncset.done $0x0;
	p1 =	slt.u32 s16, $0x2  }
0x17f: {  	[sflag:s10] =	ssyncadd.s32 $0xFFFFE980;
	s0 =	simm.s32 @!p1 $0x4  }
0x180: {  	_ =	swait.ge @!p1 [sflag:s0], $0x1400  }
0x181: {  	s14 =	simm.s32 $0x0;
	[sflag:s0] =	ssyncset.done @!p1 $0x0  }
0x182: {  	s28 =	simm.s32 $0x8F0;
	s15 =	simm.s32 $0xFFFFFFFB;
	[sflag:s0] =	ssyncadd.s32 @!p1 $0xFFFFEC00  }
0x183: {  	s26 =	simm.s32 $0x35F0;
	s1 =	sand.u32 $0x7, s15;
	s0 =	sand.u32 $0x380, s14;
	v1 =	vld [tilespmem:s28+$0x110]  }
0x184: {  	s18 =	sshll.u32 s1, $0x4;
	s17 =	sadd.s32 $0x75D0, s0;
	v2 =	vld [tilespmem:s26+$0x110]  }
0x185: {  	s3 =	sadd.s32 s18, s17  }
0x186: {  	v3 =	vld [tilespmem:s3+$0x0];
	_ =	sdelay $0x1  }
0x187: {  	v4 =	vld [tilespmem:s28+$0xFFFFFF60]  }
0x188: {  	v5 =	vld [tilespmem:s28+$0xFFFFFFF0];
	v1 =	vadd.f32 v2, v1  }
0x189: {  	s19 =	simm.s32 $0x0;
	v6 =	vld [tilespmem:s28+$0x80]  }
0x18a: {  	s21 =	simm.s32 $0x2;
	s7 =	sand.u32 $0x4, s19;
	v7 =	vld [tilespmem:s26+$0x80];
	v1 =	vadd.f32 v3, v1  }
0x18b: {  	s20 =	simm.s32 $0x1;
	s13 =	sshll.u32 s7, $0x4;
	s3 =	sand.u32 $0x6, s21;
	v2 =	vld [tilespmem:s26+$0xFFFFFF60]  }
0x18c: {  	s8 =	sand.u32 $0x5, s20;
	s13 =	sadd.s32 s13, s17;
	s15 =	sshll.u32 s3, $0x4;
	v3 =	vld [tilespmem:s26+$0xFFFFFFF0];
	v1 =	vsub.f32 $0.0e+00, v1  }
0x18d: {  	s14 =	sshll.u32 s8, $0x4;
	v8 =	vld [tilespmem:s13+$0x0];
	s5 =	sadd.s32 s15, s17  }
0x18e: {  	s14 =	sadd.s32 s14, s17;
	v10 =	vld [tilespmem:s5+$0x0];
	v1 =	vmul.f32 $1.442695020e+00, v1  }
0x18f: {  	v9 =	vld [tilespmem:s14+$0x0]  }
0x190: {  	(erf) = vpow2.f32 v1;
	v1 =	vadd.f32 v2, v4  }
0x191: {  	v2 =	vadd.f32 v3, v5;
	v3 =	vadd.f32 v7, v6;
	_ =	sdelay $0x1  }
0x192: {  	v1 =	vadd.f32 v8, v1;
	v3 =	vadd.f32 v10, v3  }
0x193: {  	v2 =	vadd.f32 v9, v2  }
0x194: {  	v1 =	vsub.f32 $0.0e+00, v1;
	v3 =	vsub.f32 $0.0e+00, v3  }
0x195: {  	v2 =	vsub.f32 $0.0e+00, v2  }
0x196: {  	v1 =	vmul.f32 $1.442695020e+00, v1  }
0x197: {  	v2 =	vmul.f32 $1.442695020e+00, v2  }
0x198: {  	(erf) = vpow2.f32 v1;
	v1 =	vmul.f32 $1.442695020e+00, v3;
	v3 =	vpop (erf)  }
0x199: {  	(erf) = vpow2.f32 v2;
	v3 =	vadd.f32 $1.000000000e+00, v3  }
0x19a: {  	s1 =	smul.u32 $0xA00, s1;
	(erf) = vpow2.f32 v1  }
0x19b: {  	v2 =	vld [tilespmem:s26+$0x90];
	(erf) = vrcp.f32 v3  }
0x19c: {  	s1 =	sshrl.u32 s1, $0x2;
	v1 =	vld [tilespmem:s28+$0x90]  }
0x19d: {  	s1 =	sadd.s32 s0, s1  }
0x19e: {  	v3 =	vld [tilespmem:s1+$0x61D0];
	_ =	sdelay $0x2  }
0x19f: {  	v1 =	vadd.f32 v2, v1;
	v4 =	vpop (erf)  }
0x1a0: {  	v2 =	vpop (erf)  }
0x1a1: {  	v1 =	vadd.f32 v3, v1;
	v3 =	vpop (erf)  }
0x1a2: {  	v8 =	vpop (erf)  }
0x1a3: {  	v1 =	vmul.f32 v8, v1  }
0x1a4: {  	s21 =	simm.s32 $0x8FD0  }
0x1a5: {  	[tilespmem:s21+$0x80] =	vst v1  }
0x1a6: {  	v1 =	vld [tilespmem:s28+$0xA0]  }
0x1a7: {  	v5 =	vld [tilespmem:s26+$0xA0];
	_ =	sdelay $0x1  }
0x1a8: {  	v6 =	vld [tilespmem:s1+$0x61E0]  }
0x1a9: {  	s22 =	smul.u32 $0xA00, s7;
	v4 =	vadd.f32 $1.000000000e+00, v4  }
0x1aa: {  	v7 =	vld [tilespmem:s28+$0xFFFFFEE0]  }
0x1ab: {  	s5 =	sshrl.u32 s22, $0x2;
	v2 =	vadd.f32 $1.000000000e+00, v2;
	(erf) = vrcp.f32 v4;
	v4 =	vld [tilespmem:s28+$0xFFFFFF70];
	v1 =	vadd.f32 v5, v1  }
0x1ac: {  	s15 =	sadd.s32 s0, s5;
	v5 =	vld [tilespmem:s26+$0xFFFFFEE0]  }
0x1ad: {  	s23 =	smul.u32 $0xA00, s8;
	(erf) = vrcp.f32 v2;
	v2 =	vld [tilespmem:s15+$0x61D0];
	v1 =	vadd.f32 v6, v1  }
0x1ae: {  	v6 =	vld [tilespmem:s26+$0xFFFFFF70]  }
0x1af: {  	s24 =	sshrl.u32 s23, $0x2;
	v1 =	vmul.f32 v1, v8  }
0x1b0: {  	s7 =	sadd.s32 s0, s24  }
0x1b1: {  	v9 =	vld [tilespmem:s7+$0x61D0];
	[tilespmem:s21+$0x90] =	vst v1;
	v1 =	vadd.f32 v5, v7  }
0x1b2: {  	v5 =	vld [tilespmem:s28+$0xB0]  }
0x1b3: {  	v4 =	vadd.f32 v6, v4;
	v6 =	vld [tilespmem:s26+$0xB0];
	v2 =	vadd.f32 v2, v1  }
0x1b4: {  	v3 =	vadd.f32 $1.000000000e+00, v3  }
0x1b5: {  	s3 =	smul.u32 $0xA00, s3;
	v7 =	vld [tilespmem:s1+$0x61F0];
	v1 =	vpop (erf)  }
0x1b6: {  	v10 =	vld [tilespmem:s28+$0x0];
	v4 =	vadd.f32 v9, v4;
	(erf) = vrcp.f32 v3;
	v3 =	vmul.f32 v1, v2  }
0x1b7: {  	s3 =	sshrl.u32 s3, $0x2;
	v9 =	vld [tilespmem:s26+$0x0];
	v2 =	vpop (erf)  }
0x1b8: {  	s29 =	sadd.s32 s0, s3;
	[tilespmem:s21+$0xFFFFFF00] =	vst v3;
	v3 =	vmul.f32 v2, v4;
	v4 =	vadd.f32 v6, v5  }
0x1b9: {  	v11 =	vld [tilespmem:s29+$0x61D0]  }
0x1ba: {  	v5 =	vld [tilespmem:s28+$0xFFFFFEF0];
	[tilespmem:s21+$0xFFFFFF80] =	vst v3;
	v3 =	vadd.f32 v7, v4  }
0x1bb: {  	v6 =	vld [tilespmem:s26+$0xFFFFFEF0]  }
0x1bc: {  	v7 =	vadd.f32 v9, v10;
	v10 =	vld [tilespmem:s15+$0x61E0];
	v3 =	vmul.f32 v3, v8  }
0x1bd: {  	v4 =	vld [tilespmem:s28+$0xFFFFFF80]  }
0x1be: {  	v9 =	vld [tilespmem:s26+$0xFFFFFF80]  }
0x1bf: {  	v7 =	vadd.f32 v11, v7;
	v11 =	vld [tilespmem:s7+$0x61E0];
	[tilespmem:s21+$0xA0] =	vst v3  }
0x1c0: {  	v12 =	vld [tilespmem:s28+$0xC0];
	v3 =	vpop (erf)  }
0x1c1: {  	v5 =	vadd.f32 v6, v5;
	v6 =	vld [tilespmem:s26+$0xC0];
	v7 =	vmul.f32 v3, v7;
	_ =	sdelay $0x1  }
0x1c2: {  	v4 =	vadd.f32 v9, v4;
	v5 =	vadd.f32 v10, v5;
	[tilespmem:s21+$0x0] =	vst v7;
	v7 =	vld [tilespmem:s1+$0x6200]  }
0x1c3: {  	v9 =	vld [tilespmem:s28+$0x10]  }
0x1c4: {  	v4 =	vadd.f32 v11, v4;
	v5 =	vmul.f32 v5, v1;
	v10 =	vld [tilespmem:s26+$0x10]  }
0x1c5: {  	v6 =	vadd.f32 v6, v12  }
0x1c6: {  	v11 =	vld [tilespmem:s29+$0x61E0];
	v4 =	vmul.f32 v4, v2;
	[tilespmem:s21+$0xFFFFFF10] =	vst v5  }
0x1c7: {  	v5 =	vld [tilespmem:s28+$0xFFFFFF00];
	v6 =	vadd.f32 v7, v6  }
0x1c8: {  	[tilespmem:s21+$0xFFFFFF90] =	vst v4;
	v4 =	vld [tilespmem:s26+$0xFFFFFF00]  }
0x1c9: {  	v7 =	vadd.f32 v10, v9;
	v9 =	vld [tilespmem:s28+$0xFFFFFF90];
	v6 =	vmul.f32 v6, v8  }
0x1ca: {  	v10 =	vld [tilespmem:s15+$0x61F0]  }
0x1cb: {  	v7 =	vadd.f32 v11, v7;
	v11 =	vld [tilespmem:s26+$0xFFFFFF90];
	[tilespmem:s21+$0xB0] =	vst v6  }
0x1cc: {  	v6 =	vld [tilespmem:s28+$0xD0]  }
0x1cd: {  	v4 =	vadd.f32 v4, v5;
	v7 =	vmul.f32 v7, v3;
	v5 =	vld [tilespmem:s26+$0xD0]  }
0x1ce: {  	v12 =	vld [tilespmem:s7+$0x61F0]  }
0x1cf: {  	v4 =	vadd.f32 v10, v4;
	[tilespmem:s21+$0x10] =	vst v7;
	v7 =	vld [tilespmem:s1+$0x6210]  }
0x1d0: {  	v10 =	vld [tilespmem:s28+$0x20]  }
0x1d1: {  	v13 =	vld [tilespmem:s26+$0x20];
	v9 =	vadd.f32 v11, v9;
	v4 =	vmul.f32 v4, v1  }
0x1d2: {  	v5 =	vadd.f32 v5, v6  }
0x1d3: {  	v6 =	vld [tilespmem:s29+$0x61F0];
	v9 =	vadd.f32 v12, v9;
	[tilespmem:s21+$0xFFFFFF20] =	vst v4  }
0x1d4: {  	v4 =	vld [tilespmem:s28+$0xFFFFFF10];
	v5 =	vadd.f32 v7, v5  }
0x1d5: {  	v7 =	vmul.f32 v9, v2;
	v9 =	vld [tilespmem:s26+$0xFFFFFF10]  }
0x1d6: {  	v10 =	vadd.f32 v13, v10;
	v5 =	vmul.f32 v5, v8  }
0x1d7: {  	[tilespmem:s21+$0xFFFFFFA0] =	vst v7  }
0x1d8: {  	v7 =	vld [tilespmem:s15+$0x6200];
	v6 =	vadd.f32 v6, v10;
	[tilespmem:s21+$0xC0] =	vst v5  }
0x1d9: {  	v5 =	vld [tilespmem:s28+$0xE0]  }
0x1da: {  	v6 =	vmul.f32 v6, v3;
	v4 =	vadd.f32 v9, v4;
	v9 =	vld [tilespmem:s26+$0xE0];
	_ =	sdelay $0x1  }
0x1db: {  	[tilespmem:s21+$0x20] =	vst v6;
	v6 =	vld [tilespmem:s1+$0x6220]  }
0x1dc: {  	s25 =	simm.s32 $0xFFFFFFFF;
	s30 =	simm.s32 $0xB30;
	s0 =	simm.s32 $0x40;
	v4 =	vadd.f32 v7, v4  }
0x1dd: {  	s31 =	simm.s32 $0x3830;
	v20 =	vld [tilespmem:s30+$0xFFFFFF60];
	s5 =	sand.u32 $0x7, s25;
	s2 =	sand.u32 $0x380, s0  }
0x1de: {  	v56 =	vld [tilespmem:s31+$0x80];
	s6 =	sshll.u32 s5, $0x4;
	s4 =	sadd.s32 $0x75D0, s2;
	v4 =	vmul.f32 v4, v1;
	v5 =	vadd.f32 v9, v5  }
0x1df: {  	v58 =	vld [tilespmem:s31+$0xFFFFFEE0];
	s8 =	sadd.s32 s6, s4  }
0x1e0: {  	v17 =	vld [tilespmem:s8+$0x0];
	[tilespmem:s21+$0xFFFFFF30] =	vst v4;
	v4 =	vadd.f32 v6, v5  }
0x1e1: {  	v10 =	vld [tilespmem:s28+$0xFFFFFFA0]  }
0x1e2: {  	v11 =	vld [tilespmem:s26+$0xFFFFFFA0];
	v4 =	vmul.f32 v4, v8  }
0x1e3: {  	v9 =	vld [tilespmem:s30+$0x110]  }
0x1e4: {  	s17 =	simm.s32 $0x4;
	[tilespmem:s21+$0xD0] =	vst v4;
	v4 =	vld [tilespmem:s31+$0x110]  }
0x1e5: {  	s9 =	sand.u32 $0x4, s17;
	v16 =	vld [tilespmem:s28+$0xF0]  }
0x1e6: {  	s18 =	sshll.u32 s9, $0x4;
	v18 =	vld [tilespmem:s26+$0xF0]  }
0x1e7: {  	s18 =	sadd.s32 s18, s4;
	v13 =	vld [tilespmem:s7+$0x6200]  }
0x1e8: {  	v55 =	vld [tilespmem:s18+$0x0]  }
0x1e9: {  	v19 =	vld [tilespmem:s1+$0x6230]  }
0x1ea: {  	v7 =	vld [tilespmem:s28+$0x30];
	v4 =	vadd.f32 v4, v9;
	v9 =	vadd.f32 v11, v10  }
0x1eb: {  	v10 =	vld [tilespmem:s31+$0xFFFFFF60];
	v16 =	vadd.f32 v18, v16  }
0x1ec: {  	s10 =	simm.s32 $0x5;
	v11 =	vld [tilespmem:s30+$0xFFFFFFF0];
	v4 =	vadd.f32 v17, v4;
	v9 =	vadd.f32 v13, v9  }
0x1ed: {  	s8 =	sand.u32 $0x5, s10;
	v13 =	vld [tilespmem:s31+$0xFFFFFFF0]  }
0x1ee: {  	s19 =	simm.s32 $0x6;
	s20 =	sshll.u32 s8, $0x4;
	v17 =	vld [tilespmem:s30+$0x80];
	v16 =	vadd.f32 v19, v16;
	v4 =	vsub.f32 $0.0e+00, v4;
	v9 =	vmul.f32 v9, v2  }
0x1ef: {  	s19 =	sand.u32 $0x6, s19;
	s20 =	sadd.s32 s20, s4;
	v12 =	vld [tilespmem:s26+$0x30]  }
0x1f0: {  	s12 =	sshll.u32 s19, $0x4;
	v21 =	vld [tilespmem:s20+$0x0];
	v4 =	vmul.f32 $1.442695020e+00, v4;
	[tilespmem:s21+$0xFFFFFFB0] =	vst v9;
	v9 =	vmul.f32 v16, v8  }
0x1f1: {  	s24 =	smul.u32 $0xA00, s19;
	s13 =	sadd.s32 s12, s4;
	v14 =	vld [tilespmem:s29+$0x6200];
	v20 =	vadd.f32 v10, v20  }
0x1f2: {  	s5 =	smul.u32 $0xA00, s5;
	v16 =	vld [tilespmem:s13+$0x0];
	(erf) = vpow2.f32 v4;
	[tilespmem:s21+$0xE0] =	vst v9;
	v9 =	vadd.f32 v13, v11  }
0x1f3: {  	v59 =	vld [tilespmem:s30+$0xFFFFFF70];
	s25 =	sshrl.u32 s24, $0x2;
	v13 =	vadd.f32 v56, v17;
	v17 =	vadd.f32 v55, v20  }
0x1f4: {  	v60 =	vld [tilespmem:s30+$0x0];
	s22 =	sshrl.u32 s5, $0x2;
	s5 =	sadd.s32 s2, s25;
	v7 =	vadd.f32 v12, v7  }
0x1f5: {  	v26 =	vld [tilespmem:s5+$0x61D0];
	v17 =	vsub.f32 $0.0e+00, v17  }
0x1f6: {  	v5 =	vld [tilespmem:s28+$0xFFFFFF20];
	v7 =	vadd.f32 v14, v7;
	v57 =	vadd.f32 v21, v9  }
0x1f7: {  	v6 =	vld [tilespmem:s26+$0xFFFFFF20];
	v13 =	vadd.f32 v16, v13;
	v17 =	vmul.f32 $1.442695020e+00, v17  }
0x1f8: {  	v15 =	vld [tilespmem:s15+$0x6210];
	v7 =	vmul.f32 v7, v3;
	v18 =	vsub.f32 $0.0e+00, v57  }
0x1f9: {  	v12 =	vld [tilespmem:s31+$0xFFFFFF70];
	v13 =	vsub.f32 $0.0e+00, v13  }
0x1fa: {  	v14 =	vld [tilespmem:s31+$0x0];
	[tilespmem:s21+$0x30] =	vst v7;
	v18 =	vmul.f32 $1.442695020e+00, v18;
	(erf) = vpow2.f32 v17  }
0x1fb: {  	v23 =	vld [tilespmem:s28+$0x40];
	v13 =	vmul.f32 $1.442695020e+00, v13;
	v17 =	vpop (erf)  }
0x1fc: {  	v5 =	vadd.f32 v6, v5;
	v24 =	vld [tilespmem:s26+$0x40];
	(erf) = vpow2.f32 v18;
	v17 =	vadd.f32 $1.000000000e+00, v17  }
0x1fd: {  	(erf) = vpow2.f32 v13;
	v13 =	vld [tilespmem:s30+$0x90]  }
0x1fe: {  	v5 =	vadd.f32 v15, v5;
	(erf) = vrcp.f32 v17;
	v17 =	vld [tilespmem:s31+$0x90]  }
0x1ff: {  	s20 =	smul.u32 $0xA00, s9;
	v22 =	vld [tilespmem:s26+$0xFFFFFFB0]  }
0x200: {  	v5 =	vmul.f32 v5, v1;
	v4 =	vld [tilespmem:s28+$0xFFFFFFB0]  }
0x201: {  	v9 =	vld [tilespmem:s1+$0x6240];
	s1 =	sshrl.u32 s20, $0x2;
	s20 =	sadd.s32 s2, s22  }
0x202: {  	[tilespmem:s21+$0xFFFFFF40] =	vst v5;
	v6 =	vld [tilespmem:s20+$0x61D0]  }
0x203: {  	v63 =	vld [tilespmem:s28+$0xFFFFFF30];
	v7 =	vpop (erf);
	v13 =	vadd.f32 v17, v13  }
0x204: {  	v15 =	vld [tilespmem:s7+$0x6210];
	v7 =	vadd.f32 $1.000000000e+00, v7  }
0x205: {  	v28 =	vld [tilespmem:s26+$0xFFFFFF30]  }
0x206: {  	v62 =	vld [tilespmem:s29+$0x6210];
	v25 =	vpop (erf)  }
0x207: {  	s23 =	smul.u32 $0xA00, s8;
	v29 =	vld [tilespmem:s15+$0x6220];
	v4 =	vadd.f32 v22, v4;
	v6 =	vadd.f32 v6, v13;
	v13 =	vpop (erf)  }
0x208: {  	v10 =	vld [tilespmem:s28+$0x100];
	(erf) = vrcp.f32 v7;
	v7 =	vpop (erf)  }
0x209: {  	v11 =	vld [tilespmem:s26+$0x100];
	s18 =	sadd.s32 s2, s1;
	s1 =	sshrl.u32 s23, $0x2;
	v4 =	vadd.f32 v15, v4;
	v5 =	vadd.f32 $1.000000000e+00, v25;
	v6 =	vmul.f32 v7, v6  }
0x20a: {  	v16 =	vld [tilespmem:s30+$0xFFFFFEE0];
	s8 =	sadd.s32 s2, s1;
	s1 =	simm.s32 $0x91D0;
	v15 =	vadd.f32 v24, v23;
	v23 =	vadd.f32 v28, v63  }
0x20b: {  	v61 =	vld [tilespmem:s18+$0x61D0];
	(erf) = vrcp.f32 v5;
	[tilespmem:s1+$0x80] =	vst v6  }
0x20c: {  	v23 =	vadd.f32 v29, v23;
	v5 =	vadd.f32 $1.000000000e+00, v13;
	v13 =	vld [tilespmem:s30+$0xA0]  }
0x20d: {  	v4 =	vmul.f32 v4, v2;
	v6 =	vadd.f32 v62, v15;
	v15 =	vld [tilespmem:s31+$0xA0]  }
0x20e: {  	v23 =	vmul.f32 v23, v1;
	v17 =	vld [tilespmem:s8+$0x61D0]  }
0x20f: {  	[tilespmem:s21+$0xFFFFFFC0] =	vst v4;
	v4 =	vadd.f32 v58, v16;
	(erf) = vrcp.f32 v5;
	v5 =	vmul.f32 v6, v3;
	v6 =	vld [tilespmem:s20+$0x61E0]  }
0x210: {  	v16 =	vld [tilespmem:s28+$0xFFFFFFC0]  }
0x211: {  	v12 =	vadd.f32 v12, v59;
	v30 =	vld [tilespmem:s26+$0xFFFFFFC0];
	[tilespmem:s21+$0xFFFFFF50] =	vst v23  }
0x212: {  	v18 =	vadd.f32 v61, v4;
	v40 =	vld [tilespmem:s28+$0xFFFFFF40];
	v13 =	vadd.f32 v15, v13  }
0x213: {  	v54 =	vld [tilespmem:s15+$0x6230];
	v12 =	vadd.f32 v17, v12;
	v4 =	vpop (erf);
	[tilespmem:s21+$0x40] =	vst v5  }
0x214: {  	v17 =	vmul.f32 v4, v18;
	v31 =	vld [tilespmem:s28+$0x50];
	v5 =	vpop (erf);
	v6 =	vadd.f32 v6, v13  }
0x215: {  	v14 =	vadd.f32 v14, v60;
	v32 =	vld [tilespmem:s26+$0x50];
	v12 =	vmul.f32 v5, v12  }
0x216: {  	[tilespmem:s1+$0xFFFFFF00] =	vst v17;
	v17 =	vld [tilespmem:s29+$0x6220]  }
0x217: {  	v14 =	vadd.f32 v26, v14;
	v15 =	vld [tilespmem:s7+$0x6220];
	[tilespmem:s1+$0xFFFFFF80] =	vst v12;
	v12 =	vmul.f32 v6, v7  }
0x218: {  	v33 =	vld [tilespmem:s31+$0xFFFFFEF0];
	v6 =	vpop (erf)  }
0x219: {  	v13 =	vld [tilespmem:s30+$0xFFFFFEF0];
	[tilespmem:s1+$0x90] =	vst v12;
	v14 =	vmul.f32 v6, v14  }
0x21a: {  	v12 =	vld [tilespmem:s30+$0xB0]  }
0x21b: {  	v16 =	vadd.f32 v30, v16;
	[tilespmem:s1+$0x0] =	vst v14;
	v14 =	vld [tilespmem:s31+$0xB0]  }
0x21c: {  	v34 =	vld [tilespmem:s30+$0xFFFFFF80]  }
0x21d: {  	v15 =	vadd.f32 v15, v16;
	v37 =	vld [tilespmem:s20+$0x61F0]  }
0x21e: {  	v35 =	vld [tilespmem:s31+$0xFFFFFF80]  }
0x21f: {  	v16 =	vld [tilespmem:s18+$0x61E0];
	v15 =	vmul.f32 v15, v2  }
0x220: {  	v39 =	vld [tilespmem:s8+$0x61E0];
	v12 =	vadd.f32 v14, v12  }
0x221: {  	[tilespmem:s21+$0xFFFFFFD0] =	vst v15;
	v15 =	vld [tilespmem:s26+$0xFFFFFF40]  }
0x222: {  	v13 =	vadd.f32 v33, v13;
	v36 =	vld [tilespmem:s30+$0x10];
	v12 =	vadd.f32 v37, v12  }
0x223: {  	v18 =	vadd.f32 v32, v31;
	v38 =	vld [tilespmem:s31+$0x10]  }
0x224: {  	v41 =	vld [tilespmem:s28+$0xFFFFFFD0];
	v13 =	vadd.f32 v16, v13;
	v12 =	vmul.f32 v12, v7  }
0x225: {  	v42 =	vadd.f32 v35, v34;
	v14 =	vadd.f32 v17, v18;
	v17 =	vld [tilespmem:s5+$0x61E0]  }
0x226: {  	v56 =	vld [tilespmem:s7+$0x6230];
	v13 =	vmul.f32 v13, v4;
	[tilespmem:s1+$0xA0] =	vst v12  }
0x227: {  	v20 =	vadd.f32 v39, v42;
	v12 =	vld [tilespmem:s30+$0xC0]  }
0x228: {  	[tilespmem:s1+$0xFFFFFF10] =	vst v13;
	v43 =	vadd.f32 v38, v36;
	v44 =	vld [tilespmem:s31+$0xC0]  }
0x229: {  	v20 =	vmul.f32 v20, v5;
	v46 =	vld [tilespmem:s30+$0xFFFFFF00]  }
0x22a: {  	v17 =	vadd.f32 v17, v43;
	v13 =	vld [tilespmem:s20+$0x6200]  }
0x22b: {  	[tilespmem:s1+$0xFFFFFF90] =	vst v20;
	v47 =	vld [tilespmem:s31+$0xFFFFFF00]  }
0x22c: {  	v48 =	vld [tilespmem:s30+$0xFFFFFF90];
	v17 =	vmul.f32 v17, v6  }
0x22d: {  	v51 =	vld [tilespmem:s8+$0x61F0];
	v12 =	vadd.f32 v44, v12  }
0x22e: {  	[tilespmem:s1+$0x10] =	vst v17;
	v17 =	vld [tilespmem:s31+$0xFFFFFF90]  }
0x22f: {  	v14 =	vmul.f32 v14, v3;
	v49 =	vld [tilespmem:s30+$0x20];
	v12 =	vadd.f32 v13, v12  }
0x230: {  	v50 =	vld [tilespmem:s31+$0x20]  }
0x231: {  	[tilespmem:s21+$0x50] =	vst v14;
	v14 =	vld [tilespmem:s26+$0xFFFFFFD0];
	v12 =	vmul.f32 v12, v7  }
0x232: {  	v52 =	vld [tilespmem:s5+$0x61F0]  }
0x233: {  	v13 =	vld [tilespmem:s18+$0x61F0];
	v17 =	vadd.f32 v17, v48;
	[tilespmem:s1+$0xB0] =	vst v12  }
0x234: {  	v12 =	vld [tilespmem:s30+$0xD0]  }
0x235: {  	v21 =	vadd.f32 v50, v49;
	v17 =	vadd.f32 v51, v17;
	v53 =	vld [tilespmem:s31+$0xD0]  }
0x236: {  	v16 =	vld [tilespmem:s28+$0x60];
	v20 =	vadd.f32 v47, v46  }
0x237: {  	v21 =	vadd.f32 v52, v21;
	v17 =	vmul.f32 v17, v5;
	v55 =	vld [tilespmem:s20+$0x6210]  }
0x238: {  	v45 =	vld [tilespmem:s26+$0x60];
	v13 =	vadd.f32 v13, v20  }
0x239: {  	v57 =	vld [tilespmem:s29+$0x6230];
	v58 =	vmul.f32 v21, v6;
	[tilespmem:s1+$0xFFFFFFA0] =	vst v17  }
0x23a: {  	v13 =	vmul.f32 v13, v4;
	v59 =	vld [tilespmem:s30+$0xFFFFFFA0];
	v12 =	vadd.f32 v53, v12  }
0x23b: {  	[tilespmem:s1+$0x20] =	vst v58;
	v60 =	vld [tilespmem:s31+$0xFFFFFFA0]  }
0x23c: {  	v61 =	vld [tilespmem:s30+$0x30];
	[tilespmem:s1+$0xFFFFFF20] =	vst v13;
	v12 =	vadd.f32 v55, v12  }
0x23d: {  	v13 =	vld [tilespmem:s30+$0xFFFFFF10]  }
0x23e: {  	v17 =	vld [tilespmem:s31+$0xFFFFFF10];
	v12 =	vmul.f32 v12, v7  }
0x23f: {  	v15 =	vadd.f32 v15, v40;
	v62 =	vld [tilespmem:s31+$0x30]  }
0x240: {  	v10 =	vadd.f32 v11, v10;
	v11 =	vld [tilespmem:s18+$0x6200];
	[tilespmem:s1+$0xC0] =	vst v12  }
0x241: {  	v12 =	vadd.f32 v14, v41;
	v14 =	vadd.f32 v54, v15;
	v15 =	vld [tilespmem:s30+$0xE0]  }
0x242: {  	v9 =	vadd.f32 v9, v10;
	v10 =	vadd.f32 v45, v16;
	v16 =	vld [tilespmem:s31+$0xE0]  }
0x243: {  	v13 =	vadd.f32 v17, v13;
	v17 =	vld [tilespmem:s8+$0x6200];
	v12 =	vadd.f32 v56, v12;
	v14 =	vmul.f32 v14, v1  }
0x244: {  	v8 =	vmul.f32 v9, v8;
	v9 =	vadd.f32 v57, v10;
	v63 =	vld [tilespmem:s20+$0x6220]  }
0x245: {  	v11 =	vadd.f32 v11, v13;
	[tilespmem:s21+$0xFFFFFF60] =	vst v14;
	v10 =	vmul.f32 v12, v2;
	v12 =	vld [tilespmem:s5+$0x6200]  }
0x246: {  	[tilespmem:s21+$0xF0] =	vst v8;
	v9 =	vmul.f32 v9, v3;
	v14 =	vadd.f32 v60, v59;
	v8 =	vld [tilespmem:s28+$0xFFFFFF50]  }
0x247: {  	v11 =	vmul.f32 v11, v4;
	[tilespmem:s21+$0xFFFFFFE0] =	vst v10;
	v16 =	vadd.f32 v16, v15;
	v10 =	vld [tilespmem:s26+$0xFFFFFF50]  }
0x248: {  	[tilespmem:s21+$0x60] =	vst v9;
	v13 =	vadd.f32 v62, v61;
	v15 =	vadd.f32 v17, v14;
	v9 =	vld [tilespmem:s28+$0xFFFFFFE0]  }
0x249: {  	s19 =	simm.s32 $0x91D0;
	s14 =	simm.s32 $0x3830;
	s13 =	simm.s32 $0xB30;
	[tilespmem:s1+$0xFFFFFF30] =	vst v11;
	v11 =	vld [tilespmem:s26+$0xFFFFFFE0];
	v14 =	vadd.f32 v63, v16  }
.LBB2_6:
0x24a: {  	v16 =	vld [tilespmem:s30+$0xFFFFFF20];
	v15 =	vmul.f32 v15, v5;
	v12 =	vadd.f32 v12, v13;
	s3 =	smov.u32 s17;
	s17 =	sadd.s32 $0x4, s17  }
0x24b: {  	s22 =	sand.u32 $0x4, s17;
	s23 =	sadd.s32 $0x5, s3;
	p1 =	slt.u32 s17, $0x24;
	v13 =	vld [tilespmem:s31+$0xFFFFFF20];
	v14 =	vmul.f32 v14, v7  }
0x24c: {  	s25 =	sadd.s32 $0x6, s3;
	s24 =	smul.u32 $0xA00, s22;
	s23 =	sand.u32 $0x5, s23;
	v17 =	vld [tilespmem:s18+$0x6210];
	[tilespmem:s1+$0xFFFFFFB0] =	vst v15;
	v12 =	vmul.f32 v12, v6;
	v8 =	vadd.f32 v10, v8  }
0x24d: {  	s25 =	sand.u32 $0x6, s25;
	s9 =	smul.u32 $0xA00, s23;
	v10 =	vld [tilespmem:s30+$0xFFFFFFB0];
	[tilespmem:s1+$0xD0] =	vst v14  }
0x24e: {  	s10 =	smul.u32 $0xA00, s25;
	[tilespmem:s1+$0x30] =	vst v12;
	v12 =	vld [tilespmem:s30+$0xF0];
	v9 =	vadd.f32 v11, v9  }
0x24f: {  	s4 =	sshll.u32 s22, $0x4;
	s23 =	sshll.u32 s23, $0x4;
	s2 =	sshll.u32 s25, $0x4;
	v11 =	vld [tilespmem:s31+$0xF0]  }
0x250: {  	s22 =	sshrl.u32 s24, $0x2;
	s9 =	sshrl.u32 s9, $0x2;
	s10 =	sshrl.u32 s10, $0x2;
	v13 =	vadd.f32 v13, v16;
	v14 =	vld [tilespmem:s31+$0xFFFFFFB0]  }
0x251: {  	s0 =	sadd.s32 $0x40, s0;
	s3 =	sadd.s32 $0xFFFFFFFF, s3;
	s30 =	sadd.s32 $0x240, s30;
	v15 =	vld [tilespmem:s20+$0x6230]  }
0x252: {  	s25 =	sand.u32 $0x7, s3;
	s24 =	sand.u32 $0x380, s0;
	s31 =	sadd.s32 $0x240, s31;
	v16 =	vld [tilespmem:s30+$0x110];
	v13 =	vadd.f32 v17, v13  }
0x253: {  	s6 =	sshll.u32 s25, $0x4;
	s3 =	sadd.s32 $0x75D0, s24;
	s22 =	sadd.s32 s24, s22;
	v17 =	vld [tilespmem:s31+$0x110]  }
0x254: {  	s4 =	sadd.s32 s4, s3;
	s12 =	sadd.s32 s23, s3;
	s6 =	sadd.s32 s6, s3;
	v18 =	vld [tilespmem:s30+$0xFFFFFF60];
	v13 =	vmul.f32 v13, v4;
	v11 =	vadd.f32 v11, v12  }
0x255: {  	s23 =	sadd.s32 s24, s9;
	s2 =	sadd.s32 s2, s3;
	s3 =	sadd.s32 s24, s10;
	v12 =	vld [tilespmem:s6+$0x0];
	v10 =	vadd.f32 v14, v10  }
0x256: {  	v14 =	vld [tilespmem:s31+$0xFFFFFF60];
	[tilespmem:s1+$0xFFFFFF40] =	vst v13;
	v11 =	vadd.f32 v15, v11  }
0x257: {  	v13 =	vld [tilespmem:s30+$0xFFFFFFF0]  }
0x258: {  	v15 =	vld [tilespmem:s31+$0xFFFFFFF0];
	v16 =	vadd.f32 v17, v16;
	v11 =	vmul.f32 v11, v7  }
0x259: {  	v17 =	vld [tilespmem:s30+$0x80]  }
0x25a: {  	v19 =	vld [tilespmem:s31+$0x80];
	v12 =	vadd.f32 v12, v16;
	[tilespmem:s1+$0xE0] =	vst v11  }
0x25b: {  	v11 =	vadd.f32 v14, v18;
	v14 =	vld [tilespmem:s13+$0x100]  }
0x25c: {  	v12 =	vsub.f32 $0.0e+00, v12;
	v16 =	vld [tilespmem:s14+$0x100]  }
0x25d: {  	v18 =	vld [tilespmem:s4+$0x0];
	v13 =	vadd.f32 v15, v13  }
0x25e: {  	v12 =	vmul.f32 $1.442695020e+00, v12;
	v15 =	vld [tilespmem:s20+$0x6240]  }
0x25f: {  	v20 =	vld [tilespmem:s12+$0x0];
	v17 =	vadd.f32 v19, v17  }
0x260: {  	v19 =	vld [tilespmem:s2+$0x0];
	(erf) = vpow2.f32 v12  }
0x261: {  	v12 =	vld [tilespmem:s30+$0xFFFFFEE0];
	v14 =	vadd.f32 v16, v14  }
0x262: {  	v11 =	vadd.f32 v18, v11;
	v16 =	vld [tilespmem:s31+$0xFFFFFEE0]  }
0x263: {  	v18 =	vld [tilespmem:s30+$0xFFFFFF70];
	v14 =	vadd.f32 v15, v14  }
0x264: {  	v11 =	vsub.f32 $0.0e+00, v11;
	v13 =	vadd.f32 v20, v13;
	v15 =	vld [tilespmem:s31+$0xFFFFFF70]  }
0x265: {  	v17 =	vadd.f32 v19, v17;
	v19 =	vld [tilespmem:s30+$0x0];
	v7 =	vmul.f32 v14, v7  }
0x266: {  	v11 =	vmul.f32 $1.442695020e+00, v11;
	v13 =	vsub.f32 $0.0e+00, v13;
	v14 =	vld [tilespmem:s31+$0x0]  }
0x267: {  	v12 =	vadd.f32 v16, v12;
	v16 =	vld [tilespmem:s22+$0x61D0];
	v17 =	vsub.f32 $0.0e+00, v17;
	[tilespmem:s1+$0xF0] =	vst v7  }
0x268: {  	v7 =	vmul.f32 $1.442695020e+00, v13;
	v13 =	vld [tilespmem:s23+$0x61D0];
	(erf) = vpow2.f32 v11  }
0x269: {  	v11 =	vadd.f32 v15, v18;
	v15 =	vmul.f32 $1.442695020e+00, v17;
	v17 =	vld [tilespmem:s3+$0x61D0];
	v18 =	vpop (erf)  }
0x26a: {  	v18 =	vadd.f32 $1.000000000e+00, v18;
	(erf) = vpow2.f32 v7;
	v7 =	vld [tilespmem:s13+$0x40]  }
0x26b: {  	s2 =	smul.u32 $0xA00, s25;
	v14 =	vadd.f32 v14, v19;
	(erf) = vpow2.f32 v15;
	v15 =	vld [tilespmem:s14+$0x40]  }
0x26c: {  	v12 =	vadd.f32 v16, v12;
	v16 =	vld [tilespmem:s30+$0x90];
	(erf) = vrcp.f32 v18  }
0x26d: {  	s2 =	sshrl.u32 s2, $0x2;
	v11 =	vadd.f32 v13, v11;
	v13 =	vld [tilespmem:s31+$0x90]  }
0x26e: {  	s20 =	sadd.s32 s24, s2;
	v14 =	vadd.f32 v17, v14;
	v17 =	vld [tilespmem:s8+$0x6210]  }
0x26f: {  	v18 =	vld [tilespmem:s20+$0x61D0]  }
0x270: {  	v15 =	vadd.f32 v15, v7;
	v19 =	vld [tilespmem:s5+$0x6210]  }
0x271: {  	v7 =	vpop (erf);
	v20 =	vld [tilespmem:s13+$0xFFFFFF30]  }
0x272: {  	v23 =	vadd.f32 $1.000000000e+00, v7;
	v13 =	vadd.f32 v13, v16;
	v16 =	vld [tilespmem:s14+$0xFFFFFF30]  }
0x273: {  	v21 =	vpop (erf);
	v22 =	vld [tilespmem:s18+$0x6220];
	v10 =	vadd.f32 v17, v10  }
0x274: {  	v17 =	vadd.f32 $1.000000000e+00, v21;
	v13 =	vadd.f32 v18, v13;
	(erf) = vrcp.f32 v23;
	v7 =	vpop (erf);
	v18 =	vld [tilespmem:s28+$0x70];
	s28 =	smov.u32 s13;
	s13 =	smov.u32 s30  }
0x275: {  	v21 =	vadd.f32 $1.000000000e+00, v7;
	v7 =	vpop (erf);
	v10 =	vmul.f32 v10, v5;
	v15 =	vadd.f32 v19, v15;
	v19 =	vld [tilespmem:s26+$0x70];
	s26 =	smov.u32 s14;
	s14 =	smov.u32 s31  }
0x276: {  	v13 =	vmul.f32 v7, v13;
	(erf) = vrcp.f32 v17;
	v17 =	vld [tilespmem:s15+$0x6240];
	s15 =	smov.u32 s18;
	s18 =	smov.u32 s22  }
0x277: {  	s1 =	sadd.s32 $0x200, s1;
	(erf) = vrcp.f32 v21;
	v16 =	vadd.f32 v16, v20;
	[tilespmem:s19+$0xFFFFFFC0] =	vst v10;
	v10 =	vmul.f32 v15, v6;
	v15 =	vld [tilespmem:s7+$0x6240];
	s7 =	smov.u32 s8;
	s8 =	smov.u32 s23  }
0x278: {  	[tilespmem:s1+$0x80] =	vst v13;
	v13 =	vld [tilespmem:s28+$0xFFFFFFC0]  }
0x279: {  	v20 =	vld [tilespmem:s30+$0xA0];
	v16 =	vadd.f32 v22, v16;
	[tilespmem:s19+$0x40] =	vst v10  }
0x27a: {  	v21 =	vld [tilespmem:s31+$0xA0];
	v10 =	vadd.f32 v19, v18  }
0x27b: {  	v16 =	vmul.f32 v16, v4;
	v18 =	vld [tilespmem:s26+$0xFFFFFFC0];
	v8 =	vadd.f32 v17, v8  }
0x27c: {  	v17 =	vld [tilespmem:s20+$0x61E0];
	v9 =	vadd.f32 v15, v9  }
0x27d: {  	[tilespmem:s19+$0xFFFFFF50] =	vst v16;
	v15 =	vld [tilespmem:s28+$0x50];
	v22 =	vmul.f32 v8, v1;
	v1 =	vmov v4;
	v4 =	vpop (erf)  }
0x27e: {  	v12 =	vmul.f32 v4, v12;
	v16 =	vld [tilespmem:s26+$0x50];
	v9 =	vmul.f32 v9, v2;
	v2 =	vmov v5  }
0x27f: {  	v19 =	vadd.f32 v21, v20;
	v5 =	vpop (erf);
	v20 =	vld [tilespmem:s7+$0x6220];
	[tilespmem:s21+$0xFFFFFF70] =	vst v22  }
0x280: {  	[tilespmem:s1+$0xFFFFFF00] =	vst v12;
	v11 =	vmul.f32 v5, v11;
	v8 =	vpop (erf);
	v12 =	vadd.f32 v18, v13;
	v13 =	vld [tilespmem:s5+$0x6220]  }
0x281: {  	v18 =	vld [tilespmem:s30+$0xFFFFFEF0];
	v14 =	vmul.f32 v8, v14;
	v17 =	vadd.f32 v17, v19;
	[tilespmem:s21+$0xFFFFFFF0] =	vst v9  }
0x282: {  	v9 =	vld [tilespmem:s31+$0xFFFFFEF0];
	[tilespmem:s1+$0xFFFFFF80] =	vst v11  }
0x283: {  	v11 =	vld [tilespmem:s30+$0xFFFFFF80];
	[tilespmem:s1+$0x0] =	vst v14;
	v14 =	vmul.f32 v17, v7;
	v15 =	vadd.f32 v16, v15  }
0x284: {  	v16 =	vld [tilespmem:s31+$0xFFFFFF80];
	v12 =	vadd.f32 v20, v12  }
0x285: {  	v17 =	vld [tilespmem:s30+$0x10];
	[tilespmem:s1+$0x90] =	vst v14;
	v13 =	vadd.f32 v13, v15  }
0x286: {  	v14 =	vld [tilespmem:s30+$0xB0];
	v12 =	vmul.f32 v12, v2  }
0x287: {  	v9 =	vadd.f32 v9, v18;
	v15 =	vld [tilespmem:s31+$0xB0];
	v13 =	vmul.f32 v13, v6  }
0x288: {  	v18 =	vld [tilespmem:s31+$0x10];
	[tilespmem:s19+$0xFFFFFFD0] =	vst v12  }
0x289: {  	v11 =	vadd.f32 v16, v11;
	v12 =	vld [tilespmem:s20+$0x61F0];
	[tilespmem:s19+$0x50] =	vst v13  }
0x28a: {  	v13 =	vld [tilespmem:s18+$0x61E0]  }
0x28b: {  	v16 =	vld [tilespmem:s8+$0x61E0]  }
0x28c: {  	v19 =	vld [tilespmem:s3+$0x61E0];
	v14 =	vadd.f32 v15, v14  }
0x28d: {  	v15 =	vadd.f32 v18, v17;
	v17 =	vld [tilespmem:s28+$0xFFFFFF40]  }
0x28e: {  	v12 =	vadd.f32 v12, v14;
	v14 =	vld [tilespmem:s26+$0xFFFFFF40]  }
0x28f: {  	v9 =	vadd.f32 v13, v9;
	v13 =	vld [tilespmem:s28+$0xFFFFFFD0]  }
0x290: {  	v11 =	vadd.f32 v16, v11;
	v12 =	vmul.f32 v12, v7;
	v16 =	vld [tilespmem:s26+$0xFFFFFFD0]  }
0x291: {  	v9 =	vmul.f32 v9, v4;
	v15 =	vadd.f32 v19, v15;
	v18 =	vld [tilespmem:s28+$0x60]  }
0x292: {  	v11 =	vmul.f32 v11, v5;
	[tilespmem:s1+$0xA0] =	vst v12;
	v12 =	vld [tilespmem:s26+$0x60]  }
0x293: {  	[tilespmem:s1+$0xFFFFFF10] =	vst v9;
	v9 =	vmul.f32 v15, v8;
	v15 =	vld [tilespmem:s30+$0xC0];
	v14 =	vadd.f32 v14, v17  }
0x294: {  	[tilespmem:s1+$0xFFFFFF90] =	vst v11;
	v11 =	vld [tilespmem:s31+$0xC0]  }
0x295: {  	v17 =	vld [tilespmem:s30+$0xFFFFFF00];
	[tilespmem:s1+$0x10] =	vst v9;
	v9 =	vadd.f32 v16, v13  }
0x296: {  	v13 =	vld [tilespmem:s20+$0x6200]  }
0x297: {  	v16 =	vld [tilespmem:s31+$0xFFFFFF00];
	v12 =	vadd.f32 v12, v18  }
0x298: {  	v18 =	vld [tilespmem:s30+$0xFFFFFF90]  }
0x299: {  	v19 =	vld [tilespmem:s31+$0xFFFFFF90];
	v11 =	vadd.f32 v11, v15  }
0x29a: {  	v15 =	vld [tilespmem:s30+$0x20]  }
0x29b: {  	v20 =	vld [tilespmem:s31+$0x20];
	v11 =	vadd.f32 v13, v11  }
0x29c: {  	v13 =	vadd.f32 v16, v17;
	v16 =	vld [tilespmem:s18+$0x61F0]  }
0x29d: {  	v17 =	vld [tilespmem:s8+$0x61F0];
	v11 =	vmul.f32 v11, v7  }
0x29e: {  	v18 =	vadd.f32 v19, v18;
	v19 =	vld [tilespmem:s3+$0x61F0]  }
0x29f: {  	[tilespmem:s1+$0xB0] =	vst v11;
	v11 =	vld [tilespmem:s15+$0x6230]  }
0x2a0: {  	v15 =	vadd.f32 v20, v15;
	v20 =	vld [tilespmem:s30+$0xD0]  }
0x2a1: {  	v13 =	vadd.f32 v16, v13;
	v16 =	vld [tilespmem:s31+$0xD0]  }
0x2a2: {  	v17 =	vadd.f32 v17, v18;
	v18 =	vld [tilespmem:s7+$0x6230]  }
0x2a3: {  	v13 =	vmul.f32 v13, v4;
	v15 =	vadd.f32 v19, v15;
	v19 =	vld [tilespmem:s20+$0x6210]  }
0x2a4: {  	v17 =	vmul.f32 v17, v5;
	v11 =	vadd.f32 v11, v14;
	v14 =	vld [tilespmem:s5+$0x6230]  }
0x2a5: {  	[tilespmem:s1+$0xFFFFFF20] =	vst v13;
	v13 =	vmul.f32 v15, v8;
	v15 =	vld [tilespmem:s29+$0x6240];
	s29 =	smov.u32 s5;
	s5 =	smov.u32 s3  }
0x2a6: {  	v21 =	vld [tilespmem:s30+$0xFFFFFF10];
	[tilespmem:s1+$0xFFFFFFA0] =	vst v17;
	v16 =	vadd.f32 v16, v20;
	v11 =	vmul.f32 v11, v1  }
0x2a7: {  	v17 =	vld [tilespmem:s31+$0xFFFFFF10];
	[tilespmem:s1+$0x20] =	vst v13;
	v9 =	vadd.f32 v18, v9  }
0x2a8: {  	v13 =	vld [tilespmem:s30+$0xFFFFFFA0];
	v16 =	vadd.f32 v19, v16;
	[tilespmem:s19+$0xFFFFFF60] =	vst v11  }
0x2a9: {  	v11 =	vld [tilespmem:s31+$0xFFFFFFA0];
	v9 =	vmul.f32 v9, v2;
	v12 =	vadd.f32 v14, v12  }
0x2aa: {  	v14 =	vld [tilespmem:s30+$0x30];
	v16 =	vmul.f32 v16, v7;
	v10 =	vadd.f32 v15, v10  }
0x2ab: {  	v15 =	vld [tilespmem:s31+$0x30];
	[tilespmem:s19+$0xFFFFFFE0] =	vst v9;
	v9 =	vmul.f32 v12, v6  }
0x2ac: {  	v12 =	vadd.f32 v17, v21;
	v17 =	vld [tilespmem:s18+$0x6200];
	[tilespmem:s1+$0xC0] =	vst v16;
	v10 =	vmul.f32 v10, v3;
	v3 =	vmovc v6;
	v6 =	vmov v8  }
0x2ad: {  	v16 =	vld [tilespmem:s30+$0xE0];
	[tilespmem:s19+$0x60] =	vst v9  }
0x2ae: {  	v9 =	vadd.f32 v11, v13;
	v11 =	vld [tilespmem:s31+$0xE0];
	[tilespmem:s21+$0x70] =	vst v10;
	s21 =	smov.u32 s19;
	s19 =	smov.u32 s1  }
0x2af: {  	v18 =	vld [tilespmem:s8+$0x6200]  }
0x2b0: {  	v13 =	vadd.f32 v15, v14;
	v14 =	vld [tilespmem:s20+$0x6220]  }
.Ltmp7:
0x2b1: {  	v10 =	vadd.f32 v17, v12;
	v12 =	vld [tilespmem:s5+$0x6200];
	(pc) =	sbr.rel @p1 .LBB2_6-.Ltmp7, $4  }
0x2b2: {  	v8 =	vld [tilespmem:s28+$0xFFFFFF50]  }
0x2b3: {  	v17 =	vmul.f32 v10, v4;
	v11 =	vadd.f32 v11, v16;
	v10 =	vld [tilespmem:s26+$0xFFFFFF50]  }
0x2b4: {  	v15 =	vadd.f32 v18, v9;
	v9 =	vld [tilespmem:s28+$0xFFFFFFE0]  }
0x2b5: {  	[tilespmem:s1+$0xFFFFFF30] =	vst v17;
	v14 =	vadd.f32 v14, v11;
	v11 =	vld [tilespmem:s26+$0xFFFFFFE0]  }
0x2b6: {  	v16 =	vld [tilespmem:s30+$0xFFFFFF20];
	v15 =	vmul.f32 v15, v5  }
0x2b7: {  	v12 =	vadd.f32 v12, v13;
	v56 =	vld [tilespmem:s31+$0xFFFFFF20]  }
0x2b8: {  	v17 =	vld [tilespmem:s18+$0x6210];
	[tilespmem:s1+$0xFFFFFFB0] =	vst v15  }
0x2b9: {  	v12 =	vmul.f32 v12, v6;
	v15 =	vld [tilespmem:s30+$0xFFFFFFB0]  }
0x2ba: {  	v57 =	vld [tilespmem:s31+$0xFFFFFFB0]  }
0x2bb: {  	v58 =	vld [tilespmem:s8+$0x6210];
	[tilespmem:s1+$0x30] =	vst v12  }
0x2bc: {  	v18 =	vld [tilespmem:s13+$0x40];
	v13 =	vadd.f32 v56, v16  }
0x2bd: {  	v19 =	vld [tilespmem:s14+$0x40]  }
0x2be: {  	v13 =	vadd.f32 v17, v13  }
0x2bf: {  	v59 =	vld [tilespmem:s5+$0x6210];
	v12 =	vadd.f32 v57, v15  }
0x2c0: {  	v13 =	vmul.f32 v13, v4  }
0x2c1: {  	v23 =	vld [tilespmem:s28+$0x70];
	v12 =	vadd.f32 v58, v12  }
0x2c2: {  	v42 =	vld [tilespmem:s26+$0x70];
	v18 =	vadd.f32 v19, v18;
	[tilespmem:s1+$0xFFFFFF40] =	vst v13  }
0x2c3: {  	v13 =	vld [tilespmem:s13+$0xFFFFFF30];
	v12 =	vmul.f32 v12, v5  }
0x2c4: {  	v17 =	vadd.f32 v59, v18;
	v62 =	vld [tilespmem:s14+$0xFFFFFF30]  }
0x2c5: {  	v63 =	vld [tilespmem:s18+$0x6220];
	[tilespmem:s19+$0xFFFFFFC0] =	vst v12  }
0x2c6: {  	v24 =	vmul.f32 v17, v6;
	v25 =	vld [tilespmem:s13+$0xFFFFFFC0]  }
0x2c7: {  	v26 =	vld [tilespmem:s14+$0xFFFFFFC0]  }
0x2c8: {  	v21 =	vld [tilespmem:s8+$0x6220];
	[tilespmem:s19+$0x40] =	vst v24  }
0x2c9: {  	v20 =	vld [tilespmem:s13+$0x50];
	v13 =	vadd.f32 v62, v13  }
0x2ca: {  	v14 =	vmul.f32 v14, v7;
	v27 =	vld [tilespmem:s14+$0x50]  }
0x2cb: {  	v43 =	vld [tilespmem:s15+$0x6240];
	v13 =	vadd.f32 v63, v13  }
0x2cc: {  	[tilespmem:s1+$0xD0] =	vst v14;
	v28 =	vld [tilespmem:s5+$0x6220];
	v12 =	vadd.f32 v26, v25  }
0x2cd: {  	v14 =	vld [tilespmem:s30+$0xF0];
	v13 =	vmul.f32 v13, v4  }
0x2ce: {  	v60 =	vld [tilespmem:s31+$0xF0];
	v12 =	vadd.f32 v21, v12  }
0x2cf: {  	v61 =	vld [tilespmem:s20+$0x6230];
	v29 =	vadd.f32 v27, v20;
	[tilespmem:s19+$0xFFFFFF50] =	vst v13  }
0x2d0: {  	v12 =	vmul.f32 v12, v5;
	v33 =	vld [tilespmem:s13+$0xFFFFFF40]  }
0x2d1: {  	v32 =	vadd.f32 v28, v29;
	v34 =	vld [tilespmem:s14+$0xFFFFFF40]  }
0x2d2: {  	v38 =	vld [tilespmem:s18+$0x6230];
	[tilespmem:s19+$0xFFFFFFD0] =	vst v12  }
0x2d3: {  	v13 =	vmul.f32 v32, v6;
	v35 =	vld [tilespmem:s13+$0xFFFFFFD0]  }
0x2d4: {  	v14 =	vadd.f32 v60, v14;
	v36 =	vld [tilespmem:s14+$0xFFFFFFD0]  }
0x2d5: {  	v40 =	vld [tilespmem:s8+$0x6230];
	[tilespmem:s19+$0x50] =	vst v13  }
0x2d6: {  	v14 =	vadd.f32 v61, v14;
	v37 =	vld [tilespmem:s13+$0x60]  }
0x2d7: {  	v39 =	vld [tilespmem:s14+$0x60];
	v12 =	vadd.f32 v34, v33  }
0x2d8: {  	v44 =	vld [tilespmem:s7+$0x6240];
	v14 =	vmul.f32 v14, v7  }
0x2d9: {  	v41 =	vld [tilespmem:s5+$0x6230];
	v12 =	vadd.f32 v38, v12  }
0x2da: {  	v45 =	vld [tilespmem:s29+$0x6240];
	[tilespmem:s1+$0xE0] =	vst v14;
	v13 =	vadd.f32 v36, v35  }
0x2db: {  	v30 =	vld [tilespmem:s13+$0x100];
	v12 =	vmul.f32 v12, v4  }
0x2dc: {  	v31 =	vld [tilespmem:s14+$0x100];
	v18 =	vadd.f32 v39, v37;
	v13 =	vadd.f32 v40, v13  }
0x2dd: {  	v22 =	vld [tilespmem:s20+$0x6240];
	[tilespmem:s19+$0xFFFFFF60] =	vst v12  }
0x2de: {  	v46 =	vmul.f32 v13, v5;
	v47 =	vadd.f32 v41, v18;
	v48 =	vld [tilespmem:s13+$0xFFFFFF50]  }
0x2df: {  	v50 =	vld [tilespmem:s14+$0xFFFFFF50]  }
0x2e0: {  	v54 =	vld [tilespmem:s18+$0x6240];
	[tilespmem:s19+$0xFFFFFFE0] =	vst v46;
	v49 =	vmul.f32 v47, v6  }
0x2e1: {  	v8 =	vadd.f32 v10, v8;
	v51 =	vld [tilespmem:s13+$0xFFFFFFE0]  }
0x2e2: {  	v9 =	vadd.f32 v11, v9;
	v52 =	vld [tilespmem:s14+$0xFFFFFFE0];
	[tilespmem:s19+$0x60] =	vst v49  }
0x2e3: {  	v16 =	vadd.f32 v42, v23;
	v8 =	vadd.f32 v43, v8;
	v24 =	vld [tilespmem:s13+$0x70]  }
0x2e4: {  	v9 =	vadd.f32 v44, v9;
	v15 =	vadd.f32 v31, v30;
	v53 =	vld [tilespmem:s14+$0x70]  }
0x2e5: {  	v1 =	vmul.f32 v8, v1;
	v60 =	vadd.f32 v45, v16;
	v56 =	vld [tilespmem:s8+$0x6240]  }
0x2e6: {  	v2 =	vmul.f32 v9, v2;
	v55 =	vadd.f32 v22, v15;
	v57 =	vld [tilespmem:s5+$0x6240]  }
0x2e7: {  	[tilespmem:s21+$0xFFFFFF70] =	vst v1;
	v1 =	vmul.f32 v60, v3;
	v59 =	vadd.f32 v50, v48  }
0x2e8: {  	[tilespmem:s21+$0xFFFFFFF0] =	vst v2;
	v58 =	vmul.f32 v55, v7;
	v12 =	vadd.f32 v52, v51  }
0x2e9: {  	[tilespmem:s21+$0x70] =	vst v1;
	v62 =	vadd.f32 v54, v59;
	v61 =	vadd.f32 v53, v24  }
0x2ea: {  	[tilespmem:s1+$0xF0] =	vst v58;
	v3 =	vadd.f32 v56, v12  }
0x2eb: {  	s0 =	rddreg [dreg:$0x18];
	v2 =	vmul.f32 v62, v4;
	v63 =	vadd.f32 v57, v61  }
0x2ec: {  	s26 =	smul.u32 $0x140, s11;
	s0 =	sadd.s32 s0, s16;
	v1 =	vmul.f32 v3, v5  }
0x2ed: {  	s25 =	rddreg [dreg:$0x2];
	s0 =	smul.u32 $0x280, s0;
	[tilespmem:s19+$0xFFFFFF70] =	vst v2;
	v2 =	vmul.f32 v63, v6  }
0x2ee: {  	s2 =	simm.s32 $0x0;
	s3 =	simm.s32 $0x8ED0;
	s29 =	rddreg [dreg:$0x3];
	[tilespmem:s19+$0xFFFFFFF0] =	vst v1  }
0x2ef: {  	s28 =	sshra.s32 s26, $0x2;
	s30 =	simm.s32 $0x28;
	s0 =	sadd.s32 s25, s0;
	[tilespmem:s19+$0x70] =	vst v2  }
0x2f0: {  	[hbm4b:s0+s2] =	stream.linear.scatter [tilespmem:s3], [sflag:$0x4], $0x1400, $0x38;
	[tilespmem:$0x1F6D0] =	vst v63  }
.Ltmp8:
0x2f1: {  	s31 =	simm.s32 $0x7;
	s0 =	sadd.s32 $0x3E8, s28;
	(pc) =	sbr.rel @p0 .LBB2_11-.Ltmp8, $4  }
0x2f2: {  	[spmem:s29] =	stream.indirect.scatter.add.f32 [tilespmem:s3], [sflag:$0x7], $0x80, s0, s30, $0xb8;
	[tilespmem:$0x1F6D0] =	vst v63  }
0x2f3: {  	_ =	swait.ge [sflag:s31], $0x1400  }
0x2f4: {  	[sflag:s31] =	ssyncset.done $0x0  }
0x2f5: {  	[sflag:s31] =	ssyncadd.s32 $0xFFFFEC00  }
0x2f6: {  	s0 =	sld [smem:$0x7ED];
	_ =	sdelay $0x1  }
0x2f7: {  	s25 =	sld [smem:$0x7F0]  }
0x2f8: {  	s0 =	sadd.s32 $0x2, s0  }
0x2f9: {  	s2 =	rddreg [dreg:$0x15];
	s3 =	simm.s32 $0x28;
	s1 =	smul.u32 $0x28, s0  }
0x2fa: {  	s4 =	simm.s32 $0x7D0;
	s26 =	rddreg [dreg:$0x16];
	s0 =	sadd.s32 s25, s0  }
0x2fb: {  	[tilespmem:s4], [sflag:$0x2] =	stream.indirect.gather [hbm4b:s2+s3], $0x90, s1, s3, $0xb8;
	[tilespmem:$0x1F6D0] =	vst v63  }
0x2fc: {  	s31 =	simm.s32 $0x34D0;
	s0 =	smul.u32 $0x50, s0;
	s1 =	sadd.s32 $0x3E8, s1  }
0x2fd: {  	[tilespmem:s31], [sflag:$0x2] =	stream.indirect.gather [hbm4b:s26+s3], $0x90, s1, s3, $0xb8;
	[tilespmem:$0x1F6D0] =	vst v63  }
0x2fe: {  	s5 =	simm.s32 $0x4E2000;
	s6 =	simm.s32 $0x61D0;
	s3 =	rddreg [dreg:$0x17]  }
0x2ff: {  	s7 =	simm.s32 $0x3;
	s4 =	simm.s32 $0x280;
	s0 =	sadd.s32 s3, s0  }
0x300: {  	[tilespmem:s6], [sflag:$0x2] =	stream.strided.gather [hbm4b:s0+s4], $0x1680, s5, s4, $0x38;
	[tilespmem:$0x1F6D0] =	vst v63  }
0x301: {  	_ =	swait.ge [sflag:s7], $0x1680  }
0x302: {  	[sflag:s7] =	ssyncset.done $0x0  }
0x303: {  	[sflag:s7] =	ssyncadd.s32 $0xFFFFE980  }
0x304: {  	_ =	swait.ge [sflag:s7], $0x1680  }
0x305: {  	s8 =	sld [smem:$0x7EF]  }
0x306: {  	s9 =	sld [smem:$0x7EC]  }
0x307: {  	[sflag:s7] =	ssyncset.done $0x0  }
0x308: {  	[sflag:s7] =	ssyncadd.s32 $0xFFFFE980  }
0x309: {  	_ =	swait.ge [sflag:s7], $0x1680;
	s1 =	sadd.s32 s8, s9  }
0x30a: {  	[sflag:s7] =	ssyncset.done $0x0;
	p0 =	slt.u32 s1, $0x2  }
0x30b: {  	[smem:$0x7EB] =	sst s1;
	[sflag:s7] =	ssyncadd.s32 $0xFFFFE980;
	s0 =	simm.s32 @!p0 $0x5  }
0x30c: {  	_ =	swait.ge @!p0 [sflag:s0], $0x1400  }
0x30d: {  	s10 =	simm.s32 $0x0;
	[sflag:s0] =	ssyncset.done @!p0 $0x0  }
0x30e: {  	s12 =	simm.s32 $0xFFFFFFFB;
	s26 =	simm.s32 $0x1F70;
	[sflag:s0] =	ssyncadd.s32 @!p0 $0xFFFFEC00  }
0x30f: {  	s16 =	simm.s32 $0x4C70;
	s1 =	sand.u32 $0x7, s12;
	s0 =	sand.u32 $0x380, s10;
	v1 =	vld [tilespmem:s26+$0x110]  }
0x310: {  	s14 =	sshll.u32 s1, $0x4;
	s13 =	sor.u32 $0x8C50, s0;
	v2 =	vld [tilespmem:s16+$0x110]  }
0x311: {  	s3 =	sadd.s32 s14, s13  }
0x312: {  	v3 =	vld [tilespmem:s3+$0x0];
	_ =	sdelay $0x1  }
0x313: {  	v4 =	vld [tilespmem:s26+$0xFFFFFF60]  }
0x314: {  	v5 =	vld [tilespmem:s26+$0xFFFFFFF0];
	v1 =	vadd.f32 v2, v1  }
0x315: {  	s15 =	simm.s32 $0x0;
	v6 =	vld [tilespmem:s26+$0x80]  }
0x316: {  	s19 =	simm.s32 $0x2;
	s17 =	sand.u32 $0x4, s15;
	v7 =	vld [tilespmem:s16+$0x80];
	v1 =	vadd.f32 v3, v1  }
0x317: {  	s18 =	simm.s32 $0x1;
	s7 =	sshll.u32 s17, $0x4;
	s3 =	sand.u32 $0x6, s19;
	v2 =	vld [tilespmem:s16+$0xFFFFFF60]  }
0x318: {  	s5 =	sand.u32 $0x5, s18;
	s7 =	sadd.s32 s7, s13;
	s9 =	sshll.u32 s3, $0x4;
	v3 =	vld [tilespmem:s16+$0xFFFFFFF0];
	v1 =	vsub.f32 $0.0e+00, v1  }
0x319: {  	s8 =	sshll.u32 s5, $0x4;
	v8 =	vld [tilespmem:s7+$0x0];
	s2 =	sadd.s32 s9, s13  }
0x31a: {  	s8 =	sadd.s32 s8, s13;
	v10 =	vld [tilespmem:s2+$0x0];
	v1 =	vmul.f32 $1.442695020e+00, v1  }
0x31b: {  	v9 =	vld [tilespmem:s8+$0x0]  }
0x31c: {  	(erf) = vpow2.f32 v1;
	v1 =	vadd.f32 v2, v4  }
0x31d: {  	v2 =	vadd.f32 v3, v5;
	v3 =	vadd.f32 v7, v6;
	_ =	sdelay $0x1  }
0x31e: {  	v1 =	vadd.f32 v8, v1;
	v3 =	vadd.f32 v10, v3  }
0x31f: {  	v2 =	vadd.f32 v9, v2  }
0x320: {  	v1 =	vsub.f32 $0.0e+00, v1;
	v3 =	vsub.f32 $0.0e+00, v3  }
0x321: {  	v2 =	vsub.f32 $0.0e+00, v2  }
0x322: {  	v1 =	vmul.f32 $1.442695020e+00, v1  }
0x323: {  	v2 =	vmul.f32 $1.442695020e+00, v2  }
0x324: {  	(erf) = vpow2.f32 v1;
	v1 =	vmul.f32 $1.442695020e+00, v3;
	v3 =	vpop (erf)  }
0x325: {  	(erf) = vpow2.f32 v2;
	v3 =	vadd.f32 $1.000000000e+00, v3  }
0x326: {  	s1 =	smul.u32 $0xA00, s1;
	(erf) = vpow2.f32 v1  }
0x327: {  	v2 =	vld [tilespmem:s16+$0x90];
	(erf) = vrcp.f32 v3  }
0x328: {  	s1 =	sshrl.u32 s1, $0x2;
	v1 =	vld [tilespmem:s26+$0x90]  }
0x329: {  	s1 =	sadd.s32 s0, s1  }
0x32a: {  	v3 =	vld [tilespmem:s1+$0x7850];
	_ =	sdelay $0x2  }
0x32b: {  	v1 =	vadd.f32 v2, v1;
	v4 =	vpop (erf)  }
0x32c: {  	v2 =	vpop (erf)  }
0x32d: {  	v1 =	vadd.f32 v3, v1;
	v3 =	vpop (erf)  }
0x32e: {  	v8 =	vpop (erf)  }
0x32f: {  	v1 =	vmul.f32 v8, v1  }
0x330: {  	s21 =	simm.s32 $0xA3D0  }
0x331: {  	[tilespmem:s21+$0x80] =	vst v1  }
0x332: {  	v1 =	vld [tilespmem:s26+$0xA0]  }
0x333: {  	v5 =	vld [tilespmem:s16+$0xA0];
	_ =	sdelay $0x1  }
0x334: {  	v6 =	vld [tilespmem:s1+$0x7860]  }
0x335: {  	s20 =	smul.u32 $0xA00, s17;
	v4 =	vadd.f32 $1.000000000e+00, v4  }
0x336: {  	v7 =	vld [tilespmem:s26+$0xFFFFFEE0]  }
0x337: {  	s2 =	sshrl.u32 s20, $0x2;
	v2 =	vadd.f32 $1.000000000e+00, v2;
	(erf) = vrcp.f32 v4;
	v4 =	vld [tilespmem:s26+$0xFFFFFF70];
	v1 =	vadd.f32 v5, v1  }
0x338: {  	s15 =	sadd.s32 s0, s2;
	v5 =	vld [tilespmem:s16+$0xFFFFFEE0]  }
0x339: {  	s22 =	smul.u32 $0xA00, s5;
	(erf) = vrcp.f32 v2;
	v2 =	vld [tilespmem:s15+$0x7850];
	v1 =	vadd.f32 v6, v1  }
0x33a: {  	v6 =	vld [tilespmem:s16+$0xFFFFFF70]  }
0x33b: {  	s23 =	sshrl.u32 s22, $0x2;
	v1 =	vmul.f32 v1, v8  }
0x33c: {  	s7 =	sadd.s32 s0, s23  }
0x33d: {  	v9 =	vld [tilespmem:s7+$0x7850];
	[tilespmem:s21+$0x90] =	vst v1;
	v1 =	vadd.f32 v5, v7  }
0x33e: {  	v5 =	vld [tilespmem:s26+$0xB0]  }
0x33f: {  	v4 =	vadd.f32 v6, v4;
	v6 =	vld [tilespmem:s16+$0xB0];
	v2 =	vadd.f32 v2, v1  }
0x340: {  	v3 =	vadd.f32 $1.000000000e+00, v3  }
0x341: {  	s24 =	smul.u32 $0xA00, s3;
	v7 =	vld [tilespmem:s1+$0x7870];
	v1 =	vpop (erf)  }
0x342: {  	v10 =	vld [tilespmem:s26+$0x0];
	v4 =	vadd.f32 v9, v4;
	(erf) = vrcp.f32 v3;
	v3 =	vmul.f32 v1, v2  }
0x343: {  	s2 =	sshrl.u32 s24, $0x2;
	v9 =	vld [tilespmem:s16+$0x0];
	v2 =	vpop (erf)  }
0x344: {  	s28 =	sadd.s32 s0, s2;
	[tilespmem:s21+$0xFFFFFF00] =	vst v3;
	v3 =	vmul.f32 v2, v4;
	v4 =	vadd.f32 v6, v5  }
0x345: {  	v11 =	vld [tilespmem:s28+$0x7850]  }
0x346: {  	v5 =	vld [tilespmem:s26+$0xFFFFFEF0];
	[tilespmem:s21+$0xFFFFFF80] =	vst v3;
	v3 =	vadd.f32 v7, v4  }
0x347: {  	v6 =	vld [tilespmem:s16+$0xFFFFFEF0]  }
0x348: {  	v7 =	vadd.f32 v9, v10;
	v10 =	vld [tilespmem:s15+$0x7860];
	v3 =	vmul.f32 v3, v8  }
0x349: {  	v4 =	vld [tilespmem:s26+$0xFFFFFF80]  }
0x34a: {  	v9 =	vld [tilespmem:s16+$0xFFFFFF80]  }
0x34b: {  	v7 =	vadd.f32 v11, v7;
	v11 =	vld [tilespmem:s7+$0x7860];
	[tilespmem:s21+$0xA0] =	vst v3  }
0x34c: {  	v12 =	vld [tilespmem:s26+$0xC0];
	v3 =	vpop (erf)  }
0x34d: {  	v5 =	vadd.f32 v6, v5;
	v6 =	vld [tilespmem:s16+$0xC0];
	v7 =	vmul.f32 v3, v7;
	_ =	sdelay $0x1  }
0x34e: {  	v4 =	vadd.f32 v9, v4;
	v5 =	vadd.f32 v10, v5;
	[tilespmem:s21+$0x0] =	vst v7;
	v7 =	vld [tilespmem:s1+$0x7880]  }
0x34f: {  	v9 =	vld [tilespmem:s26+$0x10]  }
0x350: {  	v4 =	vadd.f32 v11, v4;
	v5 =	vmul.f32 v5, v1;
	v10 =	vld [tilespmem:s16+$0x10]  }
0x351: {  	v6 =	vadd.f32 v6, v12  }
0x352: {  	v11 =	vld [tilespmem:s28+$0x7860];
	v4 =	vmul.f32 v4, v2;
	[tilespmem:s21+$0xFFFFFF10] =	vst v5  }
0x353: {  	v5 =	vld [tilespmem:s26+$0xFFFFFF00];
	v6 =	vadd.f32 v7, v6  }
0x354: {  	[tilespmem:s21+$0xFFFFFF90] =	vst v4;
	v4 =	vld [tilespmem:s16+$0xFFFFFF00]  }
0x355: {  	v7 =	vadd.f32 v10, v9;
	v9 =	vld [tilespmem:s26+$0xFFFFFF90];
	v6 =	vmul.f32 v6, v8  }
0x356: {  	v10 =	vld [tilespmem:s15+$0x7870]  }
0x357: {  	v7 =	vadd.f32 v11, v7;
	v11 =	vld [tilespmem:s16+$0xFFFFFF90];
	[tilespmem:s21+$0xB0] =	vst v6  }
0x358: {  	v6 =	vld [tilespmem:s26+$0xD0]  }
0x359: {  	v4 =	vadd.f32 v4, v5;
	v7 =	vmul.f32 v7, v3;
	v5 =	vld [tilespmem:s16+$0xD0]  }
0x35a: {  	v12 =	vld [tilespmem:s7+$0x7870]  }
0x35b: {  	v4 =	vadd.f32 v10, v4;
	[tilespmem:s21+$0x10] =	vst v7;
	v7 =	vld [tilespmem:s1+$0x7890]  }
0x35c: {  	v10 =	vld [tilespmem:s26+$0x20]  }
0x35d: {  	v13 =	vld [tilespmem:s16+$0x20];
	v9 =	vadd.f32 v11, v9;
	v4 =	vmul.f32 v4, v1  }
0x35e: {  	v5 =	vadd.f32 v5, v6  }
0x35f: {  	v6 =	vld [tilespmem:s28+$0x7870];
	v9 =	vadd.f32 v12, v9;
	[tilespmem:s21+$0xFFFFFF20] =	vst v4  }
0x360: {  	v4 =	vld [tilespmem:s26+$0xFFFFFF10];
	v5 =	vadd.f32 v7, v5  }
0x361: {  	v7 =	vmul.f32 v9, v2;
	v9 =	vld [tilespmem:s16+$0xFFFFFF10]  }
0x362: {  	v10 =	vadd.f32 v13, v10;
	v5 =	vmul.f32 v5, v8  }
0x363: {  	[tilespmem:s21+$0xFFFFFFA0] =	vst v7  }
0x364: {  	v7 =	vld [tilespmem:s15+$0x7880];
	v6 =	vadd.f32 v6, v10;
	[tilespmem:s21+$0xC0] =	vst v5  }
0x365: {  	v5 =	vld [tilespmem:s26+$0xE0]  }
0x366: {  	v6 =	vmul.f32 v6, v3;
	v4 =	vadd.f32 v9, v4;
	v9 =	vld [tilespmem:s16+$0xE0];
	_ =	sdelay $0x1  }
0x367: {  	[tilespmem:s21+$0x20] =	vst v6;
	v6 =	vld [tilespmem:s1+$0x78A0]  }
0x368: {  	s29 =	simm.s32 $0x21B0;
	s25 =	simm.s32 $0xFFFFFFFF;
	s0 =	simm.s32 $0x40;
	v4 =	vadd.f32 v7, v4  }
0x369: {  	s30 =	simm.s32 $0x4EB0;
	s31 =	sand.u32 $0x7, s25;
	v20 =	vld [tilespmem:s29+$0xFFFFFF60];
	s3 =	sand.u32 $0x380, s0  }
0x36a: {  	s12 =	sshll.u32 s31, $0x4;
	v56 =	vld [tilespmem:s30+$0x80];
	s6 =	sor.u32 $0x8C50, s3;
	v4 =	vmul.f32 v4, v1;
	v5 =	vadd.f32 v9, v5  }
0x36b: {  	v58 =	vld [tilespmem:s30+$0xFFFFFEE0];
	s4 =	sadd.s32 s12, s6  }
0x36c: {  	v17 =	vld [tilespmem:s4+$0x0];
	[tilespmem:s21+$0xFFFFFF30] =	vst v4;
	v4 =	vadd.f32 v6, v5  }
0x36d: {  	v10 =	vld [tilespmem:s26+$0xFFFFFFA0]  }
0x36e: {  	v11 =	vld [tilespmem:s16+$0xFFFFFFA0];
	v4 =	vmul.f32 v4, v8  }
0x36f: {  	v9 =	vld [tilespmem:s29+$0x110]  }
0x370: {  	s17 =	simm.s32 $0x4;
	[tilespmem:s21+$0xD0] =	vst v4;
	v4 =	vld [tilespmem:s30+$0x110]  }
0x371: {  	s13 =	sand.u32 $0x4, s17;
	v16 =	vld [tilespmem:s26+$0xF0]  }
0x372: {  	s18 =	sshll.u32 s13, $0x4;
	v18 =	vld [tilespmem:s16+$0xF0]  }
0x373: {  	s9 =	sadd.s32 s18, s6;
	v13 =	vld [tilespmem:s7+$0x7880]  }
0x374: {  	v55 =	vld [tilespmem:s9+$0x0]  }
0x375: {  	v19 =	vld [tilespmem:s1+$0x78B0]  }
0x376: {  	v7 =	vld [tilespmem:s26+$0x30];
	v4 =	vadd.f32 v4, v9;
	v9 =	vadd.f32 v11, v10  }
0x377: {  	v10 =	vld [tilespmem:s30+$0xFFFFFF60];
	v16 =	vadd.f32 v18, v16  }
0x378: {  	s14 =	simm.s32 $0x5;
	v11 =	vld [tilespmem:s29+$0xFFFFFFF0];
	v4 =	vadd.f32 v17, v4;
	v9 =	vadd.f32 v13, v9  }
0x379: {  	s8 =	sand.u32 $0x5, s14;
	v13 =	vld [tilespmem:s30+$0xFFFFFFF0]  }
0x37a: {  	s10 =	simm.s32 $0x6;
	s12 =	sshll.u32 s8, $0x4;
	v17 =	vld [tilespmem:s29+$0x80];
	v16 =	vadd.f32 v19, v16;
	v4 =	vsub.f32 $0.0e+00, v4;
	v9 =	vmul.f32 v9, v2  }
0x37b: {  	s10 =	sand.u32 $0x6, s10;
	s12 =	sadd.s32 s12, s6;
	v12 =	vld [tilespmem:s16+$0x30]  }
0x37c: {  	s19 =	sshll.u32 s10, $0x4;
	v21 =	vld [tilespmem:s12+$0x0];
	v4 =	vmul.f32 $1.442695020e+00, v4;
	[tilespmem:s21+$0xFFFFFFB0] =	vst v9;
	v9 =	vmul.f32 v16, v8  }
0x37d: {  	s25 =	smul.u32 $0xA00, s10;
	s2 =	sadd.s32 s19, s6;
	v14 =	vld [tilespmem:s28+$0x7880];
	v20 =	vadd.f32 v10, v20  }
0x37e: {  	v16 =	vld [tilespmem:s2+$0x0];
	(erf) = vpow2.f32 v4;
	[tilespmem:s21+$0xE0] =	vst v9;
	v9 =	vadd.f32 v13, v11  }
0x37f: {  	s22 =	smul.u32 $0xA00, s31;
	v59 =	vld [tilespmem:s29+$0xFFFFFF70];
	s31 =	sshrl.u32 s25, $0x2;
	v13 =	vadd.f32 v56, v17;
	v17 =	vadd.f32 v55, v20  }
0x380: {  	v60 =	vld [tilespmem:s29+$0x0];
	s5 =	sadd.s32 s3, s31;
	v7 =	vadd.f32 v12, v7  }
0x381: {  	v26 =	vld [tilespmem:s5+$0x7850];
	v17 =	vsub.f32 $0.0e+00, v17  }
0x382: {  	v5 =	vld [tilespmem:s26+$0xFFFFFF20];
	v7 =	vadd.f32 v14, v7;
	v57 =	vadd.f32 v21, v9  }
0x383: {  	v6 =	vld [tilespmem:s16+$0xFFFFFF20];
	v13 =	vadd.f32 v16, v13;
	v17 =	vmul.f32 $1.442695020e+00, v17  }
0x384: {  	v15 =	vld [tilespmem:s15+$0x7890];
	v7 =	vmul.f32 v7, v3;
	v18 =	vsub.f32 $0.0e+00, v57  }
0x385: {  	v12 =	vld [tilespmem:s30+$0xFFFFFF70];
	v13 =	vsub.f32 $0.0e+00, v13  }
0x386: {  	v14 =	vld [tilespmem:s30+$0x0];
	[tilespmem:s21+$0x30] =	vst v7;
	v18 =	vmul.f32 $1.442695020e+00, v18;
	(erf) = vpow2.f32 v17  }
0x387: {  	v23 =	vld [tilespmem:s26+$0x40];
	v13 =	vmul.f32 $1.442695020e+00, v13;
	v17 =	vpop (erf)  }
0x388: {  	v5 =	vadd.f32 v6, v5;
	v24 =	vld [tilespmem:s16+$0x40];
	(erf) = vpow2.f32 v18;
	v17 =	vadd.f32 $1.000000000e+00, v17  }
0x389: {  	(erf) = vpow2.f32 v13;
	v13 =	vld [tilespmem:s29+$0x90]  }
0x38a: {  	v5 =	vadd.f32 v15, v5;
	(erf) = vrcp.f32 v17;
	v17 =	vld [tilespmem:s30+$0x90]  }
0x38b: {  	s20 =	smul.u32 $0xA00, s13;
	v22 =	vld [tilespmem:s16+$0xFFFFFFB0]  }
0x38c: {  	s23 =	sshrl.u32 s22, $0x2;
	v5 =	vmul.f32 v5, v1;
	v4 =	vld [tilespmem:s26+$0xFFFFFFB0]  }
0x38d: {  	v9 =	vld [tilespmem:s1+$0x78C0];
	s1 =	sshrl.u32 s20, $0x2;
	s20 =	sadd.s32 s3, s23  }
0x38e: {  	[tilespmem:s21+$0xFFFFFF40] =	vst v5;
	v6 =	vld [tilespmem:s20+$0x7850]  }
0x38f: {  	v63 =	vld [tilespmem:s26+$0xFFFFFF30];
	v7 =	vpop (erf);
	v13 =	vadd.f32 v17, v13  }
0x390: {  	v15 =	vld [tilespmem:s7+$0x7890];
	v7 =	vadd.f32 $1.000000000e+00, v7  }
0x391: {  	v28 =	vld [tilespmem:s16+$0xFFFFFF30]  }
0x392: {  	v62 =	vld [tilespmem:s28+$0x7890];
	v25 =	vpop (erf)  }
0x393: {  	s24 =	smul.u32 $0xA00, s8;
	v29 =	vld [tilespmem:s15+$0x78A0];
	v4 =	vadd.f32 v22, v4;
	v6 =	vadd.f32 v6, v13;
	v13 =	vpop (erf)  }
0x394: {  	v10 =	vld [tilespmem:s26+$0x100];
	(erf) = vrcp.f32 v7;
	v7 =	vpop (erf)  }
0x395: {  	v11 =	vld [tilespmem:s16+$0x100];
	s18 =	sadd.s32 s3, s1;
	s1 =	sshrl.u32 s24, $0x2;
	v4 =	vadd.f32 v15, v4;
	v5 =	vadd.f32 $1.000000000e+00, v25;
	v6 =	vmul.f32 v7, v6  }
0x396: {  	v16 =	vld [tilespmem:s29+$0xFFFFFEE0];
	s8 =	sadd.s32 s3, s1;
	s1 =	simm.s32 $0xA5D0;
	v15 =	vadd.f32 v24, v23;
	v23 =	vadd.f32 v28, v63  }
0x397: {  	v61 =	vld [tilespmem:s18+$0x7850];
	(erf) = vrcp.f32 v5;
	[tilespmem:s1+$0x80] =	vst v6  }
0x398: {  	v23 =	vadd.f32 v29, v23;
	v5 =	vadd.f32 $1.000000000e+00, v13;
	v13 =	vld [tilespmem:s29+$0xA0]  }
0x399: {  	v4 =	vmul.f32 v4, v2;
	v6 =	vadd.f32 v62, v15;
	v15 =	vld [tilespmem:s30+$0xA0]  }
0x39a: {  	v23 =	vmul.f32 v23, v1;
	v17 =	vld [tilespmem:s8+$0x7850]  }
0x39b: {  	[tilespmem:s21+$0xFFFFFFC0] =	vst v4;
	v4 =	vadd.f32 v58, v16;
	(erf) = vrcp.f32 v5;
	v5 =	vmul.f32 v6, v3;
	v6 =	vld [tilespmem:s20+$0x7860]  }
0x39c: {  	v16 =	vld [tilespmem:s26+$0xFFFFFFC0]  }
0x39d: {  	v12 =	vadd.f32 v12, v59;
	v30 =	vld [tilespmem:s16+$0xFFFFFFC0];
	[tilespmem:s21+$0xFFFFFF50] =	vst v23  }
0x39e: {  	v18 =	vadd.f32 v61, v4;
	v40 =	vld [tilespmem:s26+$0xFFFFFF40];
	v13 =	vadd.f32 v15, v13  }
0x39f: {  	v54 =	vld [tilespmem:s15+$0x78B0];
	v12 =	vadd.f32 v17, v12;
	v4 =	vpop (erf);
	[tilespmem:s21+$0x40] =	vst v5  }
0x3a0: {  	v17 =	vmul.f32 v4, v18;
	v31 =	vld [tilespmem:s26+$0x50];
	v5 =	vpop (erf);
	v6 =	vadd.f32 v6, v13  }
0x3a1: {  	v14 =	vadd.f32 v14, v60;
	v32 =	vld [tilespmem:s16+$0x50];
	v12 =	vmul.f32 v5, v12  }
0x3a2: {  	[tilespmem:s1+$0xFFFFFF00] =	vst v17;
	v17 =	vld [tilespmem:s28+$0x78A0]  }
0x3a3: {  	v14 =	vadd.f32 v26, v14;
	v15 =	vld [tilespmem:s7+$0x78A0];
	[tilespmem:s1+$0xFFFFFF80] =	vst v12;
	v12 =	vmul.f32 v6, v7  }
0x3a4: {  	v33 =	vld [tilespmem:s30+$0xFFFFFEF0];
	v6 =	vpop (erf)  }
0x3a5: {  	v13 =	vld [tilespmem:s29+$0xFFFFFEF0];
	[tilespmem:s1+$0x90] =	vst v12;
	v14 =	vmul.f32 v6, v14  }
0x3a6: {  	v12 =	vld [tilespmem:s29+$0xB0]  }
0x3a7: {  	v16 =	vadd.f32 v30, v16;
	[tilespmem:s1+$0x0] =	vst v14;
	v14 =	vld [tilespmem:s30+$0xB0]  }
0x3a8: {  	v34 =	vld [tilespmem:s29+$0xFFFFFF80]  }
0x3a9: {  	v15 =	vadd.f32 v15, v16;
	v37 =	vld [tilespmem:s20+$0x7870]  }
0x3aa: {  	v35 =	vld [tilespmem:s30+$0xFFFFFF80]  }
0x3ab: {  	v16 =	vld [tilespmem:s18+$0x7860];
	v15 =	vmul.f32 v15, v2  }
0x3ac: {  	v39 =	vld [tilespmem:s8+$0x7860];
	v12 =	vadd.f32 v14, v12  }
0x3ad: {  	[tilespmem:s21+$0xFFFFFFD0] =	vst v15;
	v15 =	vld [tilespmem:s16+$0xFFFFFF40]  }
0x3ae: {  	v13 =	vadd.f32 v33, v13;
	v36 =	vld [tilespmem:s29+$0x10];
	v12 =	vadd.f32 v37, v12  }
0x3af: {  	v18 =	vadd.f32 v32, v31;
	v38 =	vld [tilespmem:s30+$0x10]  }
0x3b0: {  	v41 =	vld [tilespmem:s26+$0xFFFFFFD0];
	v13 =	vadd.f32 v16, v13;
	v12 =	vmul.f32 v12, v7  }
0x3b1: {  	v42 =	vadd.f32 v35, v34;
	v14 =	vadd.f32 v17, v18;
	v17 =	vld [tilespmem:s5+$0x7860]  }
0x3b2: {  	v56 =	vld [tilespmem:s7+$0x78B0];
	v13 =	vmul.f32 v13, v4;
	[tilespmem:s1+$0xA0] =	vst v12  }
0x3b3: {  	v20 =	vadd.f32 v39, v42;
	v12 =	vld [tilespmem:s29+$0xC0]  }
0x3b4: {  	[tilespmem:s1+$0xFFFFFF10] =	vst v13;
	v43 =	vadd.f32 v38, v36;
	v44 =	vld [tilespmem:s30+$0xC0]  }
0x3b5: {  	v20 =	vmul.f32 v20, v5;
	v46 =	vld [tilespmem:s29+$0xFFFFFF00]  }
0x3b6: {  	v17 =	vadd.f32 v17, v43;
	v13 =	vld [tilespmem:s20+$0x7880]  }
0x3b7: {  	[tilespmem:s1+$0xFFFFFF90] =	vst v20;
	v47 =	vld [tilespmem:s30+$0xFFFFFF00]  }
0x3b8: {  	v48 =	vld [tilespmem:s29+$0xFFFFFF90];
	v17 =	vmul.f32 v17, v6  }
0x3b9: {  	v51 =	vld [tilespmem:s8+$0x7870];
	v12 =	vadd.f32 v44, v12  }
0x3ba: {  	[tilespmem:s1+$0x10] =	vst v17;
	v17 =	vld [tilespmem:s30+$0xFFFFFF90]  }
0x3bb: {  	v14 =	vmul.f32 v14, v3;
	v49 =	vld [tilespmem:s29+$0x20];
	v12 =	vadd.f32 v13, v12  }
0x3bc: {  	v50 =	vld [tilespmem:s30+$0x20]  }
0x3bd: {  	[tilespmem:s21+$0x50] =	vst v14;
	v14 =	vld [tilespmem:s16+$0xFFFFFFD0];
	v12 =	vmul.f32 v12, v7  }
0x3be: {  	v52 =	vld [tilespmem:s5+$0x7870]  }
0x3bf: {  	v13 =	vld [tilespmem:s18+$0x7870];
	v17 =	vadd.f32 v17, v48;
	[tilespmem:s1+$0xB0] =	vst v12  }
0x3c0: {  	v12 =	vld [tilespmem:s29+$0xD0]  }
0x3c1: {  	v21 =	vadd.f32 v50, v49;
	v17 =	vadd.f32 v51, v17;
	v53 =	vld [tilespmem:s30+$0xD0]  }
0x3c2: {  	v16 =	vld [tilespmem:s26+$0x60];
	v20 =	vadd.f32 v47, v46  }
0x3c3: {  	v21 =	vadd.f32 v52, v21;
	v17 =	vmul.f32 v17, v5;
	v55 =	vld [tilespmem:s20+$0x7890]  }
0x3c4: {  	v45 =	vld [tilespmem:s16+$0x60];
	v13 =	vadd.f32 v13, v20  }
0x3c5: {  	v57 =	vld [tilespmem:s28+$0x78B0];
	v58 =	vmul.f32 v21, v6;
	[tilespmem:s1+$0xFFFFFFA0] =	vst v17  }
0x3c6: {  	v13 =	vmul.f32 v13, v4;
	v59 =	vld [tilespmem:s29+$0xFFFFFFA0];
	v12 =	vadd.f32 v53, v12  }
0x3c7: {  	[tilespmem:s1+$0x20] =	vst v58;
	v60 =	vld [tilespmem:s30+$0xFFFFFFA0]  }
0x3c8: {  	v61 =	vld [tilespmem:s29+$0x30];
	[tilespmem:s1+$0xFFFFFF20] =	vst v13;
	v12 =	vadd.f32 v55, v12  }
0x3c9: {  	v13 =	vld [tilespmem:s29+$0xFFFFFF10]  }
0x3ca: {  	v17 =	vld [tilespmem:s30+$0xFFFFFF10];
	v12 =	vmul.f32 v12, v7  }
0x3cb: {  	v15 =	vadd.f32 v15, v40;
	v62 =	vld [tilespmem:s30+$0x30]  }
0x3cc: {  	v10 =	vadd.f32 v11, v10;
	v11 =	vld [tilespmem:s18+$0x7880];
	[tilespmem:s1+$0xC0] =	vst v12  }
0x3cd: {  	v12 =	vadd.f32 v14, v41;
	v14 =	vadd.f32 v54, v15;
	v15 =	vld [tilespmem:s29+$0xE0]  }
0x3ce: {  	v9 =	vadd.f32 v9, v10;
	v10 =	vadd.f32 v45, v16;
	v16 =	vld [tilespmem:s30+$0xE0]  }
0x3cf: {  	v13 =	vadd.f32 v17, v13;
	v17 =	vld [tilespmem:s8+$0x7880];
	v12 =	vadd.f32 v56, v12;
	v14 =	vmul.f32 v14, v1  }
0x3d0: {  	v8 =	vmul.f32 v9, v8;
	v9 =	vadd.f32 v57, v10;
	v63 =	vld [tilespmem:s20+$0x78A0]  }
0x3d1: {  	v11 =	vadd.f32 v11, v13;
	[tilespmem:s21+$0xFFFFFF60] =	vst v14;
	v10 =	vmul.f32 v12, v2;
	v12 =	vld [tilespmem:s5+$0x7880]  }
0x3d2: {  	[tilespmem:s21+$0xF0] =	vst v8;
	v9 =	vmul.f32 v9, v3;
	v14 =	vadd.f32 v60, v59;
	v8 =	vld [tilespmem:s26+$0xFFFFFF50]  }
0x3d3: {  	v11 =	vmul.f32 v11, v4;
	[tilespmem:s21+$0xFFFFFFE0] =	vst v10;
	v16 =	vadd.f32 v16, v15;
	v10 =	vld [tilespmem:s16+$0xFFFFFF50]  }
0x3d4: {  	[tilespmem:s21+$0x60] =	vst v9;
	v13 =	vadd.f32 v62, v61;
	v15 =	vadd.f32 v17, v14;
	v9 =	vld [tilespmem:s26+$0xFFFFFFE0]  }
0x3d5: {  	s14 =	simm.s32 $0x4EB0;
	s13 =	simm.s32 $0x21B0;
	s19 =	simm.s32 $0xA5D0;
	[tilespmem:s1+$0xFFFFFF30] =	vst v11;
	v11 =	vld [tilespmem:s16+$0xFFFFFFE0];
	v14 =	vadd.f32 v63, v16  }
.LBB2_9:
0x3d6: {  	v16 =	vld [tilespmem:s29+$0xFFFFFF20];
	v15 =	vmul.f32 v15, v5;
	v12 =	vadd.f32 v12, v13;
	s2 =	smov.u32 s17;
	s17 =	sadd.s32 $0x4, s17  }
0x3d7: {  	v14 =	vmul.f32 v14, v7;
	s3 =	sand.u32 $0x4, s17;
	s4 =	sadd.s32 $0x5, s2;
	p0 =	slt.u32 s17, $0x24;
	v13 =	vld [tilespmem:s30+$0xFFFFFF20]  }
0x3d8: {  	v8 =	vadd.f32 v10, v8;
	s10 =	sadd.s32 $0x6, s2;
	s9 =	smul.u32 $0xA00, s3;
	s4 =	sand.u32 $0x5, s4;
	v17 =	vld [tilespmem:s18+$0x7890];
	[tilespmem:s1+$0xFFFFFFB0] =	vst v15;
	v12 =	vmul.f32 v12, v6  }
0x3d9: {  	s10 =	sand.u32 $0x6, s10;
	s12 =	smul.u32 $0xA00, s4;
	v10 =	vld [tilespmem:s29+$0xFFFFFFB0];
	[tilespmem:s1+$0xD0] =	vst v14  }
0x3da: {  	v9 =	vadd.f32 v11, v9;
	s22 =	smul.u32 $0xA00, s10;
	[tilespmem:s1+$0x30] =	vst v12;
	v12 =	vld [tilespmem:s29+$0xF0]  }
0x3db: {  	s3 =	sshll.u32 s3, $0x4;
	s4 =	sshll.u32 s4, $0x4;
	s10 =	sshll.u32 s10, $0x4;
	v11 =	vld [tilespmem:s30+$0xF0]  }
0x3dc: {  	s9 =	sshrl.u32 s9, $0x2;
	s12 =	sshrl.u32 s12, $0x2;
	s31 =	sshrl.u32 s22, $0x2;
	v13 =	vadd.f32 v13, v16;
	v14 =	vld [tilespmem:s30+$0xFFFFFFB0]  }
0x3dd: {  	s0 =	sadd.s32 $0x40, s0;
	s2 =	sadd.s32 $0xFFFFFFFF, s2;
	s29 =	sadd.s32 $0x240, s29;
	v15 =	vld [tilespmem:s20+$0x78B0]  }
0x3de: {  	s24 =	sand.u32 $0x380, s0;
	s25 =	sand.u32 $0x7, s2;
	s30 =	sadd.s32 $0x240, s30;
	v16 =	vld [tilespmem:s29+$0x110];
	v13 =	vadd.f32 v17, v13  }
0x3df: {  	s2 =	sor.u32 $0x8C50, s24;
	s22 =	sadd.s32 s24, s9;
	s9 =	sshll.u32 s25, $0x4;
	v17 =	vld [tilespmem:s30+$0x110]  }
0x3e0: {  	s6 =	sadd.s32 s3, s2;
	s4 =	sadd.s32 s4, s2;
	s9 =	sadd.s32 s9, s2;
	v18 =	vld [tilespmem:s29+$0xFFFFFF60];
	v13 =	vmul.f32 v13, v4;
	v11 =	vadd.f32 v11, v12  }
0x3e1: {  	s23 =	sadd.s32 s24, s12;
	s2 =	sadd.s32 s10, s2;
	s3 =	sadd.s32 s24, s31;
	v12 =	vld [tilespmem:s9+$0x0];
	v10 =	vadd.f32 v14, v10  }
0x3e2: {  	v14 =	vld [tilespmem:s30+$0xFFFFFF60];
	[tilespmem:s1+$0xFFFFFF40] =	vst v13;
	v11 =	vadd.f32 v15, v11  }
0x3e3: {  	v13 =	vld [tilespmem:s29+$0xFFFFFFF0]  }
0x3e4: {  	v15 =	vld [tilespmem:s30+$0xFFFFFFF0];
	v16 =	vadd.f32 v17, v16;
	v11 =	vmul.f32 v11, v7  }
0x3e5: {  	v17 =	vld [tilespmem:s29+$0x80]  }
0x3e6: {  	v19 =	vld [tilespmem:s30+$0x80];
	v12 =	vadd.f32 v12, v16;
	[tilespmem:s1+$0xE0] =	vst v11  }
0x3e7: {  	v11 =	vadd.f32 v14, v18;
	v14 =	vld [tilespmem:s13+$0x100]  }
0x3e8: {  	v12 =	vsub.f32 $0.0e+00, v12;
	v16 =	vld [tilespmem:s14+$0x100]  }
0x3e9: {  	v18 =	vld [tilespmem:s6+$0x0];
	v13 =	vadd.f32 v15, v13  }
0x3ea: {  	v12 =	vmul.f32 $1.442695020e+00, v12;
	v15 =	vld [tilespmem:s20+$0x78C0]  }
0x3eb: {  	v20 =	vld [tilespmem:s4+$0x0];
	v17 =	vadd.f32 v19, v17  }
0x3ec: {  	v19 =	vld [tilespmem:s2+$0x0];
	(erf) = vpow2.f32 v12  }
0x3ed: {  	v12 =	vld [tilespmem:s29+$0xFFFFFEE0];
	v14 =	vadd.f32 v16, v14  }
0x3ee: {  	v11 =	vadd.f32 v18, v11;
	v16 =	vld [tilespmem:s30+$0xFFFFFEE0]  }
0x3ef: {  	v18 =	vld [tilespmem:s29+$0xFFFFFF70];
	v14 =	vadd.f32 v15, v14  }
0x3f0: {  	v11 =	vsub.f32 $0.0e+00, v11;
	v13 =	vadd.f32 v20, v13;
	v15 =	vld [tilespmem:s30+$0xFFFFFF70]  }
0x3f1: {  	v17 =	vadd.f32 v19, v17;
	v19 =	vld [tilespmem:s29+$0x0];
	v7 =	vmul.f32 v14, v7  }
0x3f2: {  	v11 =	vmul.f32 $1.442695020e+00, v11;
	v13 =	vsub.f32 $0.0e+00, v13;
	v14 =	vld [tilespmem:s30+$0x0]  }
0x3f3: {  	v12 =	vadd.f32 v16, v12;
	v16 =	vld [tilespmem:s22+$0x7850];
	v17 =	vsub.f32 $0.0e+00, v17;
	[tilespmem:s1+$0xF0] =	vst v7  }
0x3f4: {  	v7 =	vmul.f32 $1.442695020e+00, v13;
	v13 =	vld [tilespmem:s23+$0x7850];
	(erf) = vpow2.f32 v11  }
0x3f5: {  	v11 =	vadd.f32 v15, v18;
	v15 =	vmul.f32 $1.442695020e+00, v17;
	v17 =	vld [tilespmem:s3+$0x7850];
	v18 =	vpop (erf)  }
0x3f6: {  	v18 =	vadd.f32 $1.000000000e+00, v18;
	(erf) = vpow2.f32 v7;
	v7 =	vld [tilespmem:s13+$0x40]  }
0x3f7: {  	s2 =	smul.u32 $0xA00, s25;
	v14 =	vadd.f32 v14, v19;
	(erf) = vpow2.f32 v15;
	v15 =	vld [tilespmem:s14+$0x40]  }
0x3f8: {  	v12 =	vadd.f32 v16, v12;
	v16 =	vld [tilespmem:s29+$0x90];
	(erf) = vrcp.f32 v18  }
0x3f9: {  	s2 =	sshrl.u32 s2, $0x2;
	v11 =	vadd.f32 v13, v11;
	v13 =	vld [tilespmem:s30+$0x90]  }
0x3fa: {  	s20 =	sadd.s32 s24, s2;
	v14 =	vadd.f32 v17, v14;
	v17 =	vld [tilespmem:s8+$0x7890]  }
0x3fb: {  	v18 =	vld [tilespmem:s20+$0x7850]  }
0x3fc: {  	v15 =	vadd.f32 v15, v7;
	v19 =	vld [tilespmem:s5+$0x7890]  }
0x3fd: {  	v7 =	vpop (erf);
	v20 =	vld [tilespmem:s13+$0xFFFFFF30]  }
0x3fe: {  	v23 =	vadd.f32 $1.000000000e+00, v7;
	v13 =	vadd.f32 v13, v16;
	v16 =	vld [tilespmem:s14+$0xFFFFFF30]  }
0x3ff: {  	v21 =	vpop (erf);
	v22 =	vld [tilespmem:s18+$0x78A0];
	v10 =	vadd.f32 v17, v10  }
0x400: {  	v17 =	vadd.f32 $1.000000000e+00, v21;
	v13 =	vadd.f32 v18, v13;
	(erf) = vrcp.f32 v23;
	v7 =	vpop (erf);
	v18 =	vld [tilespmem:s26+$0x70];
	s26 =	smov.u32 s13;
	s13 =	smov.u32 s29  }
0x401: {  	v21 =	vadd.f32 $1.000000000e+00, v7;
	v7 =	vpop (erf);
	v10 =	vmul.f32 v10, v5;
	v15 =	vadd.f32 v19, v15;
	v19 =	vld [tilespmem:s16+$0x70];
	s16 =	smov.u32 s14;
	s14 =	smov.u32 s30  }
0x402: {  	v13 =	vmul.f32 v7, v13;
	(erf) = vrcp.f32 v17;
	v17 =	vld [tilespmem:s15+$0x78C0];
	s15 =	smov.u32 s18;
	s18 =	smov.u32 s22  }
0x403: {  	s1 =	sadd.s32 $0x200, s1;
	(erf) = vrcp.f32 v21;
	v16 =	vadd.f32 v16, v20;
	[tilespmem:s19+$0xFFFFFFC0] =	vst v10;
	v10 =	vmul.f32 v15, v6;
	v15 =	vld [tilespmem:s7+$0x78C0];
	s7 =	smov.u32 s8;
	s8 =	smov.u32 s23  }
0x404: {  	[tilespmem:s1+$0x80] =	vst v13;
	v13 =	vld [tilespmem:s26+$0xFFFFFFC0]  }
0x405: {  	v20 =	vld [tilespmem:s29+$0xA0];
	v16 =	vadd.f32 v22, v16;
	[tilespmem:s19+$0x40] =	vst v10  }
0x406: {  	v21 =	vld [tilespmem:s30+$0xA0];
	v10 =	vadd.f32 v19, v18  }
0x407: {  	v16 =	vmul.f32 v16, v4;
	v18 =	vld [tilespmem:s16+$0xFFFFFFC0];
	v8 =	vadd.f32 v17, v8  }
0x408: {  	v17 =	vld [tilespmem:s20+$0x7860];
	v9 =	vadd.f32 v15, v9  }
0x409: {  	[tilespmem:s19+$0xFFFFFF50] =	vst v16;
	v15 =	vld [tilespmem:s26+$0x50];
	v22 =	vmul.f32 v8, v1;
	v1 =	vmov v4;
	v4 =	vpop (erf)  }
0x40a: {  	v12 =	vmul.f32 v4, v12;
	v16 =	vld [tilespmem:s16+$0x50];
	v9 =	vmul.f32 v9, v2;
	v2 =	vmov v5  }
0x40b: {  	v19 =	vadd.f32 v21, v20;
	v5 =	vpop (erf);
	v20 =	vld [tilespmem:s7+$0x78A0];
	[tilespmem:s21+$0xFFFFFF70] =	vst v22  }
0x40c: {  	[tilespmem:s1+$0xFFFFFF00] =	vst v12;
	v11 =	vmul.f32 v5, v11;
	v8 =	vpop (erf);
	v12 =	vadd.f32 v18, v13;
	v13 =	vld [tilespmem:s5+$0x78A0]  }
0x40d: {  	v18 =	vld [tilespmem:s29+$0xFFFFFEF0];
	v14 =	vmul.f32 v8, v14;
	v17 =	vadd.f32 v17, v19;
	[tilespmem:s21+$0xFFFFFFF0] =	vst v9  }
0x40e: {  	v9 =	vld [tilespmem:s30+$0xFFFFFEF0];
	[tilespmem:s1+$0xFFFFFF80] =	vst v11  }
0x40f: {  	v11 =	vld [tilespmem:s29+$0xFFFFFF80];
	[tilespmem:s1+$0x0] =	vst v14;
	v14 =	vmul.f32 v17, v7;
	v15 =	vadd.f32 v16, v15  }
0x410: {  	v16 =	vld [tilespmem:s30+$0xFFFFFF80];
	v12 =	vadd.f32 v20, v12  }
0x411: {  	v17 =	vld [tilespmem:s29+$0x10];
	[tilespmem:s1+$0x90] =	vst v14;
	v13 =	vadd.f32 v13, v15  }
0x412: {  	v14 =	vld [tilespmem:s29+$0xB0];
	v12 =	vmul.f32 v12, v2  }
0x413: {  	v9 =	vadd.f32 v9, v18;
	v15 =	vld [tilespmem:s30+$0xB0];
	v13 =	vmul.f32 v13, v6  }
0x414: {  	v18 =	vld [tilespmem:s30+$0x10];
	[tilespmem:s19+$0xFFFFFFD0] =	vst v12  }
0x415: {  	v11 =	vadd.f32 v16, v11;
	v12 =	vld [tilespmem:s20+$0x7870];
	[tilespmem:s19+$0x50] =	vst v13  }
0x416: {  	v13 =	vld [tilespmem:s18+$0x7860]  }
0x417: {  	v16 =	vld [tilespmem:s8+$0x7860]  }
0x418: {  	v19 =	vld [tilespmem:s3+$0x7860];
	v14 =	vadd.f32 v15, v14  }
0x419: {  	v15 =	vadd.f32 v18, v17;
	v17 =	vld [tilespmem:s26+$0xFFFFFF40]  }
0x41a: {  	v12 =	vadd.f32 v12, v14;
	v14 =	vld [tilespmem:s16+$0xFFFFFF40]  }
0x41b: {  	v9 =	vadd.f32 v13, v9;
	v13 =	vld [tilespmem:s26+$0xFFFFFFD0]  }
0x41c: {  	v11 =	vadd.f32 v16, v11;
	v12 =	vmul.f32 v12, v7;
	v16 =	vld [tilespmem:s16+$0xFFFFFFD0]  }
0x41d: {  	v9 =	vmul.f32 v9, v4;
	v15 =	vadd.f32 v19, v15;
	v18 =	vld [tilespmem:s26+$0x60]  }
0x41e: {  	v11 =	vmul.f32 v11, v5;
	[tilespmem:s1+$0xA0] =	vst v12;
	v12 =	vld [tilespmem:s16+$0x60]  }
0x41f: {  	[tilespmem:s1+$0xFFFFFF10] =	vst v9;
	v9 =	vmul.f32 v15, v8;
	v15 =	vld [tilespmem:s29+$0xC0];
	v14 =	vadd.f32 v14, v17  }
0x420: {  	[tilespmem:s1+$0xFFFFFF90] =	vst v11;
	v11 =	vld [tilespmem:s30+$0xC0]  }
0x421: {  	v17 =	vld [tilespmem:s29+$0xFFFFFF00];
	[tilespmem:s1+$0x10] =	vst v9;
	v9 =	vadd.f32 v16, v13  }
0x422: {  	v13 =	vld [tilespmem:s20+$0x7880]  }
0x423: {  	v16 =	vld [tilespmem:s30+$0xFFFFFF00];
	v12 =	vadd.f32 v12, v18  }
0x424: {  	v18 =	vld [tilespmem:s29+$0xFFFFFF90]  }
0x425: {  	v19 =	vld [tilespmem:s30+$0xFFFFFF90];
	v11 =	vadd.f32 v11, v15  }
0x426: {  	v15 =	vld [tilespmem:s29+$0x20]  }
0x427: {  	v20 =	vld [tilespmem:s30+$0x20];
	v11 =	vadd.f32 v13, v11  }
0x428: {  	v13 =	vadd.f32 v16, v17;
	v16 =	vld [tilespmem:s18+$0x7870]  }
0x429: {  	v17 =	vld [tilespmem:s8+$0x7870];
	v11 =	vmul.f32 v11, v7  }
0x42a: {  	v18 =	vadd.f32 v19, v18;
	v19 =	vld [tilespmem:s3+$0x7870]  }
0x42b: {  	[tilespmem:s1+$0xB0] =	vst v11;
	v11 =	vld [tilespmem:s15+$0x78B0]  }
0x42c: {  	v15 =	vadd.f32 v20, v15;
	v20 =	vld [tilespmem:s29+$0xD0]  }
0x42d: {  	v13 =	vadd.f32 v16, v13;
	v16 =	vld [tilespmem:s30+$0xD0]  }
0x42e: {  	v17 =	vadd.f32 v17, v18;
	v18 =	vld [tilespmem:s7+$0x78B0]  }
0x42f: {  	v13 =	vmul.f32 v13, v4;
	v15 =	vadd.f32 v19, v15;
	v19 =	vld [tilespmem:s20+$0x7890]  }
0x430: {  	v17 =	vmul.f32 v17, v5;
	v11 =	vadd.f32 v11, v14;
	v14 =	vld [tilespmem:s5+$0x78B0]  }
0x431: {  	[tilespmem:s1+$0xFFFFFF20] =	vst v13;
	v13 =	vmul.f32 v15, v8;
	v15 =	vld [tilespmem:s28+$0x78C0];
	s28 =	smov.u32 s5;
	s5 =	smov.u32 s3  }
0x432: {  	v21 =	vld [tilespmem:s29+$0xFFFFFF10];
	[tilespmem:s1+$0xFFFFFFA0] =	vst v17;
	v16 =	vadd.f32 v16, v20;
	v11 =	vmul.f32 v11, v1  }
0x433: {  	v17 =	vld [tilespmem:s30+$0xFFFFFF10];
	[tilespmem:s1+$0x20] =	vst v13;
	v9 =	vadd.f32 v18, v9  }
0x434: {  	v13 =	vld [tilespmem:s29+$0xFFFFFFA0];
	v16 =	vadd.f32 v19, v16;
	[tilespmem:s19+$0xFFFFFF60] =	vst v11  }
0x435: {  	v11 =	vld [tilespmem:s30+$0xFFFFFFA0];
	v9 =	vmul.f32 v9, v2;
	v12 =	vadd.f32 v14, v12  }
0x436: {  	v14 =	vld [tilespmem:s29+$0x30];
	v16 =	vmul.f32 v16, v7;
	v10 =	vadd.f32 v15, v10  }
0x437: {  	v15 =	vld [tilespmem:s30+$0x30];
	[tilespmem:s19+$0xFFFFFFE0] =	vst v9;
	v9 =	vmul.f32 v12, v6  }
0x438: {  	v12 =	vadd.f32 v17, v21;
	v17 =	vld [tilespmem:s18+$0x7880];
	[tilespmem:s1+$0xC0] =	vst v16;
	v10 =	vmul.f32 v10, v3;
	v3 =	vmovc v6;
	v6 =	vmov v8  }
0x439: {  	v16 =	vld [tilespmem:s29+$0xE0];
	[tilespmem:s19+$0x60] =	vst v9  }
0x43a: {  	v9 =	vadd.f32 v11, v13;
	v11 =	vld [tilespmem:s30+$0xE0];
	[tilespmem:s21+$0x70] =	vst v10;
	s21 =	smov.u32 s19;
	s19 =	smov.u32 s1  }
0x43b: {  	v18 =	vld [tilespmem:s8+$0x7880]  }
0x43c: {  	v13 =	vadd.f32 v15, v14;
	v14 =	vld [tilespmem:s20+$0x78A0]  }
.Ltmp9:
0x43d: {  	v10 =	vadd.f32 v17, v12;
	v12 =	vld [tilespmem:s5+$0x7880];
	(pc) =	sbr.rel @p0 .LBB2_9-.Ltmp9, $4  }
0x43e: {  	v8 =	vld [tilespmem:s26+$0xFFFFFF50]  }
0x43f: {  	v17 =	vmul.f32 v10, v4;
	v11 =	vadd.f32 v11, v16;
	v10 =	vld [tilespmem:s16+$0xFFFFFF50]  }
0x440: {  	v15 =	vadd.f32 v18, v9;
	v9 =	vld [tilespmem:s26+$0xFFFFFFE0]  }
0x441: {  	[tilespmem:s1+$0xFFFFFF30] =	vst v17;
	v14 =	vadd.f32 v14, v11;
	v11 =	vld [tilespmem:s16+$0xFFFFFFE0]  }
.Ltmp10:
0x442: {  	_ = 	snop;
	(pc) =	sbr.rel .LBB2_10-.Ltmp10, $1  }
0x443: {  	_ =	sdelay $0x3  }
.LBB2_14:
0x444: {  	_ =	sfence.sel $0x180000  }
0x445: {  	[bflag:$0x0] =	sbarrier.arrive $0xFFFF  }
0x446: {  	_ =	strace $0x90000047  }
0x447: {  	s0 =	stileid.u32;
	[bflag:$0x2] =	sbarrier.arrive $0xFFFF  }
0x448: {  	p0 =	sne.s32 s0, $0x0;
	s0 =	rddreg [dreg:$0x4]  }
0x449: {  	s0 =	sadd.s32 @!p0 $0x100000, s0  }
0x44a: {  	[sflag:s0] =	ssyncadd.tile.s32 @!p0 $0x1;
	_ =	shalt  }
.Lfunc_end2:
_tile_overlayer_lowered:
.L_overlay_start_2:
0x44b: {  	(tag) =	ssettag $0x2  }
0x44c: {  	s0 =	rddreg [dreg:$0x0];
	s2 =	stileid.u32  }
0x44d: {  	s1 =	rddreg [dreg:$0x1];
	p0 =	sne.s32 s2, $0x0  }
0x44e: {  	s3 =	rddreg [dreg:$0x2];
	[bflag:$0x3] =	sbarrier.arrive $0xFFFF;
	s2 =	simm.s32 @!p0 $0x1C06  }
0x44f: {  	[timem:s3], [sflag:s2] =	dma.local @!p0 [hbm:s0], s1  }
0x450: {  	s0 =	simm.s32 @!p0 $0x6  }
0x451: {  	_ =	swait.ge @!p0 [sflag:s0], s1  }
0x452: {  	s1 =	ssub.s32 @!p0 $0x0, s1;
	[sflag:s0] =	ssyncset.done @!p0 $0x0  }
0x453: {  	[sflag:s0] =	ssyncadd.s32 @!p0 s1  }
0x454: {  	[bflag:$0x3] =	sbarrier.arrive $0xFFFF  }
0x455: {  	_ =	shalt  }

</sc_bundles>
